<compile_context>
chip_gen: v7x
topology: tpu7x:2x2x1
jax: 0.10.2.dev20260603
libtpu: 0.0.44.dev20260713+nightly
codegen_flags: <defaults>
</compile_context>

<pallas_src>
import jax
import jax.numpy as jnp
from jax import lax
from jax.experimental import pallas as pl
from jax.experimental.pallas import tpu as pltpu
from jax.experimental.pallas import tpu_sc as plsc

NSC = 2
NSUB = 16
FW = 16



def _zero_rows(buf, nrows, width):
  def row(r, carry):
    for j in range(width // 16):
      buf[r, pl.ds(j * 16, 16)] = jnp.zeros((16,), jnp.float32)
    return carry
  lax.fori_loop(0, nrows, row, 0)


def _sc_mesh():
  return plsc.VectorSubcoreMesh(core_axis_name="c", subcore_axis_name="s",
                                num_cores=NSC, num_subcores=NSUB)


def _make_deg(n, e, chunk=1000):
  epc = e // NSC
  ept = epc // NSUB
  nch = ept // chunk
  assert nch * chunk == ept
  rpt = n // NSUB
  zrows = 625
  assert rpt % zrows == 0

  def body(dst_hbm, deg_hbm, didx, ones_v, zbuf, acc):
    c = lax.axis_index("c")
    s = lax.axis_index("s")
    _zero_rows(zbuf, zrows, FW)
    def orow(r, carry):
      ones_v[r, pl.ds(0, 16)] = jnp.ones((16,), jnp.float32)
      return carry
    lax.fori_loop(0, chunk, orow, 0)
    for j in range(rpt // zrows):
      pltpu.sync_copy(zbuf, acc.at[pl.ds(s * rpt + j * zrows, zrows), :])
    plsc.subcore_barrier()
    base = c * epc + s * ept
    def ck(k, carry):
      pltpu.sync_copy(dst_hbm.at[pl.ds(base + k * chunk, chunk)], didx)
      pltpu.sync_copy(ones_v, acc.at[didx], add=True)
      return carry
    lax.fori_loop(0, nch, ck, 0)
    plsc.subcore_barrier()
    @pl.when(c == 0)
    def _():
      pltpu.sync_copy(acc.at[pl.ds(s * rpt, rpt), :],
                      deg_hbm.at[0, pl.ds(s * rpt, rpt), :])
    @pl.when(c == 1)
    def _():
      pltpu.sync_copy(acc.at[pl.ds(s * rpt, rpt), :],
                      deg_hbm.at[1, pl.ds(s * rpt, rpt), :])

  return pl.kernel(
      body,
      out_type=jax.ShapeDtypeStruct((NSC, n, FW), jnp.float32),
      mesh=_sc_mesh(),
      compiler_params=pltpu.CompilerParams(use_tc_tiling_on_sc=False),
      scratch_types=[
          pltpu.VMEM((chunk,), jnp.int32),
          pltpu.VMEM((chunk, FW), jnp.float32),
          pltpu.VMEM((625, FW), jnp.float32),
          pltpu.VMEM_SHARED((n, FW), jnp.float32),
      ],
  )


def _make_prop(n, e, chunk=1000):
  ept = e // NSUB
  nch = ept // chunk
  assert nch * chunk == ept
  rpt = n // NSUB
  zrows = 625
  assert rpt % zrows == 0

  def body(ylo_hbm, yhi_hbm, src_hbm, dst_hbm, z_hbm,
           sidx, didx, rows, zbuf, acc, sem):
    c = lax.axis_index("c")
    s = lax.axis_index("s")
    _zero_rows(zbuf, zrows, FW)
    for j in range(rpt // zrows):
      pltpu.sync_copy(zbuf, acc.at[pl.ds(s * rpt + j * zrows, zrows), :])
    plsc.subcore_barrier()
    base = s * ept
    def ck(k, carry):
      off = base + k * chunk
      pltpu.sync_copy(src_hbm.at[pl.ds(off, chunk)], sidx)
      pltpu.sync_copy(dst_hbm.at[pl.ds(off, chunk)], didx)
      @pl.when(c == 0)
      def _():
        pltpu.async_copy(ylo_hbm.at[sidx], rows, sem).wait()
      @pl.when(c == 1)
      def _():
        pltpu.async_copy(yhi_hbm.at[sidx], rows, sem).wait()
      pltpu.sync_copy(rows, acc.at[didx], add=True)
      return carry
    lax.fori_loop(0, nch, ck, 0)
    plsc.subcore_barrier()
    @pl.when(c == 0)
    def _():
      pltpu.sync_copy(acc.at[pl.ds(s * rpt, rpt), :],
                      z_hbm.at[0, pl.ds(s * rpt, rpt), :])
    @pl.when(c == 1)
    def _():
      pltpu.sync_copy(acc.at[pl.ds(s * rpt, rpt), :],
                      z_hbm.at[1, pl.ds(s * rpt, rpt), :])

  return pl.kernel(
      body,
      out_type=jax.ShapeDtypeStruct((NSC, n, FW), jnp.float32),
      mesh=_sc_mesh(),
      compiler_params=pltpu.CompilerParams(use_tc_tiling_on_sc=False),
      scratch_types=[
          pltpu.VMEM((chunk,), jnp.int32),
          pltpu.VMEM((chunk,), jnp.int32),
          pltpu.VMEM((chunk, FW), jnp.float32),
          pltpu.VMEM((625, FW), jnp.float32),
          pltpu.VMEM_SHARED((n, FW), jnp.float32),
          pltpu.SemaphoreType.DMA,
      ],
  )



def _make_a1_body(nqo):
  def body(x_ref, dega_ref, degb_ref, w_ref, *outs):
    dinv_ref = outs[-1]
    deg = jnp.sum(dega_ref[0] + degb_ref[0], axis=-1,
                  keepdims=True) * (1.0 / FW) + 1.0
    dinv = lax.rsqrt(deg)
    xw = jnp.dot(x_ref[...], w_ref[...], preferred_element_type=jnp.float32)
    y = xw * dinv
    for q in range(nqo):
      outs[q][...] = y[:, q * FW:(q + 1) * FW]
    dinv_ref[...] = dinv
  return body


def _make_mid_body(nqi, nqo):
  def body(*refs):
    zs = refs[:nqi]
    ys = refs[nqi:2 * nqi]
    dinv_ref, b_ref, w_ref = refs[2 * nqi:2 * nqi + 3]
    outs = refs[2 * nqi + 3:]
    dinv = dinv_ref[...]
    b = b_ref[...]
    w = w_ref[...]
    xw = None
    for q in range(nqi):
      h = dinv * (zs[q][0] + ys[q][...]) + b[:, q * FW:(q + 1) * FW]
      h = jnp.maximum(h, 0.0)
      t = jnp.dot(h, w[q * FW:(q + 1) * FW, :],
                  preferred_element_type=jnp.float32)
      xw = t if xw is None else xw + t
    y = xw * dinv
    for q in range(nqo):
      outs[q][...] = y[:, q * FW:(q + 1) * FW]
  return body


def _make_pool_body(nqi, g):
  def body(*refs):
    zs = refs[:nqi]
    ys = refs[nqi:2 * nqi]
    dinv_ref, b_ref, bt_ref, out_ref, sums, counts = refs[2 * nqi:]
    i = pl.program_id(0)
    @pl.when(i == 0)
    def _():
      sums[...] = jnp.zeros_like(sums)
      counts[...] = jnp.zeros_like(counts)
    dinv = dinv_ref[...]
    b = b_ref[...]
    bt = bt_ref[...]
    gcol = lax.broadcasted_iota(jnp.int32, (bt.shape[0], g), 1)
    m = (bt == gcol).astype(jnp.float32)
    dn = (((0,), (0,)), ((), ()))
    for q in range(nqi):
      h = dinv * (zs[q][0] + ys[q][...]) + b[:, q * FW:(q + 1) * FW]
      sums[:, q * FW:(q + 1) * FW] += lax.dot_general(
          m, h, dn, preferred_element_type=jnp.float32)
    counts[...] += lax.dot_general(
        m, jnp.ones((bt.shape[0], 1), jnp.float32), dn,
        preferred_element_type=jnp.float32)
    @pl.when(i == pl.num_programs(0) - 1)
    def _():
      out_ref[...] = sums[...] / jnp.maximum(counts[...], 1.0)
  return body



def kernel(x, edge_index, batch, W1, b1, W2, b2, W3, b3):
  n, fin = x.shape
  e = edge_index.shape[1]
  h1 = W1.shape[1]
  h2 = W2.shape[1]
  emb = W3.shape[1]
  nq1, nq2, nq3 = h1 // FW, h2 // FW, emb // FW
  g = 64
  blk = 2000
  grid = (n // blk,)

  src, dst = edge_index[0], edge_index[1]
  deg = _make_deg(n, e)(dst)
  prop = _make_prop(n, e)

  zspec = [
      pl.BlockSpec((1, blk, FW), lambda i: (0, i, 0)),
      pl.BlockSpec((1, blk, FW), lambda i: (1, i, 0)),
  ]
  vspec = lambda d: pl.BlockSpec((blk, d), lambda i: (i, 0))
  full = lambda a, bdim: pl.BlockSpec(a, lambda i: (0,) * bdim)
  qshape = [jax.ShapeDtypeStruct((n, FW), jnp.float32)]

  *y1, dinv = pl.pallas_call(
      _make_a1_body(nq1),
      grid=grid,
      in_specs=[vspec(fin)] + zspec + [full((fin, h1), 2)],
      out_specs=[vspec(FW)] * nq1 + [vspec(1)],
      out_shape=qshape * nq1 + [jax.ShapeDtypeStruct((n, 1), jnp.float32)],
  )(x, deg, deg, W1)

  def mid_call(ys, bb, w, nqi, nqo):
    zarrs = []
    for q in range(0, nqi, 2):
      zp = prop(ys[q], ys[q + 1], src, dst)
      zarrs += [zp, zp]
    return pl.pallas_call(
        _make_mid_body(nqi, nqo),
        grid=grid,
        in_specs=(zspec * (nqi // 2) + [vspec(FW)] * nqi
                  + [vspec(1), full((1, nqi * FW), 2),
                     full((nqi * FW, nqo * FW), 2)]),
        out_specs=[vspec(FW)] * nqo,
        out_shape=qshape * nqo,
    )(*zarrs, *ys, dinv, bb.reshape(1, nqi * FW), w)

  y2 = mid_call(list(y1), b1, W2, nq1, nq2)
  y3 = mid_call(list(y2), b2, W3, nq2, nq3)

  z3 = prop(y3[0], y3[1], src, dst)
  out = pl.pallas_call(
      _make_pool_body(nq3, g),
      grid=grid,
      in_specs=(zspec + [vspec(FW)] * nq3
                + [vspec(1), full((1, emb), 2), vspec(1)]),
      out_specs=full((g, emb), 2),
      out_shape=jax.ShapeDtypeStruct((g, emb), jnp.float32),
      scratch_shapes=[
          pltpu.VMEM((g, emb), jnp.float32),
          pltpu.VMEM((g, 1), jnp.float32),
      ],
  )(z3, z3, *y3, dinv, b3.reshape(1, emb),
    batch.reshape(n, 1).astype(jnp.int32))

  return out

# --- scband reference (transcript-rebuilt; emitter-appended) ---
"""Pipeline reference for scband-structure-encoder-70866960384624 (READ-ONLY COPY).

The authoritative reference and input builder live on the scoring server;
editing this copy changes nothing except your own understanding.
"""

import jax, jax.numpy as jnp
import numpy as np

N = 50000
E = 800000
IN = 128
H = 64
EMB = 32
G = 64


def _gcn_conv(x, W, b, src, dst, n):
    # PyG GCNConv: linear transform, add self-loops, symmetric normalization, scatter-add, bias
    xw = x @ W
    loop = jnp.arange(n, dtype=src.dtype)
    s = jnp.concatenate([src, loop])
    d = jnp.concatenate([dst, loop])
    deg = jnp.zeros((n,), x.dtype).at[d].add(1.0)
    dinv = 1.0 / jnp.sqrt(deg)  # deg >= 1 due to self-loops
    norm = dinv[s] * dinv[d]
    msg = xw[s] * norm[:, None]
    out = jnp.zeros((n, W.shape[1]), x.dtype).at[d].add(msg)
    return out + b


def setup_inputs(seed: int = 0) -> dict:
    key = jax.random.key(seed)
    ks = jax.random.split(key, 10)
    x = jax.random.normal(ks[0], (N, IN), dtype=jnp.float32)
    edge_index = jax.random.randint(ks[1], (2, E), 0, N, dtype=jnp.int32)
    batch = jnp.sort(jax.random.randint(ks[2], (N,), 0, G, dtype=jnp.int32))
    W1 = jax.random.normal(ks[3], (IN, H), dtype=jnp.float32) * (1.0 / np.sqrt(IN))
    b1 = jnp.zeros((H,), jnp.float32)
    W2 = jax.random.normal(ks[4], (H, H), dtype=jnp.float32) * (1.0 / np.sqrt(H))
    b2 = jnp.zeros((H,), jnp.float32)
    W3 = jax.random.normal(ks[5], (H, EMB), dtype=jnp.float32) * (1.0 / np.sqrt(H))
    b3 = jnp.zeros((EMB,), jnp.float32)
    return {"x": x, "edge_index": edge_index, "batch": batch,
            "W1": W1, "b1": b1, "W2": W2, "b2": b2, "W3": W3, "b3": b3}


def reference(x, edge_index, batch, W1, b1, W2, b2, W3, b3):
    src, dst = edge_index[0], edge_index[1]
    h = jax.nn.relu(_gcn_conv(x, W1, b1, src, dst, N))
    h = jax.nn.relu(_gcn_conv(h, W2, b2, src, dst, N))
    h = _gcn_conv(h, W3, b3, src, dst, N)
    sums = jax.ops.segment_sum(h, batch, num_segments=G)
    cnt = jax.ops.segment_sum(jnp.ones((N, 1), h.dtype), batch, num_segments=G)
    return sums / jnp.maximum(cnt, 1.0)

if __name__ == "__main__":
    import jax
    _d = setup_inputs()
    print(jax.jit(kernel)(*tuple(_d.values())))

</pallas_src>

<mosaic_0001>
#map = affine_map<(d0, d1) -> (0)>
#map1 = affine_map<(d0, d1) -> (0, 0, 0)>
module attributes {stable_mosaic.version = 14 : i64} {
  func.func @body(%arg0: i32, %arg1: i32, %arg2: memref<800000xi32, #tpu.memory_space<hbm>>, %arg3: memref<2x50000x16xf32, #tpu.memory_space<hbm>>, %arg4: memref<1000xi32, #tpu.memory_space<vmem>>, %arg5: memref<1000x16xf32, #tpu.memory_space<vmem>>, %arg6: memref<625x16xf32, #tpu.memory_space<vmem>>, %arg7: memref<50000x16xf32, #tpu.memory_space<vmem_shared>>) attributes {dimension_semantics = [#tpu.dimension_semantics<core_parallel>, #tpu.dimension_semantics<subcore_parallel>], iteration_bounds = array<i64: 2, 16>, scalar_prefetch = 0 : i64, scratch_operands = 4 : i64, tpu.core_type = #tpu.core_type<sc_vector_subcore>, window_params = [{transform_indices = #map}, {transform_indices = #map1}]} {
    %scan3A = arith.constant 0 : i32
    %scan3A_0 = arith.constant 0 : i32
    %scan3A_1 = arith.constant 625 : i32
    %scan3A_2 = arith.addi %scan3A_0, %scan3A_1 : i32
    %scan3A_3 = arith.constant 1 : i32
    scf.for %scan3A_48 = %scan3A_0 to %scan3A_2 step %scan3A_3  : i32 {
      %broadcast_in_dim3A = arith.constant 0.000000e+00 : f32
      %broadcast_in_dim3A_49 = vector.broadcast %broadcast_in_dim3A : f32 to vector<16xf32>
      %swap3A = arith.index_cast %scan3A_48 : i32 to index
      %swap3A_50 = arith.constant 0 : index
      %swap3A_51 = tpu.vector_load %arg6[%swap3A, %swap3A_50] {strides = array<i32>} : memref<625x16xf32, #tpu.memory_space<vmem>>, vector<1x16xf32>,
      %swap3A_52 = vector.shape_cast %swap3A_51 : vector<1x16xf32> to vector<16xf32>
      %swap3A_53 = vector.shape_cast %broadcast_in_dim3A_49 : vector<16xf32> to vector<1x16xf32>
      tpu.vector_store %arg6[%swap3A, %swap3A_50], %swap3A_53 {strides = array<i32>} : memref<625x16xf32, #tpu.memory_space<vmem>>, vector<1x16xf32>,
    }
    %scan3A_4 = arith.constant 625 : i32
    %scan3A_5 = arith.constant 0 : i32
    %scan3A_6 = arith.constant 0 : i32
    %scan3A_7 = arith.constant 1000 : i32
    %scan3A_8 = arith.addi %scan3A_6, %scan3A_7 : i32
    %scan3A_9 = arith.constant 1 : i32
    scf.for %scan3A_48 = %scan3A_6 to %scan3A_8 step %scan3A_9  : i32 {
      %broadcast_in_dim3A = arith.constant 1.000000e+00 : f32
      %broadcast_in_dim3A_49 = vector.broadcast %broadcast_in_dim3A : f32 to vector<16xf32>
      %swap3A = arith.index_cast %scan3A_48 : i32 to index
      %swap3A_50 = arith.constant 0 : index
      %swap3A_51 = tpu.vector_load %arg5[%swap3A, %swap3A_50] {strides = array<i32>} : memref<1000x16xf32, #tpu.memory_space<vmem>>, vector<1x16xf32>,
      %swap3A_52 = vector.shape_cast %swap3A_51 : vector<1x16xf32> to vector<16xf32>
      %swap3A_53 = vector.shape_cast %broadcast_in_dim3A_49 : vector<16xf32> to vector<1x16xf32>
      tpu.vector_store %arg5[%swap3A, %swap3A_50], %swap3A_53 {strides = array<i32>} : memref<1000x16xf32, #tpu.memory_space<vmem>>, vector<1x16xf32>,
    }
    %scan3A_10 = arith.constant 1000 : i32
    %mul3A = arith.constant 3125 : i32
    %mul3A_11 = arith.muli %arg1, %mul3A : i32
    %add3A = arith.constant 0 : i32
    %add3A_12 = arith.addi %mul3A_11, %add3A : i32
    "tpu.region"() ({
      %run_scoped3A = tpu.sem_alloc : memref<!tpu.dma_semaphore, #tpu.memory_space<semaphore_mem>>
      %dma_start3A = arith.constant 0 : i32
      %dma_start3A_48 = tpu.memref_slice %arg7[%add3A_12, %dma_start3A] : memref<50000x16xf32, #tpu.memory_space<vmem_shared>> -> memref<625x16xf32, #tpu.memory_space<vmem_shared>>
      %dma_start3A_49 = arith.constant 0 : i32
      %dma_start3A_50 = tpu.memref_slice %arg7[%add3A_12, %dma_start3A_49] : memref<50000x16xf32, #tpu.memory_space<vmem_shared>> -> memref<625x16xf32, #tpu.memory_space<vmem_shared>>
      tpu.enqueue_dma source(%arg6 : memref<625x16xf32, #tpu.memory_space<vmem>>) target(%dma_start3A_50 : memref<625x16xf32, #tpu.memory_space<vmem_shared>>) target_semaphore(%run_scoped3A : memref<!tpu.dma_semaphore, #tpu.memory_space<semaphore_mem>>)
      %dma_wait3A = arith.constant 0 : i32
      %dma_wait3A_51 = tpu.memref_slice %arg7[%add3A_12, %dma_wait3A] : memref<50000x16xf32, #tpu.memory_space<vmem_shared>> -> memref<625x16xf32, #tpu.memory_space<vmem_shared>>
      %dma_wait3A_52 = arith.constant 0 : i32
      %dma_wait3A_53 = tpu.memref_slice %arg7[%add3A_12, %dma_wait3A_52] : memref<50000x16xf32, #tpu.memory_space<vmem_shared>> -> memref<625x16xf32, #tpu.memory_space<vmem_shared>>
      tpu.wait_dma2 semaphore(%run_scoped3A : memref<!tpu.dma_semaphore, #tpu.memory_space<semaphore_mem>>) src(%arg6 : memref<625x16xf32, #tpu.memory_space<vmem>>) dst(%dma_wait3A_53 : memref<625x16xf32, #tpu.memory_space<vmem_shared>>)
      tpu.yield
    }) : () -> ()
    %mul3A_13 = arith.constant 3125 : i32
    %mul3A_14 = arith.muli %arg1, %mul3A_13 : i32
    %add3A_15 = arith.constant 625 : i32
    %add3A_16 = arith.addi %mul3A_14, %add3A_15 : i32
    "tpu.region"() ({
      %run_scoped3A = tpu.sem_alloc : memref<!tpu.dma_semaphore, #tpu.memory_space<semaphore_mem>>
      %dma_start3A = arith.constant 0 : i32
      %dma_start3A_48 = tpu.memref_slice %arg7[%add3A_16, %dma_start3A] : memref<50000x16xf32, #tpu.memory_space<vmem_shared>> -> memref<625x16xf32, #tpu.memory_space<vmem_shared>>
      %dma_start3A_49 = arith.constant 0 : i32
      %dma_start3A_50 = tpu.memref_slice %arg7[%add3A_16, %dma_start3A_49] : memref<50000x16xf32, #tpu.memory_space<vmem_shared>> -> memref<625x16xf32, #tpu.memory_space<vmem_shared>>
      tpu.enqueue_dma source(%arg6 : memref<625x16xf32, #tpu.memory_space<vmem>>) target(%dma_start3A_50 : memref<625x16xf32, #tpu.memory_space<vmem_shared>>) target_semaphore(%run_scoped3A : memref<!tpu.dma_semaphore, #tpu.memory_space<semaphore_mem>>)
      %dma_wait3A = arith.constant 0 : i32
      %dma_wait3A_51 = tpu.memref_slice %arg7[%add3A_16, %dma_wait3A] : memref<50000x16xf32, #tpu.memory_space<vmem_shared>> -> memref<625x16xf32, #tpu.memory_space<vmem_shared>>
      %dma_wait3A_52 = arith.constant 0 : i32
      %dma_wait3A_53 = tpu.memref_slice %arg7[%add3A_16, %dma_wait3A_52] : memref<50000x16xf32, #tpu.memory_space<vmem_shared>> -> memref<625x16xf32, #tpu.memory_space<vmem_shared>>
      tpu.wait_dma2 semaphore(%run_scoped3A : memref<!tpu.dma_semaphore, #tpu.memory_space<semaphore_mem>>) src(%arg6 : memref<625x16xf32, #tpu.memory_space<vmem>>) dst(%dma_wait3A_53 : memref<625x16xf32, #tpu.memory_space<vmem_shared>>)
      tpu.yield
    }) : () -> ()
    %mul3A_17 = arith.constant 3125 : i32
    %mul3A_18 = arith.muli %arg1, %mul3A_17 : i32
    %add3A_19 = arith.constant 1250 : i32
    %add3A_20 = arith.addi %mul3A_18, %add3A_19 : i32
    "tpu.region"() ({
      %run_scoped3A = tpu.sem_alloc : memref<!tpu.dma_semaphore, #tpu.memory_space<semaphore_mem>>
      %dma_start3A = arith.constant 0 : i32
      %dma_start3A_48 = tpu.memref_slice %arg7[%add3A_20, %dma_start3A] : memref<50000x16xf32, #tpu.memory_space<vmem_shared>> -> memref<625x16xf32, #tpu.memory_space<vmem_shared>>
      %dma_start3A_49 = arith.constant 0 : i32
      %dma_start3A_50 = tpu.memref_slice %arg7[%add3A_20, %dma_start3A_49] : memref<50000x16xf32, #tpu.memory_space<vmem_shared>> -> memref<625x16xf32, #tpu.memory_space<vmem_shared>>
      tpu.enqueue_dma source(%arg6 : memref<625x16xf32, #tpu.memory_space<vmem>>) target(%dma_start3A_50 : memref<625x16xf32, #tpu.memory_space<vmem_shared>>) target_semaphore(%run_scoped3A : memref<!tpu.dma_semaphore, #tpu.memory_space<semaphore_mem>>)
      %dma_wait3A = arith.constant 0 : i32
      %dma_wait3A_51 = tpu.memref_slice %arg7[%add3A_20, %dma_wait3A] : memref<50000x16xf32, #tpu.memory_space<vmem_shared>> -> memref<625x16xf32, #tpu.memory_space<vmem_shared>>
      %dma_wait3A_52 = arith.constant 0 : i32
      %dma_wait3A_53 = tpu.memref_slice %arg7[%add3A_20, %dma_wait3A_52] : memref<50000x16xf32, #tpu.memory_space<vmem_shared>> -> memref<625x16xf32, #tpu.memory_space<vmem_shared>>
      tpu.wait_dma2 semaphore(%run_scoped3A : memref<!tpu.dma_semaphore, #tpu.memory_space<semaphore_mem>>) src(%arg6 : memref<625x16xf32, #tpu.memory_space<vmem>>) dst(%dma_wait3A_53 : memref<625x16xf32, #tpu.memory_space<vmem_shared>>)
      tpu.yield
    }) : () -> ()
    %mul3A_21 = arith.constant 3125 : i32
    %mul3A_22 = arith.muli %arg1, %mul3A_21 : i32
    %add3A_23 = arith.constant 1875 : i32
    %add3A_24 = arith.addi %mul3A_22, %add3A_23 : i32
    "tpu.region"() ({
      %run_scoped3A = tpu.sem_alloc : memref<!tpu.dma_semaphore, #tpu.memory_space<semaphore_mem>>
      %dma_start3A = arith.constant 0 : i32
      %dma_start3A_48 = tpu.memref_slice %arg7[%add3A_24, %dma_start3A] : memref<50000x16xf32, #tpu.memory_space<vmem_shared>> -> memref<625x16xf32, #tpu.memory_space<vmem_shared>>
      %dma_start3A_49 = arith.constant 0 : i32
      %dma_start3A_50 = tpu.memref_slice %arg7[%add3A_24, %dma_start3A_49] : memref<50000x16xf32, #tpu.memory_space<vmem_shared>> -> memref<625x16xf32, #tpu.memory_space<vmem_shared>>
      tpu.enqueue_dma source(%arg6 : memref<625x16xf32, #tpu.memory_space<vmem>>) target(%dma_start3A_50 : memref<625x16xf32, #tpu.memory_space<vmem_shared>>) target_semaphore(%run_scoped3A : memref<!tpu.dma_semaphore, #tpu.memory_space<semaphore_mem>>)
      %dma_wait3A = arith.constant 0 : i32
      %dma_wait3A_51 = tpu.memref_slice %arg7[%add3A_24, %dma_wait3A] : memref<50000x16xf32, #tpu.memory_space<vmem_shared>> -> memref<625x16xf32, #tpu.memory_space<vmem_shared>>
      %dma_wait3A_52 = arith.constant 0 : i32
      %dma_wait3A_53 = tpu.memref_slice %arg7[%add3A_24, %dma_wait3A_52] : memref<50000x16xf32, #tpu.memory_space<vmem_shared>> -> memref<625x16xf32, #tpu.memory_space<vmem_shared>>
      tpu.wait_dma2 semaphore(%run_scoped3A : memref<!tpu.dma_semaphore, #tpu.memory_space<semaphore_mem>>) src(%arg6 : memref<625x16xf32, #tpu.memory_space<vmem>>) dst(%dma_wait3A_53 : memref<625x16xf32, #tpu.memory_space<vmem_shared>>)
      tpu.yield
    }) : () -> ()
    %mul3A_25 = arith.constant 3125 : i32
    %mul3A_26 = arith.muli %arg1, %mul3A_25 : i32
    %add3A_27 = arith.constant 2500 : i32
    %add3A_28 = arith.addi %mul3A_26, %add3A_27 : i32
    "tpu.region"() ({
      %run_scoped3A = tpu.sem_alloc : memref<!tpu.dma_semaphore, #tpu.memory_space<semaphore_mem>>
      %dma_start3A = arith.constant 0 : i32
      %dma_start3A_48 = tpu.memref_slice %arg7[%add3A_28, %dma_start3A] : memref<50000x16xf32, #tpu.memory_space<vmem_shared>> -> memref<625x16xf32, #tpu.memory_space<vmem_shared>>
      %dma_start3A_49 = arith.constant 0 : i32
      %dma_start3A_50 = tpu.memref_slice %arg7[%add3A_28, %dma_start3A_49] : memref<50000x16xf32, #tpu.memory_space<vmem_shared>> -> memref<625x16xf32, #tpu.memory_space<vmem_shared>>
      tpu.enqueue_dma source(%arg6 : memref<625x16xf32, #tpu.memory_space<vmem>>) target(%dma_start3A_50 : memref<625x16xf32, #tpu.memory_space<vmem_shared>>) target_semaphore(%run_scoped3A : memref<!tpu.dma_semaphore, #tpu.memory_space<semaphore_mem>>)
      %dma_wait3A = arith.constant 0 : i32
      %dma_wait3A_51 = tpu.memref_slice %arg7[%add3A_28, %dma_wait3A] : memref<50000x16xf32, #tpu.memory_space<vmem_shared>> -> memref<625x16xf32, #tpu.memory_space<vmem_shared>>
      %dma_wait3A_52 = arith.constant 0 : i32
      %dma_wait3A_53 = tpu.memref_slice %arg7[%add3A_28, %dma_wait3A_52] : memref<50000x16xf32, #tpu.memory_space<vmem_shared>> -> memref<625x16xf32, #tpu.memory_space<vmem_shared>>
      tpu.wait_dma2 semaphore(%run_scoped3A : memref<!tpu.dma_semaphore, #tpu.memory_space<semaphore_mem>>) src(%arg6 : memref<625x16xf32, #tpu.memory_space<vmem>>) dst(%dma_wait3A_53 : memref<625x16xf32, #tpu.memory_space<vmem_shared>>)
      tpu.yield
    }) : () -> ()
    %barrier3A = arith.constant 0 : index
    tpu.barrier barrier_id(%barrier3A)
    %mul3A_29 = arith.constant 400000 : i32
    %mul3A_30 = arith.muli %arg0, %mul3A_29 : i32
    %mul3A_31 = arith.constant 25000 : i32
    %mul3A_32 = arith.muli %arg1, %mul3A_31 : i32
    %add3A_33 = arith.addi %mul3A_30, %mul3A_32 : i32
    %scan3A_34 = arith.constant 0 : i32
    %scan3A_35 = arith.constant 0 : i32
    %scan3A_36 = arith.constant 25 : i32
    %scan3A_37 = arith.addi %scan3A_35, %scan3A_36 : i32
    %scan3A_38 = arith.constant 1 : i32
    scf.for %scan3A_48 = %scan3A_35 to %scan3A_37 step %scan3A_38  : i32 {
      %mul3A_49 = arith.constant 1000 : i32
      %mul3A_50 = arith.muli %scan3A_48, %mul3A_49 : i32
      %add3A_51 = arith.addi %add3A_33, %mul3A_50 : i32
      "tpu.region"() ({
        %run_scoped3A = tpu.sem_alloc : memref<!tpu.dma_semaphore, #tpu.memory_space<semaphore_mem>>
        %dma_start3A = tpu.memref_slice %arg2[%add3A_51] : memref<800000xi32, #tpu.memory_space<hbm>> -> memref<1000xi32, #tpu.memory_space<hbm>>
        %dma_start3A_52 = tpu.memref_slice %arg2[%add3A_51] : memref<800000xi32, #tpu.memory_space<hbm>> -> memref<1000xi32, #tpu.memory_space<hbm>>
        tpu.enqueue_dma source(%dma_start3A_52 : memref<1000xi32, #tpu.memory_space<hbm>>) target(%arg4 : memref<1000xi32, #tpu.memory_space<vmem>>) target_semaphore(%run_scoped3A : memref<!tpu.dma_semaphore, #tpu.memory_space<semaphore_mem>>)
        %dma_wait3A = tpu.memref_slice %arg2[%add3A_51] : memref<800000xi32, #tpu.memory_space<hbm>> -> memref<1000xi32, #tpu.memory_space<hbm>>
        %dma_wait3A_53 = tpu.memref_slice %arg2[%add3A_51] : memref<800000xi32, #tpu.memory_space<hbm>> -> memref<1000xi32, #tpu.memory_space<hbm>>
        tpu.wait_dma2 semaphore(%run_scoped3A : memref<!tpu.dma_semaphore, #tpu.memory_space<semaphore_mem>>) src(%dma_wait3A_53 : memref<1000xi32, #tpu.memory_space<hbm>>) dst(%arg4 : memref<1000xi32, #tpu.memory_space<vmem>>)
        tpu.yield
      }) : () -> ()
      "tpu.region"() ({
        %run_scoped3A = tpu.sem_alloc : memref<!tpu.dma_semaphore, #tpu.memory_space<semaphore_mem>>
        %dma_start3A = arith.constant 0 : i32
        %dma_start3A_52 = arith.constant 0 : i32
        %dma_start3A_53 = tpu.memref_slice %arg7[%dma_start3A, %dma_start3A_52] : memref<50000x16xf32, #tpu.memory_space<vmem_shared>> -> memref<50000x16xf32, #tpu.memory_space<vmem_shared>>
        tpu.enqueue_indirect_dma source(%arg5 : memref<1000x16xf32, #tpu.memory_space<vmem>>) target(%dma_start3A_53 : memref<50000x16xf32, #tpu.memory_space<vmem_shared>>) offsets(%arg4 : memref<1000xi32, #tpu.memory_space<vmem>>) semaphore(%run_scoped3A : memref<!tpu.dma_semaphore, #tpu.memory_space<semaphore_mem>>) {add = true}
        %dma_wait3A = arith.constant 0 : i32
        %dma_wait3A_54 = arith.constant 0 : i32
        %dma_wait3A_55 = tpu.memref_slice %arg7[%dma_wait3A, %dma_wait3A_54] : memref<50000x16xf32, #tpu.memory_space<vmem_shared>> -> memref<50000x16xf32, #tpu.memory_space<vmem_shared>>
        tpu.wait_indirect_dma semaphore(%run_scoped3A : memref<!tpu.dma_semaphore, #tpu.memory_space<semaphore_mem>>) src(%arg5 : memref<1000x16xf32, #tpu.memory_space<vmem>>) dst(%dma_wait3A_55 : memref<50000x16xf32, #tpu.memory_space<vmem_shared>>)
        tpu.yield
      }) : () -> ()
    }
    %scan3A_39 = arith.constant 25 : i32
    %barrier3A_40 = arith.constant 0 : index
    tpu.barrier barrier_id(%barrier3A_40)
    %eq3A = arith.constant 0 : i32
    %eq3A_41 = arith.cmpi eq, %arg0, %eq3A : i32
    %convert_element_type3A = arith.extui %eq3A_41 : i1 to i32
    %cond3A = arith.constant 0 : i32
    %cond3A_42 = arith.cmpi ne, %convert_element_type3A, %cond3A : i32
    scf.if %cond3A_42 {
      %mul3A_48 = arith.constant 3125 : i32
      %mul3A_49 = arith.muli %arg1, %mul3A_48 : i32
      %mul3A_50 = arith.constant 3125 : i32
      %mul3A_51 = arith.muli %arg1, %mul3A_50 : i32
      %run_scoped3A = arith.constant 0 : i32
      "tpu.region"() ({
        %run_scoped3A_52 = tpu.sem_alloc : memref<!tpu.dma_semaphore, #tpu.memory_space<semaphore_mem>>
        %dma_start3A = arith.constant 0 : i32
        %dma_start3A_53 = tpu.memref_slice %arg3[%run_scoped3A, %mul3A_51, %dma_start3A] : memref<2x50000x16xf32, #tpu.memory_space<hbm>> -> memref<1x3125x16xf32, #tpu.memory_space<hbm>>
        %dma_start3A_54 = tpu.memref_squeeze %dma_start3A_53 : memref<1x3125x16xf32, #tpu.memory_space<hbm>> -> memref<3125x16xf32, #tpu.memory_space<hbm>>
        %dma_start3A_55 = arith.constant 0 : i32
        %dma_start3A_56 = tpu.memref_slice %arg7[%mul3A_49, %dma_start3A_55] : memref<50000x16xf32, #tpu.memory_space<vmem_shared>> -> memref<3125x16xf32, #tpu.memory_space<vmem_shared>>
        tpu.enqueue_dma source(%dma_start3A_56 : memref<3125x16xf32, #tpu.memory_space<vmem_shared>>) target(%dma_start3A_54 : memref<3125x16xf32, #tpu.memory_space<hbm>>) target_semaphore(%run_scoped3A_52 : memref<!tpu.dma_semaphore, #tpu.memory_space<semaphore_mem>>)
        %dma_wait3A = arith.constant 0 : i32
        %dma_wait3A_57 = tpu.memref_slice %arg3[%run_scoped3A, %mul3A_51, %dma_wait3A] : memref<2x50000x16xf32, #tpu.memory_space<hbm>> -> memref<1x3125x16xf32, #tpu.memory_space<hbm>>
        %dma_wait3A_58 = tpu.memref_squeeze %dma_wait3A_57 : memref<1x3125x16xf32, #tpu.memory_space<hbm>> -> memref<3125x16xf32, #tpu.memory_space<hbm>>
        %dma_wait3A_59 = arith.constant 0 : i32
        %dma_wait3A_60 = tpu.memref_slice %arg7[%mul3A_49, %dma_wait3A_59] : memref<50000x16xf32, #tpu.memory_space<vmem_shared>> -> memref<3125x16xf32, #tpu.memory_space<vmem_shared>>
        tpu.wait_dma2 semaphore(%run_scoped3A_52 : memref<!tpu.dma_semaphore, #tpu.memory_space<semaphore_mem>>) src(%dma_wait3A_60 : memref<3125x16xf32, #tpu.memory_space<vmem_shared>>) dst(%dma_wait3A_58 : memref<3125x16xf32, #tpu.memory_space<hbm>>)
        tpu.yield
      }) : () -> ()
    } else {
    }
    %eq3A_43 = arith.constant 1 : i32
    %eq3A_44 = arith.cmpi eq, %arg0, %eq3A_43 : i32
    %convert_element_type3A_45 = arith.extui %eq3A_44 : i1 to i32
    %cond3A_46 = arith.constant 0 : i32
    %cond3A_47 = arith.cmpi ne, %convert_element_type3A_45, %cond3A_46 : i32
    scf.if %cond3A_47 {
      %mul3A_48 = arith.constant 3125 : i32
      %mul3A_49 = arith.muli %arg1, %mul3A_48 : i32
      %mul3A_50 = arith.constant 3125 : i32
      %mul3A_51 = arith.muli %arg1, %mul3A_50 : i32
      %run_scoped3A = arith.constant 1 : i32
      "tpu.region"() ({
        %run_scoped3A_52 = tpu.sem_alloc : memref<!tpu.dma_semaphore, #tpu.memory_space<semaphore_mem>>
        %dma_start3A = arith.constant 0 : i32
        %dma_start3A_53 = tpu.memref_slice %arg3[%run_scoped3A, %mul3A_51, %dma_start3A] : memref<2x50000x16xf32, #tpu.memory_space<hbm>> -> memref<1x3125x16xf32, #tpu.memory_space<hbm>>
        %dma_start3A_54 = tpu.memref_squeeze %dma_start3A_53 : memref<1x3125x16xf32, #tpu.memory_space<hbm>> -> memref<3125x16xf32, #tpu.memory_space<hbm>>
        %dma_start3A_55 = arith.constant 0 : i32
        %dma_start3A_56 = tpu.memref_slice %arg7[%mul3A_49, %dma_start3A_55] : memref<50000x16xf32, #tpu.memory_space<vmem_shared>> -> memref<3125x16xf32, #tpu.memory_space<vmem_shared>>
        tpu.enqueue_dma source(%dma_start3A_56 : memref<3125x16xf32, #tpu.memory_space<vmem_shared>>) target(%dma_start3A_54 : memref<3125x16xf32, #tpu.memory_space<hbm>>) target_semaphore(%run_scoped3A_52 : memref<!tpu.dma_semaphore, #tpu.memory_space<semaphore_mem>>)
        %dma_wait3A = arith.constant 0 : i32
        %dma_wait3A_57 = tpu.memref_slice %arg3[%run_scoped3A, %mul3A_51, %dma_wait3A] : memref<2x50000x16xf32, #tpu.memory_space<hbm>> -> memref<1x3125x16xf32, #tpu.memory_space<hbm>>
        %dma_wait3A_58 = tpu.memref_squeeze %dma_wait3A_57 : memref<1x3125x16xf32, #tpu.memory_space<hbm>> -> memref<3125x16xf32, #tpu.memory_space<hbm>>
        %dma_wait3A_59 = arith.constant 0 : i32
        %dma_wait3A_60 = tpu.memref_slice %arg7[%mul3A_49, %dma_wait3A_59] : memref<50000x16xf32, #tpu.memory_space<vmem_shared>> -> memref<3125x16xf32, #tpu.memory_space<vmem_shared>>
        tpu.wait_dma2 semaphore(%run_scoped3A_52 : memref<!tpu.dma_semaphore, #tpu.memory_space<semaphore_mem>>) src(%dma_wait3A_60 : memref<3125x16xf32, #tpu.memory_space<vmem_shared>>) dst(%dma_wait3A_58 : memref<3125x16xf32, #tpu.memory_space<hbm>>)
        tpu.yield
      }) : () -> ()
    } else {
    }
    return
  }
}

#map = affine_map<(d0, d1) -> (0, 0)>
#map1 = affine_map<(d0, d1) -> (0)>
#map2 = affine_map<(d0, d1) -> (0, 0, 0)>
module attributes {stable_mosaic.version = 14 : i64} {
  func.func @body(%arg0: i32, %arg1: i32, %arg2: memref<50000x16xf32, #tpu.memory_space<hbm>>, %arg3: memref<50000x16xf32, #tpu.memory_space<hbm>>, %arg4: memref<800000xi32, #tpu.memory_space<hbm>>, %arg5: memref<800000xi32, #tpu.memory_space<hbm>>, %arg6: memref<2x50000x16xf32, #tpu.memory_space<hbm>>, %arg7: memref<1000xi32, #tpu.memory_space<vmem>>, %arg8: memref<1000xi32, #tpu.memory_space<vmem>>, %arg9: memref<1000x16xf32, #tpu.memory_space<vmem>>, %arg10: memref<625x16xf32, #tpu.memory_space<vmem>>, %arg11: memref<50000x16xf32, #tpu.memory_space<vmem_shared>>, %arg12: memref<!tpu.dma_semaphore, #tpu.memory_space<semaphore_mem>>) attributes {dimension_semantics = [#tpu.dimension_semantics<core_parallel>, #tpu.dimension_semantics<subcore_parallel>], iteration_bounds = array<i64: 2, 16>, scalar_prefetch = 0 : i64, scratch_operands = 6 : i64, tpu.core_type = #tpu.core_type<sc_vector_subcore>, window_params = [{transform_indices = #map}, {transform_indices = #map}, {transform_indices = #map1}, {transform_indices = #map1}, {transform_indices = #map2}]} {
    %scan3A = arith.constant 0 : i32
    %scan3A_0 = arith.constant 0 : i32
    %scan3A_1 = arith.constant 625 : i32
    %scan3A_2 = arith.addi %scan3A_0, %scan3A_1 : i32
    %scan3A_3 = arith.constant 1 : i32
    scf.for %scan3A_39 = %scan3A_0 to %scan3A_2 step %scan3A_3  : i32 {
      %broadcast_in_dim3A = arith.constant 0.000000e+00 : f32
      %broadcast_in_dim3A_40 = vector.broadcast %broadcast_in_dim3A : f32 to vector<16xf32>
      %swap3A = arith.index_cast %scan3A_39 : i32 to index
      %swap3A_41 = arith.constant 0 : index
      %swap3A_42 = tpu.vector_load %arg10[%swap3A, %swap3A_41] {strides = array<i32>} : memref<625x16xf32, #tpu.memory_space<vmem>>, vector<1x16xf32>,
      %swap3A_43 = vector.shape_cast %swap3A_42 : vector<1x16xf32> to vector<16xf32>
      %swap3A_44 = vector.shape_cast %broadcast_in_dim3A_40 : vector<16xf32> to vector<1x16xf32>
      tpu.vector_store %arg10[%swap3A, %swap3A_41], %swap3A_44 {strides = array<i32>} : memref<625x16xf32, #tpu.memory_space<vmem>>, vector<1x16xf32>,
    }
    %scan3A_4 = arith.constant 625 : i32
    %mul3A = arith.constant 3125 : i32
    %mul3A_5 = arith.muli %arg1, %mul3A : i32
    %add3A = arith.constant 0 : i32
    %add3A_6 = arith.addi %mul3A_5, %add3A : i32
    "tpu.region"() ({
      %run_scoped3A = tpu.sem_alloc : memref<!tpu.dma_semaphore, #tpu.memory_space<semaphore_mem>>
      %dma_start3A = arith.constant 0 : i32
      %dma_start3A_39 = tpu.memref_slice %arg11[%add3A_6, %dma_start3A] : memref<50000x16xf32, #tpu.memory_space<vmem_shared>> -> memref<625x16xf32, #tpu.memory_space<vmem_shared>>
      %dma_start3A_40 = arith.constant 0 : i32
      %dma_start3A_41 = tpu.memref_slice %arg11[%add3A_6, %dma_start3A_40] : memref<50000x16xf32, #tpu.memory_space<vmem_shared>> -> memref<625x16xf32, #tpu.memory_space<vmem_shared>>
      tpu.enqueue_dma source(%arg10 : memref<625x16xf32, #tpu.memory_space<vmem>>) target(%dma_start3A_41 : memref<625x16xf32, #tpu.memory_space<vmem_shared>>) target_semaphore(%run_scoped3A : memref<!tpu.dma_semaphore, #tpu.memory_space<semaphore_mem>>)
      %dma_wait3A = arith.constant 0 : i32
      %dma_wait3A_42 = tpu.memref_slice %arg11[%add3A_6, %dma_wait3A] : memref<50000x16xf32, #tpu.memory_space<vmem_shared>> -> memref<625x16xf32, #tpu.memory_space<vmem_shared>>
      %dma_wait3A_43 = arith.constant 0 : i32
      %dma_wait3A_44 = tpu.memref_slice %arg11[%add3A_6, %dma_wait3A_43] : memref<50000x16xf32, #tpu.memory_space<vmem_shared>> -> memref<625x16xf32, #tpu.memory_space<vmem_shared>>
      tpu.wait_dma2 semaphore(%run_scoped3A : memref<!tpu.dma_semaphore, #tpu.memory_space<semaphore_mem>>) src(%arg10 : memref<625x16xf32, #tpu.memory_space<vmem>>) dst(%dma_wait3A_44 : memref<625x16xf32, #tpu.memory_space<vmem_shared>>)
      tpu.yield
    }) : () -> ()
    %mul3A_7 = arith.constant 3125 : i32
    %mul3A_8 = arith.muli %arg1, %mul3A_7 : i32
    %add3A_9 = arith.constant 625 : i32
    %add3A_10 = arith.addi %mul3A_8, %add3A_9 : i32
    "tpu.region"() ({
      %run_scoped3A = tpu.sem_alloc : memref<!tpu.dma_semaphore, #tpu.memory_space<semaphore_mem>>
      %dma_start3A = arith.constant 0 : i32
      %dma_start3A_39 = tpu.memref_slice %arg11[%add3A_10, %dma_start3A] : memref<50000x16xf32, #tpu.memory_space<vmem_shared>> -> memref<625x16xf32, #tpu.memory_space<vmem_shared>>
      %dma_start3A_40 = arith.constant 0 : i32
      %dma_start3A_41 = tpu.memref_slice %arg11[%add3A_10, %dma_start3A_40] : memref<50000x16xf32, #tpu.memory_space<vmem_shared>> -> memref<625x16xf32, #tpu.memory_space<vmem_shared>>
      tpu.enqueue_dma source(%arg10 : memref<625x16xf32, #tpu.memory_space<vmem>>) target(%dma_start3A_41 : memref<625x16xf32, #tpu.memory_space<vmem_shared>>) target_semaphore(%run_scoped3A : memref<!tpu.dma_semaphore, #tpu.memory_space<semaphore_mem>>)
      %dma_wait3A = arith.constant 0 : i32
      %dma_wait3A_42 = tpu.memref_slice %arg11[%add3A_10, %dma_wait3A] : memref<50000x16xf32, #tpu.memory_space<vmem_shared>> -> memref<625x16xf32, #tpu.memory_space<vmem_shared>>
      %dma_wait3A_43 = arith.constant 0 : i32
      %dma_wait3A_44 = tpu.memref_slice %arg11[%add3A_10, %dma_wait3A_43] : memref<50000x16xf32, #tpu.memory_space<vmem_shared>> -> memref<625x16xf32, #tpu.memory_space<vmem_shared>>
      tpu.wait_dma2 semaphore(%run_scoped3A : memref<!tpu.dma_semaphore, #tpu.memory_space<semaphore_mem>>) src(%arg10 : memref<625x16xf32, #tpu.memory_space<vmem>>) dst(%dma_wait3A_44 : memref<625x16xf32, #tpu.memory_space<vmem_shared>>)
      tpu.yield
    }) : () -> ()
    %mul3A_11 = arith.constant 3125 : i32
    %mul3A_12 = arith.muli %arg1, %mul3A_11 : i32
    %add3A_13 = arith.constant 1250 : i32
    %add3A_14 = arith.addi %mul3A_12, %add3A_13 : i32
    "tpu.region"() ({
      %run_scoped3A = tpu.sem_alloc : memref<!tpu.dma_semaphore, #tpu.memory_space<semaphore_mem>>
      %dma_start3A = arith.constant 0 : i32
      %dma_start3A_39 = tpu.memref_slice %arg11[%add3A_14, %dma_start3A] : memref<50000x16xf32, #tpu.memory_space<vmem_shared>> -> memref<625x16xf32, #tpu.memory_space<vmem_shared>>
      %dma_start3A_40 = arith.constant 0 : i32
      %dma_start3A_41 = tpu.memref_slice %arg11[%add3A_14, %dma_start3A_40] : memref<50000x16xf32, #tpu.memory_space<vmem_shared>> -> memref<625x16xf32, #tpu.memory_space<vmem_shared>>
      tpu.enqueue_dma source(%arg10 : memref<625x16xf32, #tpu.memory_space<vmem>>) target(%dma_start3A_41 : memref<625x16xf32, #tpu.memory_space<vmem_shared>>) target_semaphore(%run_scoped3A : memref<!tpu.dma_semaphore, #tpu.memory_space<semaphore_mem>>)
      %dma_wait3A = arith.constant 0 : i32
      %dma_wait3A_42 = tpu.memref_slice %arg11[%add3A_14, %dma_wait3A] : memref<50000x16xf32, #tpu.memory_space<vmem_shared>> -> memref<625x16xf32, #tpu.memory_space<vmem_shared>>
      %dma_wait3A_43 = arith.constant 0 : i32
      %dma_wait3A_44 = tpu.memref_slice %arg11[%add3A_14, %dma_wait3A_43] : memref<50000x16xf32, #tpu.memory_space<vmem_shared>> -> memref<625x16xf32, #tpu.memory_space<vmem_shared>>
      tpu.wait_dma2 semaphore(%run_scoped3A : memref<!tpu.dma_semaphore, #tpu.memory_space<semaphore_mem>>) src(%arg10 : memref<625x16xf32, #tpu.memory_space<vmem>>) dst(%dma_wait3A_44 : memref<625x16xf32, #tpu.memory_space<vmem_shared>>)
      tpu.yield
    }) : () -> ()
    %mul3A_15 = arith.constant 3125 : i32
    %mul3A_16 = arith.muli %arg1, %mul3A_15 : i32
    %add3A_17 = arith.constant 1875 : i32
    %add3A_18 = arith.addi %mul3A_16, %add3A_17 : i32
    "tpu.region"() ({
      %run_scoped3A = tpu.sem_alloc : memref<!tpu.dma_semaphore, #tpu.memory_space<semaphore_mem>>
      %dma_start3A = arith.constant 0 : i32
      %dma_start3A_39 = tpu.memref_slice %arg11[%add3A_18, %dma_start3A] : memref<50000x16xf32, #tpu.memory_space<vmem_shared>> -> memref<625x16xf32, #tpu.memory_space<vmem_shared>>
      %dma_start3A_40 = arith.constant 0 : i32
      %dma_start3A_41 = tpu.memref_slice %arg11[%add3A_18, %dma_start3A_40] : memref<50000x16xf32, #tpu.memory_space<vmem_shared>> -> memref<625x16xf32, #tpu.memory_space<vmem_shared>>
      tpu.enqueue_dma source(%arg10 : memref<625x16xf32, #tpu.memory_space<vmem>>) target(%dma_start3A_41 : memref<625x16xf32, #tpu.memory_space<vmem_shared>>) target_semaphore(%run_scoped3A : memref<!tpu.dma_semaphore, #tpu.memory_space<semaphore_mem>>)
      %dma_wait3A = arith.constant 0 : i32
      %dma_wait3A_42 = tpu.memref_slice %arg11[%add3A_18, %dma_wait3A] : memref<50000x16xf32, #tpu.memory_space<vmem_shared>> -> memref<625x16xf32, #tpu.memory_space<vmem_shared>>
      %dma_wait3A_43 = arith.constant 0 : i32
      %dma_wait3A_44 = tpu.memref_slice %arg11[%add3A_18, %dma_wait3A_43] : memref<50000x16xf32, #tpu.memory_space<vmem_shared>> -> memref<625x16xf32, #tpu.memory_space<vmem_shared>>
      tpu.wait_dma2 semaphore(%run_scoped3A : memref<!tpu.dma_semaphore, #tpu.memory_space<semaphore_mem>>) src(%arg10 : memref<625x16xf32, #tpu.memory_space<vmem>>) dst(%dma_wait3A_44 : memref<625x16xf32, #tpu.memory_space<vmem_shared>>)
      tpu.yield
    }) : () -> ()
    %mul3A_19 = arith.constant 3125 : i32
    %mul3A_20 = arith.muli %arg1, %mul3A_19 : i32
    %add3A_21 = arith.constant 2500 : i32
    %add3A_22 = arith.addi %mul3A_20, %add3A_21 : i32
    "tpu.region"() ({
      %run_scoped3A = tpu.sem_alloc : memref<!tpu.dma_semaphore, #tpu.memory_space<semaphore_mem>>
      %dma_start3A = arith.constant 0 : i32
      %dma_start3A_39 = tpu.memref_slice %arg11[%add3A_22, %dma_start3A] : memref<50000x16xf32, #tpu.memory_space<vmem_shared>> -> memref<625x16xf32, #tpu.memory_space<vmem_shared>>
      %dma_start3A_40 = arith.constant 0 : i32
      %dma_start3A_41 = tpu.memref_slice %arg11[%add3A_22, %dma_start3A_40] : memref<50000x16xf32, #tpu.memory_space<vmem_shared>> -> memref<625x16xf32, #tpu.memory_space<vmem_shared>>
      tpu.enqueue_dma source(%arg10 : memref<625x16xf32, #tpu.memory_space<vmem>>) target(%dma_start3A_41 : memref<625x16xf32, #tpu.memory_space<vmem_shared>>) target_semaphore(%run_scoped3A : memref<!tpu.dma_semaphore, #tpu.memory_space<semaphore_mem>>)
      %dma_wait3A = arith.constant 0 : i32
      %dma_wait3A_42 = tpu.memref_slice %arg11[%add3A_22, %dma_wait3A] : memref<50000x16xf32, #tpu.memory_space<vmem_shared>> -> memref<625x16xf32, #tpu.memory_space<vmem_shared>>
      %dma_wait3A_43 = arith.constant 0 : i32
      %dma_wait3A_44 = tpu.memref_slice %arg11[%add3A_22, %dma_wait3A_43] : memref<50000x16xf32, #tpu.memory_space<vmem_shared>> -> memref<625x16xf32, #tpu.memory_space<vmem_shared>>
      tpu.wait_dma2 semaphore(%run_scoped3A : memref<!tpu.dma_semaphore, #tpu.memory_space<semaphore_mem>>) src(%arg10 : memref<625x16xf32, #tpu.memory_space<vmem>>) dst(%dma_wait3A_44 : memref<625x16xf32, #tpu.memory_space<vmem_shared>>)
      tpu.yield
    }) : () -> ()
    %barrier3A = arith.constant 0 : index
    tpu.barrier barrier_id(%barrier3A)
    %mul3A_23 = arith.constant 50000 : i32
    %mul3A_24 = arith.muli %arg1, %mul3A_23 : i32
    %scan3A_25 = arith.constant 0 : i32
    %scan3A_26 = arith.constant 0 : i32
    %scan3A_27 = arith.constant 50 : i32
    %scan3A_28 = arith.addi %scan3A_26, %scan3A_27 : i32
    %scan3A_29 = arith.constant 1 : i32
    scf.for %scan3A_39 = %scan3A_26 to %scan3A_28 step %scan3A_29  : i32 {
      %mul3A_40 = arith.constant 1000 : i32
      %mul3A_41 = arith.muli %scan3A_39, %mul3A_40 : i32
      %add3A_42 = arith.addi %mul3A_24, %mul3A_41 : i32
      "tpu.region"() ({
        %run_scoped3A = tpu.sem_alloc : memref<!tpu.dma_semaphore, #tpu.memory_space<semaphore_mem>>
        %dma_start3A = tpu.memref_slice %arg4[%add3A_42] : memref<800000xi32, #tpu.memory_space<hbm>> -> memref<1000xi32, #tpu.memory_space<hbm>>
        %dma_start3A_53 = tpu.memref_slice %arg4[%add3A_42] : memref<800000xi32, #tpu.memory_space<hbm>> -> memref<1000xi32, #tpu.memory_space<hbm>>
        tpu.enqueue_dma source(%dma_start3A_53 : memref<1000xi32, #tpu.memory_space<hbm>>) target(%arg7 : memref<1000xi32, #tpu.memory_space<vmem>>) target_semaphore(%run_scoped3A : memref<!tpu.dma_semaphore, #tpu.memory_space<semaphore_mem>>)
        %dma_wait3A = tpu.memref_slice %arg4[%add3A_42] : memref<800000xi32, #tpu.memory_space<hbm>> -> memref<1000xi32, #tpu.memory_space<hbm>>
        %dma_wait3A_54 = tpu.memref_slice %arg4[%add3A_42] : memref<800000xi32, #tpu.memory_space<hbm>> -> memref<1000xi32, #tpu.memory_space<hbm>>
        tpu.wait_dma2 semaphore(%run_scoped3A : memref<!tpu.dma_semaphore, #tpu.memory_space<semaphore_mem>>) src(%dma_wait3A_54 : memref<1000xi32, #tpu.memory_space<hbm>>) dst(%arg7 : memref<1000xi32, #tpu.memory_space<vmem>>)
        tpu.yield
      }) : () -> ()
      "tpu.region"() ({
        %run_scoped3A = tpu.sem_alloc : memref<!tpu.dma_semaphore, #tpu.memory_space<semaphore_mem>>
        %dma_start3A = tpu.memref_slice %arg5[%add3A_42] : memref<800000xi32, #tpu.memory_space<hbm>> -> memref<1000xi32, #tpu.memory_space<hbm>>
        %dma_start3A_53 = tpu.memref_slice %arg5[%add3A_42] : memref<800000xi32, #tpu.memory_space<hbm>> -> memref<1000xi32, #tpu.memory_space<hbm>>
        tpu.enqueue_dma source(%dma_start3A_53 : memref<1000xi32, #tpu.memory_space<hbm>>) target(%arg8 : memref<1000xi32, #tpu.memory_space<vmem>>) target_semaphore(%run_scoped3A : memref<!tpu.dma_semaphore, #tpu.memory_space<semaphore_mem>>)
        %dma_wait3A = tpu.memref_slice %arg5[%add3A_42] : memref<800000xi32, #tpu.memory_space<hbm>> -> memref<1000xi32, #tpu.memory_space<hbm>>
        %dma_wait3A_54 = tpu.memref_slice %arg5[%add3A_42] : memref<800000xi32, #tpu.memory_space<hbm>> -> memref<1000xi32, #tpu.memory_space<hbm>>
        tpu.wait_dma2 semaphore(%run_scoped3A : memref<!tpu.dma_semaphore, #tpu.memory_space<semaphore_mem>>) src(%dma_wait3A_54 : memref<1000xi32, #tpu.memory_space<hbm>>) dst(%arg8 : memref<1000xi32, #tpu.memory_space<vmem>>)
        tpu.yield
      }) : () -> ()
      %eq3A_43 = arith.constant 0 : i32
      %eq3A_44 = arith.cmpi eq, %arg0, %eq3A_43 : i32
      %convert_element_type3A_45 = arith.extui %eq3A_44 : i1 to i32
      %cond3A_46 = arith.constant 0 : i32
      %cond3A_47 = arith.cmpi ne, %convert_element_type3A_45, %cond3A_46 : i32
      scf.if %cond3A_47 {
        %dma_start3A = arith.constant 0 : i32
        %dma_start3A_53 = arith.constant 0 : i32
        %dma_start3A_54 = tpu.memref_slice %arg2[%dma_start3A, %dma_start3A_53] : memref<50000x16xf32, #tpu.memory_space<hbm>> -> memref<50000x16xf32, #tpu.memory_space<hbm>>
        tpu.enqueue_indirect_dma source(%dma_start3A_54 : memref<50000x16xf32, #tpu.memory_space<hbm>>) target(%arg9 : memref<1000x16xf32, #tpu.memory_space<vmem>>) offsets(%arg7 : memref<1000xi32, #tpu.memory_space<vmem>>) semaphore(%arg12 : memref<!tpu.dma_semaphore, #tpu.memory_space<semaphore_mem>>)
        %dma_wait3A = arith.constant 0 : i32
        %dma_wait3A_55 = arith.constant 0 : i32
        %dma_wait3A_56 = tpu.memref_slice %arg2[%dma_wait3A, %dma_wait3A_55] : memref<50000x16xf32, #tpu.memory_space<hbm>> -> memref<50000x16xf32, #tpu.memory_space<hbm>>
        tpu.wait_indirect_dma semaphore(%arg12 : memref<!tpu.dma_semaphore, #tpu.memory_space<semaphore_mem>>) src(%dma_wait3A_56 : memref<50000x16xf32, #tpu.memory_space<hbm>>) dst(%arg9 : memref<1000x16xf32, #tpu.memory_space<vmem>>)
      } else {
      }
      %eq3A_48 = arith.constant 1 : i32
      %eq3A_49 = arith.cmpi eq, %arg0, %eq3A_48 : i32
      %convert_element_type3A_50 = arith.extui %eq3A_49 : i1 to i32
      %cond3A_51 = arith.constant 0 : i32
      %cond3A_52 = arith.cmpi ne, %convert_element_type3A_50, %cond3A_51 : i32
      scf.if %cond3A_52 {
        %dma_start3A = arith.constant 0 : i32
        %dma_start3A_53 = arith.constant 0 : i32
        %dma_start3A_54 = tpu.memref_slice %arg3[%dma_start3A, %dma_start3A_53] : memref<50000x16xf32, #tpu.memory_space<hbm>> -> memref<50000x16xf32, #tpu.memory_space<hbm>>
        tpu.enqueue_indirect_dma source(%dma_start3A_54 : memref<50000x16xf32, #tpu.memory_space<hbm>>) target(%arg9 : memref<1000x16xf32, #tpu.memory_space<vmem>>) offsets(%arg7 : memref<1000xi32, #tpu.memory_space<vmem>>) semaphore(%arg12 : memref<!tpu.dma_semaphore, #tpu.memory_space<semaphore_mem>>)
        %dma_wait3A = arith.constant 0 : i32
        %dma_wait3A_55 = arith.constant 0 : i32
        %dma_wait3A_56 = tpu.memref_slice %arg3[%dma_wait3A, %dma_wait3A_55] : memref<50000x16xf32, #tpu.memory_space<hbm>> -> memref<50000x16xf32, #tpu.memory_space<hbm>>
        tpu.wait_indirect_dma semaphore(%arg12 : memref<!tpu.dma_semaphore, #tpu.memory_space<semaphore_mem>>) src(%dma_wait3A_56 : memref<50000x16xf32, #tpu.memory_space<hbm>>) dst(%arg9 : memref<1000x16xf32, #tpu.memory_space<vmem>>)
      } else {
      }
      "tpu.region"() ({
        %run_scoped3A = tpu.sem_alloc : memref<!tpu.dma_semaphore, #tpu.memory_space<semaphore_mem>>
        %dma_start3A = arith.constant 0 : i32
        %dma_start3A_53 = arith.constant 0 : i32
        %dma_start3A_54 = tpu.memref_slice %arg11[%dma_start3A, %dma_start3A_53] : memref<50000x16xf32, #tpu.memory_space<vmem_shared>> -> memref<50000x16xf32, #tpu.memory_space<vmem_shared>>
        tpu.enqueue_indirect_dma source(%arg9 : memref<1000x16xf32, #tpu.memory_space<vmem>>) target(%dma_start3A_54 : memref<50000x16xf32, #tpu.memory_space<vmem_shared>>) offsets(%arg8 : memref<1000xi32, #tpu.memory_space<vmem>>) semaphore(%run_scoped3A : memref<!tpu.dma_semaphore, #tpu.memory_space<semaphore_mem>>) {add = true}
        %dma_wait3A = arith.constant 0 : i32
        %dma_wait3A_55 = arith.constant 0 : i32
        %dma_wait3A_56 = tpu.memref_slice %arg11[%dma_wait3A, %dma_wait3A_55] : memref<50000x16xf32, #tpu.memory_space<vmem_shared>> -> memref<50000x16xf32, #tpu.memory_space<vmem_shared>>
        tpu.wait_indirect_dma semaphore(%run_scoped3A : memref<!tpu.dma_semaphore, #tpu.memory_space<semaphore_mem>>) src(%arg9 : memref<1000x16xf32, #tpu.memory_space<vmem>>) dst(%dma_wait3A_56 : memref<50000x16xf32, #tpu.memory_space<vmem_shared>>)
        tpu.yield
      }) : () -> ()
    }
    %scan3A_30 = arith.constant 50 : i32
    %barrier3A_31 = arith.constant 0 : index
    tpu.barrier barrier_id(%barrier3A_31)
    %eq3A = arith.constant 0 : i32
    %eq3A_32 = arith.cmpi eq, %arg0, %eq3A : i32
    %convert_element_type3A = arith.extui %eq3A_32 : i1 to i32
    %cond3A = arith.constant 0 : i32
    %cond3A_33 = arith.cmpi ne, %convert_element_type3A, %cond3A : i32
    scf.if %cond3A_33 {
      %mul3A_39 = arith.constant 3125 : i32
      %mul3A_40 = arith.muli %arg1, %mul3A_39 : i32
      %mul3A_41 = arith.constant 3125 : i32
      %mul3A_42 = arith.muli %arg1, %mul3A_41 : i32
      %run_scoped3A = arith.constant 0 : i32
      "tpu.region"() ({
        %run_scoped3A_43 = tpu.sem_alloc : memref<!tpu.dma_semaphore, #tpu.memory_space<semaphore_mem>>
        %dma_start3A = arith.constant 0 : i32
        %dma_start3A_44 = tpu.memref_slice %arg6[%run_scoped3A, %mul3A_42, %dma_start3A] : memref<2x50000x16xf32, #tpu.memory_space<hbm>> -> memref<1x3125x16xf32, #tpu.memory_space<hbm>>
        %dma_start3A_45 = tpu.memref_squeeze %dma_start3A_44 : memref<1x3125x16xf32, #tpu.memory_space<hbm>> -> memref<3125x16xf32, #tpu.memory_space<hbm>>
        %dma_start3A_46 = arith.constant 0 : i32
        %dma_start3A_47 = tpu.memref_slice %arg11[%mul3A_40, %dma_start3A_46] : memref<50000x16xf32, #tpu.memory_space<vmem_shared>> -> memref<3125x16xf32, #tpu.memory_space<vmem_shared>>
        tpu.enqueue_dma source(%dma_start3A_47 : memref<3125x16xf32, #tpu.memory_space<vmem_shared>>) target(%dma_start3A_45 : memref<3125x16xf32, #tpu.memory_space<hbm>>) target_semaphore(%run_scoped3A_43 : memref<!tpu.dma_semaphore, #tpu.memory_space<semaphore_mem>>)
        %dma_wait3A = arith.constant 0 : i32
        %dma_wait3A_48 = tpu.memref_slice %arg6[%run_scoped3A, %mul3A_42, %dma_wait3A] : memref<2x50000x16xf32, #tpu.memory_space<hbm>> -> memref<1x3125x16xf32, #tpu.memory_space<hbm>>
        %dma_wait3A_49 = tpu.memref_squeeze %dma_wait3A_48 : memref<1x3125x16xf32, #tpu.memory_space<hbm>> -> memref<3125x16xf32, #tpu.memory_space<hbm>>
        %dma_wait3A_50 = arith.constant 0 : i32
        %dma_wait3A_51 = tpu.memref_slice %arg11[%mul3A_40, %dma_wait3A_50] : memref<50000x16xf32, #tpu.memory_space<vmem_shared>> -> memref<3125x16xf32, #tpu.memory_space<vmem_shared>>
        tpu.wait_dma2 semaphore(%run_scoped3A_43 : memref<!tpu.dma_semaphore, #tpu.memory_space<semaphore_mem>>) src(%dma_wait3A_51 : memref<3125x16xf32, #tpu.memory_space<vmem_shared>>) dst(%dma_wait3A_49 : memref<3125x16xf32, #tpu.memory_space<hbm>>)
        tpu.yield
      }) : () -> ()
    } else {
    }
    %eq3A_34 = arith.constant 1 : i32
    %eq3A_35 = arith.cmpi eq, %arg0, %eq3A_34 : i32
    %convert_element_type3A_36 = arith.extui %eq3A_35 : i1 to i32
    %cond3A_37 = arith.constant 0 : i32
    %cond3A_38 = arith.cmpi ne, %convert_element_type3A_36, %cond3A_37 : i32
    scf.if %cond3A_38 {
      %mul3A_39 = arith.constant 3125 : i32
      %mul3A_40 = arith.muli %arg1, %mul3A_39 : i32
      %mul3A_41 = arith.constant 3125 : i32
      %mul3A_42 = arith.muli %arg1, %mul3A_41 : i32
      %run_scoped3A = arith.constant 1 : i32
      "tpu.region"() ({
        %run_scoped3A_43 = tpu.sem_alloc : memref<!tpu.dma_semaphore, #tpu.memory_space<semaphore_mem>>
        %dma_start3A = arith.constant 0 : i32
        %dma_start3A_44 = tpu.memref_slice %arg6[%run_scoped3A, %mul3A_42, %dma_start3A] : memref<2x50000x16xf32, #tpu.memory_space<hbm>> -> memref<1x3125x16xf32, #tpu.memory_space<hbm>>
        %dma_start3A_45 = tpu.memref_squeeze %dma_start3A_44 : memref<1x3125x16xf32, #tpu.memory_space<hbm>> -> memref<3125x16xf32, #tpu.memory_space<hbm>>
        %dma_start3A_46 = arith.constant 0 : i32
        %dma_start3A_47 = tpu.memref_slice %arg11[%mul3A_40, %dma_start3A_46] : memref<50000x16xf32, #tpu.memory_space<vmem_shared>> -> memref<3125x16xf32, #tpu.memory_space<vmem_shared>>
        tpu.enqueue_dma source(%dma_start3A_47 : memref<3125x16xf32, #tpu.memory_space<vmem_shared>>) target(%dma_start3A_45 : memref<3125x16xf32, #tpu.memory_space<hbm>>) target_semaphore(%run_scoped3A_43 : memref<!tpu.dma_semaphore, #tpu.memory_space<semaphore_mem>>)
        %dma_wait3A = arith.constant 0 : i32
        %dma_wait3A_48 = tpu.memref_slice %arg6[%run_scoped3A, %mul3A_42, %dma_wait3A] : memref<2x50000x16xf32, #tpu.memory_space<hbm>> -> memref<1x3125x16xf32, #tpu.memory_space<hbm>>
        %dma_wait3A_49 = tpu.memref_squeeze %dma_wait3A_48 : memref<1x3125x16xf32, #tpu.memory_space<hbm>> -> memref<3125x16xf32, #tpu.memory_space<hbm>>
        %dma_wait3A_50 = arith.constant 0 : i32
        %dma_wait3A_51 = tpu.memref_slice %arg11[%mul3A_40, %dma_wait3A_50] : memref<50000x16xf32, #tpu.memory_space<vmem_shared>> -> memref<3125x16xf32, #tpu.memory_space<vmem_shared>>
        tpu.wait_dma2 semaphore(%run_scoped3A_43 : memref<!tpu.dma_semaphore, #tpu.memory_space<semaphore_mem>>) src(%dma_wait3A_51 : memref<3125x16xf32, #tpu.memory_space<vmem_shared>>) dst(%dma_wait3A_49 : memref<3125x16xf32, #tpu.memory_space<hbm>>)
        tpu.yield
      }) : () -> ()
    } else {
    }
    return
  }
}

#map = affine_map<(d0, d1) -> (0, 0)>
#map1 = affine_map<(d0, d1) -> (0)>
#map2 = affine_map<(d0, d1) -> (0, 0, 0)>
module attributes {stable_mosaic.version = 14 : i64} {
  func.func @body(%arg0: i32, %arg1: i32, %arg2: memref<50000x16xf32, #tpu.memory_space<hbm>>, %arg3: memref<50000x16xf32, #tpu.memory_space<hbm>>, %arg4: memref<800000xi32, #tpu.memory_space<hbm>>, %arg5: memref<800000xi32, #tpu.memory_space<hbm>>, %arg6: memref<2x50000x16xf32, #tpu.memory_space<hbm>>, %arg7: memref<1000xi32, #tpu.memory_space<vmem>>, %arg8: memref<1000xi32, #tpu.memory_space<vmem>>, %arg9: memref<1000x16xf32, #tpu.memory_space<vmem>>, %arg10: memref<625x16xf32, #tpu.memory_space<vmem>>, %arg11: memref<50000x16xf32, #tpu.memory_space<vmem_shared>>, %arg12: memref<!tpu.dma_semaphore, #tpu.memory_space<semaphore_mem>>) attributes {dimension_semantics = [#tpu.dimension_semantics<core_parallel>, #tpu.dimension_semantics<subcore_parallel>], iteration_bounds = array<i64: 2, 16>, scalar_prefetch = 0 : i64, scratch_operands = 6 : i64, tpu.core_type = #tpu.core_type<sc_vector_subcore>, window_params = [{transform_indices = #map}, {transform_indices = #map}, {transform_indices = #map1}, {transform_indices = #map1}, {transform_indices = #map2}]} {
    %scan3A = arith.constant 0 : i32
    %scan3A_0 = arith.constant 0 : i32
    %scan3A_1 = arith.constant 625 : i32
    %scan3A_2 = arith.addi %scan3A_0, %scan3A_1 : i32
    %scan3A_3 = arith.constant 1 : i32
    scf.for %scan3A_39 = %scan3A_0 to %scan3A_2 step %scan3A_3  : i32 {
      %broadcast_in_dim3A = arith.constant 0.000000e+00 : f32
      %broadcast_in_dim3A_40 = vector.broadcast %broadcast_in_dim3A : f32 to vector<16xf32>
      %swap3A = arith.index_cast %scan3A_39 : i32 to index
      %swap3A_41 = arith.constant 0 : index
      %swap3A_42 = tpu.vector_load %arg10[%swap3A, %swap3A_41] {strides = array<i32>} : memref<625x16xf32, #tpu.memory_space<vmem>>, vector<1x16xf32>,
      %swap3A_43 = vector.shape_cast %swap3A_42 : vector<1x16xf32> to vector<16xf32>
      %swap3A_44 = vector.shape_cast %broadcast_in_dim3A_40 : vector<16xf32> to vector<1x16xf32>
      tpu.vector_store %arg10[%swap3A, %swap3A_41], %swap3A_44 {strides = array<i32>} : memref<625x16xf32, #tpu.memory_space<vmem>>, vector<1x16xf32>,
    }
    %scan3A_4 = arith.constant 625 : i32
    %mul3A = arith.constant 3125 : i32
    %mul3A_5 = arith.muli %arg1, %mul3A : i32
    %add3A = arith.constant 0 : i32
    %add3A_6 = arith.addi %mul3A_5, %add3A : i32
    "tpu.region"() ({
      %run_scoped3A = tpu.sem_alloc : memref<!tpu.dma_semaphore, #tpu.memory_space<semaphore_mem>>
      %dma_start3A = arith.constant 0 : i32
      %dma_start3A_39 = tpu.memref_slice %arg11[%add3A_6, %dma_start3A] : memref<50000x16xf32, #tpu.memory_space<vmem_shared>> -> memref<625x16xf32, #tpu.memory_space<vmem_shared>>
      %dma_start3A_40 = arith.constant 0 : i32
      %dma_start3A_41 = tpu.memref_slice %arg11[%add3A_6, %dma_start3A_40] : memref<50000x16xf32, #tpu.memory_space<vmem_shared>> -> memref<625x16xf32, #tpu.memory_space<vmem_shared>>
      tpu.enqueue_dma source(%arg10 : memref<625x16xf32, #tpu.memory_space<vmem>>) target(%dma_start3A_41 : memref<625x16xf32, #tpu.memory_space<vmem_shared>>) target_semaphore(%run_scoped3A : memref<!tpu.dma_semaphore, #tpu.memory_space<semaphore_mem>>)
      %dma_wait3A = arith.constant 0 : i32
      %dma_wait3A_42 = tpu.memref_slice %arg11[%add3A_6, %dma_wait3A] : memref<50000x16xf32, #tpu.memory_space<vmem_shared>> -> memref<625x16xf32, #tpu.memory_space<vmem_shared>>
      %dma_wait3A_43 = arith.constant 0 : i32
      %dma_wait3A_44 = tpu.memref_slice %arg11[%add3A_6, %dma_wait3A_43] : memref<50000x16xf32, #tpu.memory_space<vmem_shared>> -> memref<625x16xf32, #tpu.memory_space<vmem_shared>>
      tpu.wait_dma2 semaphore(%run_scoped3A : memref<!tpu.dma_semaphore, #tpu.memory_space<semaphore_mem>>) src(%arg10 : memref<625x16xf32, #tpu.memory_space<vmem>>) dst(%dma_wait3A_44 : memref<625x16xf32, #tpu.memory_space<vmem_shared>>)
      tpu.yield
    }) : () -> ()
    %mul3A_7 = arith.constant 3125 : i32
    %mul3A_8 = arith.muli %arg1, %mul3A_7 : i32
    %add3A_9 = arith.constant 625 : i32
    %add3A_10 = arith.addi %mul3A_8, %add3A_9 : i32
    "tpu.region"() ({
      %run_scoped3A = tpu.sem_alloc : memref<!tpu.dma_semaphore, #tpu.memory_space<semaphore_mem>>
      %dma_start3A = arith.constant 0 : i32
      %dma_start3A_39 = tpu.memref_slice %arg11[%add3A_10, %dma_start3A] : memref<50000x16xf32, #tpu.memory_space<vmem_shared>> -> memref<625x16xf32, #tpu.memory_space<vmem_shared>>
      %dma_start3A_40 = arith.constant 0 : i32
      %dma_start3A_41 = tpu.memref_slice %arg11[%add3A_10, %dma_start3A_40] : memref<50000x16xf32, #tpu.memory_space<vmem_shared>> -> memref<625x16xf32, #tpu.memory_space<vmem_shared>>
      tpu.enqueue_dma source(%arg10 : memref<625x16xf32, #tpu.memory_space<vmem>>) target(%dma_start3A_41 : memref<625x16xf32, #tpu.memory_space<vmem_shared>>) target_semaphore(%run_scoped3A : memref<!tpu.dma_semaphore, #tpu.memory_space<semaphore_mem>>)
      %dma_wait3A = arith.constant 0 : i32
      %dma_wait3A_42 = tpu.memref_slice %arg11[%add3A_10, %dma_wait3A] : memref<50000x16xf32, #tpu.memory_space<vmem_shared>> -> memref<625x16xf32, #tpu.memory_space<vmem_shared>>
      %dma_wait3A_43 = arith.constant 0 : i32
      %dma_wait3A_44 = tpu.memref_slice %arg11[%add3A_10, %dma_wait3A_43] : memref<50000x16xf32, #tpu.memory_space<vmem_shared>> -> memref<625x16xf32, #tpu.memory_space<vmem_shared>>
      tpu.wait_dma2 semaphore(%run_scoped3A : memref<!tpu.dma_semaphore, #tpu.memory_space<semaphore_mem>>) src(%arg10 : memref<625x16xf32, #tpu.memory_space<vmem>>) dst(%dma_wait3A_44 : memref<625x16xf32, #tpu.memory_space<vmem_shared>>)
      tpu.yield
    }) : () -> ()
    %mul3A_11 = arith.constant 3125 : i32
    %mul3A_12 = arith.muli %arg1, %mul3A_11 : i32
    %add3A_13 = arith.constant 1250 : i32
    %add3A_14 = arith.addi %mul3A_12, %add3A_13 : i32
    "tpu.region"() ({
      %run_scoped3A = tpu.sem_alloc : memref<!tpu.dma_semaphore, #tpu.memory_space<semaphore_mem>>
      %dma_start3A = arith.constant 0 : i32
      %dma_start3A_39 = tpu.memref_slice %arg11[%add3A_14, %dma_start3A] : memref<50000x16xf32, #tpu.memory_space<vmem_shared>> -> memref<625x16xf32, #tpu.memory_space<vmem_shared>>
      %dma_start3A_40 = arith.constant 0 : i32
      %dma_start3A_41 = tpu.memref_slice %arg11[%add3A_14, %dma_start3A_40] : memref<50000x16xf32, #tpu.memory_space<vmem_shared>> -> memref<625x16xf32, #tpu.memory_space<vmem_shared>>
      tpu.enqueue_dma source(%arg10 : memref<625x16xf32, #tpu.memory_space<vmem>>) target(%dma_start3A_41 : memref<625x16xf32, #tpu.memory_space<vmem_shared>>) target_semaphore(%run_scoped3A : memref<!tpu.dma_semaphore, #tpu.memory_space<semaphore_mem>>)
      %dma_wait3A = arith.constant 0 : i32
      %dma_wait3A_42 = tpu.memref_slice %arg11[%add3A_14, %dma_wait3A] : memref<50000x16xf32, #tpu.memory_space<vmem_shared>> -> memref<625x16xf32, #tpu.memory_space<vmem_shared>>
      %dma_wait3A_43 = arith.constant 0 : i32
      %dma_wait3A_44 = tpu.memref_slice %arg11[%add3A_14, %dma_wait3A_43] : memref<50000x16xf32, #tpu.memory_space<vmem_shared>> -> memref<625x16xf32, #tpu.memory_space<vmem_shared>>
      tpu.wait_dma2 semaphore(%run_scoped3A : memref<!tpu.dma_semaphore, #tpu.memory_space<semaphore_mem>>) src(%arg10 : memref<625x16xf32, #tpu.memory_space<vmem>>) dst(%dma_wait3A_44 : memref<625x16xf32, #tpu.memory_space<vmem_shared>>)
      tpu.yield
    }) : () -> ()
    %mul3A_15 = arith.constant 3125 : i32
    %mul3A_16 = arith.muli %arg1, %mul3A_15 : i32
    %add3A_17 = arith.constant 1875 : i32
    %add3A_18 = arith.addi %mul3A_16, %add3A_17 : i32
    "tpu.region"() ({
      %run_scoped3A = tpu.sem_alloc : memref<!tpu.dma_semaphore, #tpu.memory_space<semaphore_mem>>
      %dma_start3A = arith.constant 0 : i32
      %dma_start3A_39 = tpu.memref_slice %arg11[%add3A_18, %dma_start3A] : memref<50000x16xf32, #tpu.memory_space<vmem_shared>> -> memref<625x16xf32, #tpu.memory_space<vmem_shared>>
      %dma_start3A_40 = arith.constant 0 : i32
      %dma_start3A_41 = tpu.memref_slice %arg11[%add3A_18, %dma_start3A_40] : memref<50000x16xf32, #tpu.memory_space<vmem_shared>> -> memref<625x16xf32, #tpu.memory_space<vmem_shared>>
      tpu.enqueue_dma source(%arg10 : memref<625x16xf32, #tpu.memory_space<vmem>>) target(%dma_start3A_41 : memref<625x16xf32, #tpu.memory_space<vmem_shared>>) target_semaphore(%run_scoped3A : memref<!tpu.dma_semaphore, #tpu.memory_space<semaphore_mem>>)
      %dma_wait3A = arith.constant 0 : i32
      %dma_wait3A_42 = tpu.memref_slice %arg11[%add3A_18, %dma_wait3A] : memref<50000x16xf32, #tpu.memory_space<vmem_shared>> -> memref<625x16xf32, #tpu.memory_space<vmem_shared>>
      %dma_wait3A_43 = arith.constant 0 : i32
      %dma_wait3A_44 = tpu.memref_slice %arg11[%add3A_18, %dma_wait3A_43] : memref<50000x16xf32, #tpu.memory_space<vmem_shared>> -> memref<625x16xf32, #tpu.memory_space<vmem_shared>>
      tpu.wait_dma2 semaphore(%run_scoped3A : memref<!tpu.dma_semaphore, #tpu.memory_space<semaphore_mem>>) src(%arg10 : memref<625x16xf32, #tpu.memory_space<vmem>>) dst(%dma_wait3A_44 : memref<625x16xf32, #tpu.memory_space<vmem_shared>>)
      tpu.yield
    }) : () -> ()
    %mul3A_19 = arith.constant 3125 : i32
    %mul3A_20 = arith.muli %arg1, %mul3A_19 : i32
    %add3A_21 = arith.constant 2500 : i32
    %add3A_22 = arith.addi %mul3A_20, %add3A_21 : i32
    "tpu.region"() ({
      %run_scoped3A = tpu.sem_alloc : memref<!tpu.dma_semaphore, #tpu.memory_space<semaphore_mem>>
      %dma_start3A = arith.constant 0 : i32
      %dma_start3A_39 = tpu.memref_slice %arg11[%add3A_22, %dma_start3A] : memref<50000x16xf32, #tpu.memory_space<vmem_shared>> -> memref<625x16xf32, #tpu.memory_space<vmem_shared>>
      %dma_start3A_40 = arith.constant 0 : i32
      %dma_start3A_41 = tpu.memref_slice %arg11[%add3A_22, %dma_start3A_40] : memref<50000x16xf32, #tpu.memory_space<vmem_shared>> -> memref<625x16xf32, #tpu.memory_space<vmem_shared>>
      tpu.enqueue_dma source(%arg10 : memref<625x16xf32, #tpu.memory_space<vmem>>) target(%dma_start3A_41 : memref<625x16xf32, #tpu.memory_space<vmem_shared>>) target_semaphore(%run_scoped3A : memref<!tpu.dma_semaphore, #tpu.memory_space<semaphore_mem>>)
      %dma_wait3A = arith.constant 0 : i32
      %dma_wait3A_42 = tpu.memref_slice %arg11[%add3A_22, %dma_wait3A] : memref<50000x16xf32, #tpu.memory_space<vmem_shared>> -> memref<625x16xf32, #tpu.memory_space<vmem_shared>>
      %dma_wait3A_43 = arith.constant 0 : i32
      %dma_wait3A_44 = tpu.memref_slice %arg11[%add3A_22, %dma_wait3A_43] : memref<50000x16xf32, #tpu.memory_space<vmem_shared>> -> memref<625x16xf32, #tpu.memory_space<vmem_shared>>
      tpu.wait_dma2 semaphore(%run_scoped3A : memref<!tpu.dma_semaphore, #tpu.memory_space<semaphore_mem>>) src(%arg10 : memref<625x16xf32, #tpu.memory_space<vmem>>) dst(%dma_wait3A_44 : memref<625x16xf32, #tpu.memory_space<vmem_shared>>)
      tpu.yield
    }) : () -> ()
    %barrier3A = arith.constant 0 : index
    tpu.barrier barrier_id(%barrier3A)
    %mul3A_23 = arith.constant 50000 : i32
    %mul3A_24 = arith.muli %arg1, %mul3A_23 : i32
    %scan3A_25 = arith.constant 0 : i32
    %scan3A_26 = arith.constant 0 : i32
    %scan3A_27 = arith.constant 50 : i32
    %scan3A_28 = arith.addi %scan3A_26, %scan3A_27 : i32
    %scan3A_29 = arith.constant 1 : i32
    scf.for %scan3A_39 = %scan3A_26 to %scan3A_28 step %scan3A_29  : i32 {
      %mul3A_40 = arith.constant 1000 : i32
      %mul3A_41 = arith.muli %scan3A_39, %mul3A_40 : i32
      %add3A_42 = arith.addi %mul3A_24, %mul3A_41 : i32
      "tpu.region"() ({
        %run_scoped3A = tpu.sem_alloc : memref<!tpu.dma_semaphore, #tpu.memory_space<semaphore_mem>>
        %dma_start3A = tpu.memref_slice %arg4[%add3A_42] : memref<800000xi32, #tpu.memory_space<hbm>> -> memref<1000xi32, #tpu.memory_space<hbm>>
        %dma_start3A_53 = tpu.memref_slice %arg4[%add3A_42] : memref<800000xi32, #tpu.memory_space<hbm>> -> memref<1000xi32, #tpu.memory_space<hbm>>
        tpu.enqueue_dma source(%dma_start3A_53 : memref<1000xi32, #tpu.memory_space<hbm>>) target(%arg7 : memref<1000xi32, #tpu.memory_space<vmem>>) target_semaphore(%run_scoped3A : memref<!tpu.dma_semaphore, #tpu.memory_space<semaphore_mem>>)
        %dma_wait3A = tpu.memref_slice %arg4[%add3A_42] : memref<800000xi32, #tpu.memory_space<hbm>> -> memref<1000xi32, #tpu.memory_space<hbm>>
        %dma_wait3A_54 = tpu.memref_slice %arg4[%add3A_42] : memref<800000xi32, #tpu.memory_space<hbm>> -> memref<1000xi32, #tpu.memory_space<hbm>>
        tpu.wait_dma2 semaphore(%run_scoped3A : memref<!tpu.dma_semaphore, #tpu.memory_space<semaphore_mem>>) src(%dma_wait3A_54 : memref<1000xi32, #tpu.memory_space<hbm>>) dst(%arg7 : memref<1000xi32, #tpu.memory_space<vmem>>)
        tpu.yield
      }) : () -> ()
      "tpu.region"() ({
        %run_scoped3A = tpu.sem_alloc : memref<!tpu.dma_semaphore, #tpu.memory_space<semaphore_mem>>
        %dma_start3A = tpu.memref_slice %arg5[%add3A_42] : memref<800000xi32, #tpu.memory_space<hbm>> -> memref<1000xi32, #tpu.memory_space<hbm>>
        %dma_start3A_53 = tpu.memref_slice %arg5[%add3A_42] : memref<800000xi32, #tpu.memory_space<hbm>> -> memref<1000xi32, #tpu.memory_space<hbm>>
        tpu.enqueue_dma source(%dma_start3A_53 : memref<1000xi32, #tpu.memory_space<hbm>>) target(%arg8 : memref<1000xi32, #tpu.memory_space<vmem>>) target_semaphore(%run_scoped3A : memref<!tpu.dma_semaphore, #tpu.memory_space<semaphore_mem>>)
        %dma_wait3A = tpu.memref_slice %arg5[%add3A_42] : memref<800000xi32, #tpu.memory_space<hbm>> -> memref<1000xi32, #tpu.memory_space<hbm>>
        %dma_wait3A_54 = tpu.memref_slice %arg5[%add3A_42] : memref<800000xi32, #tpu.memory_space<hbm>> -> memref<1000xi32, #tpu.memory_space<hbm>>
        tpu.wait_dma2 semaphore(%run_scoped3A : memref<!tpu.dma_semaphore, #tpu.memory_space<semaphore_mem>>) src(%dma_wait3A_54 : memref<1000xi32, #tpu.memory_space<hbm>>) dst(%arg8 : memref<1000xi32, #tpu.memory_space<vmem>>)
        tpu.yield
      }) : () -> ()
      %eq3A_43 = arith.constant 0 : i32
      %eq3A_44 = arith.cmpi eq, %arg0, %eq3A_43 : i32
      %convert_element_type3A_45 = arith.extui %eq3A_44 : i1 to i32
      %cond3A_46 = arith.constant 0 : i32
      %cond3A_47 = arith.cmpi ne, %convert_element_type3A_45, %cond3A_46 : i32
      scf.if %cond3A_47 {
        %dma_start3A = arith.constant 0 : i32
        %dma_start3A_53 = arith.constant 0 : i32
        %dma_start3A_54 = tpu.memref_slice %arg2[%dma_start3A, %dma_start3A_53] : memref<50000x16xf32, #tpu.memory_space<hbm>> -> memref<50000x16xf32, #tpu.memory_space<hbm>>
        tpu.enqueue_indirect_dma source(%dma_start3A_54 : memref<50000x16xf32, #tpu.memory_space<hbm>>) target(%arg9 : memref<1000x16xf32, #tpu.memory_space<vmem>>) offsets(%arg7 : memref<1000xi32, #tpu.memory_space<vmem>>) semaphore(%arg12 : memref<!tpu.dma_semaphore, #tpu.memory_space<semaphore_mem>>)
        %dma_wait3A = arith.constant 0 : i32
        %dma_wait3A_55 = arith.constant 0 : i32
        %dma_wait3A_56 = tpu.memref_slice %arg2[%dma_wait3A, %dma_wait3A_55] : memref<50000x16xf32, #tpu.memory_space<hbm>> -> memref<50000x16xf32, #tpu.memory_space<hbm>>
        tpu.wait_indirect_dma semaphore(%arg12 : memref<!tpu.dma_semaphore, #tpu.memory_space<semaphore_mem>>) src(%dma_wait3A_56 : memref<50000x16xf32, #tpu.memory_space<hbm>>) dst(%arg9 : memref<1000x16xf32, #tpu.memory_space<vmem>>)
      } else {
      }
      %eq3A_48 = arith.constant 1 : i32
      %eq3A_49 = arith.cmpi eq, %arg0, %eq3A_48 : i32
      %convert_element_type3A_50 = arith.extui %eq3A_49 : i1 to i32
      %cond3A_51 = arith.constant 0 : i32
      %cond3A_52 = arith.cmpi ne, %convert_element_type3A_50, %cond3A_51 : i32
      scf.if %cond3A_52 {
        %dma_start3A = arith.constant 0 : i32
        %dma_start3A_53 = arith.constant 0 : i32
        %dma_start3A_54 = tpu.memref_slice %arg3[%dma_start3A, %dma_start3A_53] : memref<50000x16xf32, #tpu.memory_space<hbm>> -> memref<50000x16xf32, #tpu.memory_space<hbm>>
        tpu.enqueue_indirect_dma source(%dma_start3A_54 : memref<50000x16xf32, #tpu.memory_space<hbm>>) target(%arg9 : memref<1000x16xf32, #tpu.memory_space<vmem>>) offsets(%arg7 : memref<1000xi32, #tpu.memory_space<vmem>>) semaphore(%arg12 : memref<!tpu.dma_semaphore, #tpu.memory_space<semaphore_mem>>)
        %dma_wait3A = arith.constant 0 : i32
        %dma_wait3A_55 = arith.constant 0 : i32
        %dma_wait3A_56 = tpu.memref_slice %arg3[%dma_wait3A, %dma_wait3A_55] : memref<50000x16xf32, #tpu.memory_space<hbm>> -> memref<50000x16xf32, #tpu.memory_space<hbm>>
        tpu.wait_indirect_dma semaphore(%arg12 : memref<!tpu.dma_semaphore, #tpu.memory_space<semaphore_mem>>) src(%dma_wait3A_56 : memref<50000x16xf32, #tpu.memory_space<hbm>>) dst(%arg9 : memref<1000x16xf32, #tpu.memory_space<vmem>>)
      } else {
      }
      "tpu.region"() ({
        %run_scoped3A = tpu.sem_alloc : memref<!tpu.dma_semaphore, #tpu.memory_space<semaphore_mem>>
        %dma_start3A = arith.constant 0 : i32
        %dma_start3A_53 = arith.constant 0 : i32
        %dma_start3A_54 = tpu.memref_slice %arg11[%dma_start3A, %dma_start3A_53] : memref<50000x16xf32, #tpu.memory_space<vmem_shared>> -> memref<50000x16xf32, #tpu.memory_space<vmem_shared>>
        tpu.enqueue_indirect_dma source(%arg9 : memref<1000x16xf32, #tpu.memory_space<vmem>>) target(%dma_start3A_54 : memref<50000x16xf32, #tpu.memory_space<vmem_shared>>) offsets(%arg8 : memref<1000xi32, #tpu.memory_space<vmem>>) semaphore(%run_scoped3A : memref<!tpu.dma_semaphore, #tpu.memory_space<semaphore_mem>>) {add = true}
        %dma_wait3A = arith.constant 0 : i32
        %dma_wait3A_55 = arith.constant 0 : i32
        %dma_wait3A_56 = tpu.memref_slice %arg11[%dma_wait3A, %dma_wait3A_55] : memref<50000x16xf32, #tpu.memory_space<vmem_shared>> -> memref<50000x16xf32, #tpu.memory_space<vmem_shared>>
        tpu.wait_indirect_dma semaphore(%run_scoped3A : memref<!tpu.dma_semaphore, #tpu.memory_space<semaphore_mem>>) src(%arg9 : memref<1000x16xf32, #tpu.memory_space<vmem>>) dst(%dma_wait3A_56 : memref<50000x16xf32, #tpu.memory_space<vmem_shared>>)
        tpu.yield
      }) : () -> ()
    }
    %scan3A_30 = arith.constant 50 : i32
    %barrier3A_31 = arith.constant 0 : index
    tpu.barrier barrier_id(%barrier3A_31)
    %eq3A = arith.constant 0 : i32
    %eq3A_32 = arith.cmpi eq, %arg0, %eq3A : i32
    %convert_element_type3A = arith.extui %eq3A_32 : i1 to i32
    %cond3A = arith.constant 0 : i32
    %cond3A_33 = arith.cmpi ne, %convert_element_type3A, %cond3A : i32
    scf.if %cond3A_33 {
      %mul3A_39 = arith.constant 3125 : i32
      %mul3A_40 = arith.muli %arg1, %mul3A_39 : i32
      %mul3A_41 = arith.constant 3125 : i32
      %mul3A_42 = arith.muli %arg1, %mul3A_41 : i32
      %run_scoped3A = arith.constant 0 : i32
      "tpu.region"() ({
        %run_scoped3A_43 = tpu.sem_alloc : memref<!tpu.dma_semaphore, #tpu.memory_space<semaphore_mem>>
        %dma_start3A = arith.constant 0 : i32
        %dma_start3A_44 = tpu.memref_slice %arg6[%run_scoped3A, %mul3A_42, %dma_start3A] : memref<2x50000x16xf32, #tpu.memory_space<hbm>> -> memref<1x3125x16xf32, #tpu.memory_space<hbm>>
        %dma_start3A_45 = tpu.memref_squeeze %dma_start3A_44 : memref<1x3125x16xf32, #tpu.memory_space<hbm>> -> memref<3125x16xf32, #tpu.memory_space<hbm>>
        %dma_start3A_46 = arith.constant 0 : i32
        %dma_start3A_47 = tpu.memref_slice %arg11[%mul3A_40, %dma_start3A_46] : memref<50000x16xf32, #tpu.memory_space<vmem_shared>> -> memref<3125x16xf32, #tpu.memory_space<vmem_shared>>
        tpu.enqueue_dma source(%dma_start3A_47 : memref<3125x16xf32, #tpu.memory_space<vmem_shared>>) target(%dma_start3A_45 : memref<3125x16xf32, #tpu.memory_space<hbm>>) target_semaphore(%run_scoped3A_43 : memref<!tpu.dma_semaphore, #tpu.memory_space<semaphore_mem>>)
        %dma_wait3A = arith.constant 0 : i32
        %dma_wait3A_48 = tpu.memref_slice %arg6[%run_scoped3A, %mul3A_42, %dma_wait3A] : memref<2x50000x16xf32, #tpu.memory_space<hbm>> -> memref<1x3125x16xf32, #tpu.memory_space<hbm>>
        %dma_wait3A_49 = tpu.memref_squeeze %dma_wait3A_48 : memref<1x3125x16xf32, #tpu.memory_space<hbm>> -> memref<3125x16xf32, #tpu.memory_space<hbm>>
        %dma_wait3A_50 = arith.constant 0 : i32
        %dma_wait3A_51 = tpu.memref_slice %arg11[%mul3A_40, %dma_wait3A_50] : memref<50000x16xf32, #tpu.memory_space<vmem_shared>> -> memref<3125x16xf32, #tpu.memory_space<vmem_shared>>
        tpu.wait_dma2 semaphore(%run_scoped3A_43 : memref<!tpu.dma_semaphore, #tpu.memory_space<semaphore_mem>>) src(%dma_wait3A_51 : memref<3125x16xf32, #tpu.memory_space<vmem_shared>>) dst(%dma_wait3A_49 : memref<3125x16xf32, #tpu.memory_space<hbm>>)
        tpu.yield
      }) : () -> ()
    } else {
    }
    %eq3A_34 = arith.constant 1 : i32
    %eq3A_35 = arith.cmpi eq, %arg0, %eq3A_34 : i32
    %convert_element_type3A_36 = arith.extui %eq3A_35 : i1 to i32
    %cond3A_37 = arith.constant 0 : i32
    %cond3A_38 = arith.cmpi ne, %convert_element_type3A_36, %cond3A_37 : i32
    scf.if %cond3A_38 {
      %mul3A_39 = arith.constant 3125 : i32
      %mul3A_40 = arith.muli %arg1, %mul3A_39 : i32
      %mul3A_41 = arith.constant 3125 : i32
      %mul3A_42 = arith.muli %arg1, %mul3A_41 : i32
      %run_scoped3A = arith.constant 1 : i32
      "tpu.region"() ({
        %run_scoped3A_43 = tpu.sem_alloc : memref<!tpu.dma_semaphore, #tpu.memory_space<semaphore_mem>>
        %dma_start3A = arith.constant 0 : i32
        %dma_start3A_44 = tpu.memref_slice %arg6[%run_scoped3A, %mul3A_42, %dma_start3A] : memref<2x50000x16xf32, #tpu.memory_space<hbm>> -> memref<1x3125x16xf32, #tpu.memory_space<hbm>>
        %dma_start3A_45 = tpu.memref_squeeze %dma_start3A_44 : memref<1x3125x16xf32, #tpu.memory_space<hbm>> -> memref<3125x16xf32, #tpu.memory_space<hbm>>
        %dma_start3A_46 = arith.constant 0 : i32
        %dma_start3A_47 = tpu.memref_slice %arg11[%mul3A_40, %dma_start3A_46] : memref<50000x16xf32, #tpu.memory_space<vmem_shared>> -> memref<3125x16xf32, #tpu.memory_space<vmem_shared>>
        tpu.enqueue_dma source(%dma_start3A_47 : memref<3125x16xf32, #tpu.memory_space<vmem_shared>>) target(%dma_start3A_45 : memref<3125x16xf32, #tpu.memory_space<hbm>>) target_semaphore(%run_scoped3A_43 : memref<!tpu.dma_semaphore, #tpu.memory_space<semaphore_mem>>)
        %dma_wait3A = arith.constant 0 : i32
        %dma_wait3A_48 = tpu.memref_slice %arg6[%run_scoped3A, %mul3A_42, %dma_wait3A] : memref<2x50000x16xf32, #tpu.memory_space<hbm>> -> memref<1x3125x16xf32, #tpu.memory_space<hbm>>
        %dma_wait3A_49 = tpu.memref_squeeze %dma_wait3A_48 : memref<1x3125x16xf32, #tpu.memory_space<hbm>> -> memref<3125x16xf32, #tpu.memory_space<hbm>>
        %dma_wait3A_50 = arith.constant 0 : i32
        %dma_wait3A_51 = tpu.memref_slice %arg11[%mul3A_40, %dma_wait3A_50] : memref<50000x16xf32, #tpu.memory_space<vmem_shared>> -> memref<3125x16xf32, #tpu.memory_space<vmem_shared>>
        tpu.wait_dma2 semaphore(%run_scoped3A_43 : memref<!tpu.dma_semaphore, #tpu.memory_space<semaphore_mem>>) src(%dma_wait3A_51 : memref<3125x16xf32, #tpu.memory_space<vmem_shared>>) dst(%dma_wait3A_49 : memref<3125x16xf32, #tpu.memory_space<hbm>>)
        tpu.yield
      }) : () -> ()
    } else {
    }
    return
  }
}

#map = affine_map<(d0, d1) -> (0, 0)>
#map1 = affine_map<(d0, d1) -> (0)>
#map2 = affine_map<(d0, d1) -> (0, 0, 0)>
module attributes {stable_mosaic.version = 14 : i64} {
  func.func @body(%arg0: i32, %arg1: i32, %arg2: memref<50000x16xf32, #tpu.memory_space<hbm>>, %arg3: memref<50000x16xf32, #tpu.memory_space<hbm>>, %arg4: memref<800000xi32, #tpu.memory_space<hbm>>, %arg5: memref<800000xi32, #tpu.memory_space<hbm>>, %arg6: memref<2x50000x16xf32, #tpu.memory_space<hbm>>, %arg7: memref<1000xi32, #tpu.memory_space<vmem>>, %arg8: memref<1000xi32, #tpu.memory_space<vmem>>, %arg9: memref<1000x16xf32, #tpu.memory_space<vmem>>, %arg10: memref<625x16xf32, #tpu.memory_space<vmem>>, %arg11: memref<50000x16xf32, #tpu.memory_space<vmem_shared>>, %arg12: memref<!tpu.dma_semaphore, #tpu.memory_space<semaphore_mem>>) attributes {dimension_semantics = [#tpu.dimension_semantics<core_parallel>, #tpu.dimension_semantics<subcore_parallel>], iteration_bounds = array<i64: 2, 16>, scalar_prefetch = 0 : i64, scratch_operands = 6 : i64, tpu.core_type = #tpu.core_type<sc_vector_subcore>, window_params = [{transform_indices = #map}, {transform_indices = #map}, {transform_indices = #map1}, {transform_indices = #map1}, {transform_indices = #map2}]} {
    %scan3A = arith.constant 0 : i32
    %scan3A_0 = arith.constant 0 : i32
    %scan3A_1 = arith.constant 625 : i32
    %scan3A_2 = arith.addi %scan3A_0, %scan3A_1 : i32
    %scan3A_3 = arith.constant 1 : i32
    scf.for %scan3A_39 = %scan3A_0 to %scan3A_2 step %scan3A_3  : i32 {
      %broadcast_in_dim3A = arith.constant 0.000000e+00 : f32
      %broadcast_in_dim3A_40 = vector.broadcast %broadcast_in_dim3A : f32 to vector<16xf32>
      %swap3A = arith.index_cast %scan3A_39 : i32 to index
      %swap3A_41 = arith.constant 0 : index
      %swap3A_42 = tpu.vector_load %arg10[%swap3A, %swap3A_41] {strides = array<i32>} : memref<625x16xf32, #tpu.memory_space<vmem>>, vector<1x16xf32>,
      %swap3A_43 = vector.shape_cast %swap3A_42 : vector<1x16xf32> to vector<16xf32>
      %swap3A_44 = vector.shape_cast %broadcast_in_dim3A_40 : vector<16xf32> to vector<1x16xf32>
      tpu.vector_store %arg10[%swap3A, %swap3A_41], %swap3A_44 {strides = array<i32>} : memref<625x16xf32, #tpu.memory_space<vmem>>, vector<1x16xf32>,
    }
    %scan3A_4 = arith.constant 625 : i32
    %mul3A = arith.constant 3125 : i32
    %mul3A_5 = arith.muli %arg1, %mul3A : i32
    %add3A = arith.constant 0 : i32
    %add3A_6 = arith.addi %mul3A_5, %add3A : i32
    "tpu.region"() ({
      %run_scoped3A = tpu.sem_alloc : memref<!tpu.dma_semaphore, #tpu.memory_space<semaphore_mem>>
      %dma_start3A = arith.constant 0 : i32
      %dma_start3A_39 = tpu.memref_slice %arg11[%add3A_6, %dma_start3A] : memref<50000x16xf32, #tpu.memory_space<vmem_shared>> -> memref<625x16xf32, #tpu.memory_space<vmem_shared>>
      %dma_start3A_40 = arith.constant 0 : i32
      %dma_start3A_41 = tpu.memref_slice %arg11[%add3A_6, %dma_start3A_40] : memref<50000x16xf32, #tpu.memory_space<vmem_shared>> -> memref<625x16xf32, #tpu.memory_space<vmem_shared>>
      tpu.enqueue_dma source(%arg10 : memref<625x16xf32, #tpu.memory_space<vmem>>) target(%dma_start3A_41 : memref<625x16xf32, #tpu.memory_space<vmem_shared>>) target_semaphore(%run_scoped3A : memref<!tpu.dma_semaphore, #tpu.memory_space<semaphore_mem>>)
      %dma_wait3A = arith.constant 0 : i32
      %dma_wait3A_42 = tpu.memref_slice %arg11[%add3A_6, %dma_wait3A] : memref<50000x16xf32, #tpu.memory_space<vmem_shared>> -> memref<625x16xf32, #tpu.memory_space<vmem_shared>>
      %dma_wait3A_43 = arith.constant 0 : i32
      %dma_wait3A_44 = tpu.memref_slice %arg11[%add3A_6, %dma_wait3A_43] : memref<50000x16xf32, #tpu.memory_space<vmem_shared>> -> memref<625x16xf32, #tpu.memory_space<vmem_shared>>
      tpu.wait_dma2 semaphore(%run_scoped3A : memref<!tpu.dma_semaphore, #tpu.memory_space<semaphore_mem>>) src(%arg10 : memref<625x16xf32, #tpu.memory_space<vmem>>) dst(%dma_wait3A_44 : memref<625x16xf32, #tpu.memory_space<vmem_shared>>)
      tpu.yield
    }) : () -> ()
    %mul3A_7 = arith.constant 3125 : i32
    %mul3A_8 = arith.muli %arg1, %mul3A_7 : i32
    %add3A_9 = arith.constant 625 : i32
    %add3A_10 = arith.addi %mul3A_8, %add3A_9 : i32
    "tpu.region"() ({
      %run_scoped3A = tpu.sem_alloc : memref<!tpu.dma_semaphore, #tpu.memory_space<semaphore_mem>>
      %dma_start3A = arith.constant 0 : i32
      %dma_start3A_39 = tpu.memref_slice %arg11[%add3A_10, %dma_start3A] : memref<50000x16xf32, #tpu.memory_space<vmem_shared>> -> memref<625x16xf32, #tpu.memory_space<vmem_shared>>
      %dma_start3A_40 = arith.constant 0 : i32
      %dma_start3A_41 = tpu.memref_slice %arg11[%add3A_10, %dma_start3A_40] : memref<50000x16xf32, #tpu.memory_space<vmem_shared>> -> memref<625x16xf32, #tpu.memory_space<vmem_shared>>
      tpu.enqueue_dma source(%arg10 : memref<625x16xf32, #tpu.memory_space<vmem>>) target(%dma_start3A_41 : memref<625x16xf32, #tpu.memory_space<vmem_shared>>) target_semaphore(%run_scoped3A : memref<!tpu.dma_semaphore, #tpu.memory_space<semaphore_mem>>)
      %dma_wait3A = arith.constant 0 : i32
      %dma_wait3A_42 = tpu.memref_slice %arg11[%add3A_10, %dma_wait3A] : memref<50000x16xf32, #tpu.memory_space<vmem_shared>> -> memref<625x16xf32, #tpu.memory_space<vmem_shared>>
      %dma_wait3A_43 = arith.constant 0 : i32
      %dma_wait3A_44 = tpu.memref_slice %arg11[%add3A_10, %dma_wait3A_43] : memref<50000x16xf32, #tpu.memory_space<vmem_shared>> -> memref<625x16xf32, #tpu.memory_space<vmem_shared>>
      tpu.wait_dma2 semaphore(%run_scoped3A : memref<!tpu.dma_semaphore, #tpu.memory_space<semaphore_mem>>) src(%arg10 : memref<625x16xf32, #tpu.memory_space<vmem>>) dst(%dma_wait3A_44 : memref<625x16xf32, #tpu.memory_space<vmem_shared>>)
      tpu.yield
    }) : () -> ()
    %mul3A_11 = arith.constant 3125 : i32
    %mul3A_12 = arith.muli %arg1, %mul3A_11 : i32
    %add3A_13 = arith.constant 1250 : i32
    %add3A_14 = arith.addi %mul3A_12, %add3A_13 : i32
    "tpu.region"() ({
      %run_scoped3A = tpu.sem_alloc : memref<!tpu.dma_semaphore, #tpu.memory_space<semaphore_mem>>
      %dma_start3A = arith.constant 0 : i32
      %dma_start3A_39 = tpu.memref_slice %arg11[%add3A_14, %dma_start3A] : memref<50000x16xf32, #tpu.memory_space<vmem_shared>> -> memref<625x16xf32, #tpu.memory_space<vmem_shared>>
      %dma_start3A_40 = arith.constant 0 : i32
      %dma_start3A_41 = tpu.memref_slice %arg11[%add3A_14, %dma_start3A_40] : memref<50000x16xf32, #tpu.memory_space<vmem_shared>> -> memref<625x16xf32, #tpu.memory_space<vmem_shared>>
      tpu.enqueue_dma source(%arg10 : memref<625x16xf32, #tpu.memory_space<vmem>>) target(%dma_start3A_41 : memref<625x16xf32, #tpu.memory_space<vmem_shared>>) target_semaphore(%run_scoped3A : memref<!tpu.dma_semaphore, #tpu.memory_space<semaphore_mem>>)
      %dma_wait3A = arith.constant 0 : i32
      %dma_wait3A_42 = tpu.memref_slice %arg11[%add3A_14, %dma_wait3A] : memref<50000x16xf32, #tpu.memory_space<vmem_shared>> -> memref<625x16xf32, #tpu.memory_space<vmem_shared>>
      %dma_wait3A_43 = arith.constant 0 : i32
      %dma_wait3A_44 = tpu.memref_slice %arg11[%add3A_14, %dma_wait3A_43] : memref<50000x16xf32, #tpu.memory_space<vmem_shared>> -> memref<625x16xf32, #tpu.memory_space<vmem_shared>>
      tpu.wait_dma2 semaphore(%run_scoped3A : memref<!tpu.dma_semaphore, #tpu.memory_space<semaphore_mem>>) src(%arg10 : memref<625x16xf32, #tpu.memory_space<vmem>>) dst(%dma_wait3A_44 : memref<625x16xf32, #tpu.memory_space<vmem_shared>>)
      tpu.yield
    }) : () -> ()
    %mul3A_15 = arith.constant 3125 : i32
    %mul3A_16 = arith.muli %arg1, %mul3A_15 : i32
    %add3A_17 = arith.constant 1875 : i32
    %add3A_18 = arith.addi %mul3A_16, %add3A_17 : i32
    "tpu.region"() ({
      %run_scoped3A = tpu.sem_alloc : memref<!tpu.dma_semaphore, #tpu.memory_space<semaphore_mem>>
      %dma_start3A = arith.constant 0 : i32
      %dma_start3A_39 = tpu.memref_slice %arg11[%add3A_18, %dma_start3A] : memref<50000x16xf32, #tpu.memory_space<vmem_shared>> -> memref<625x16xf32, #tpu.memory_space<vmem_shared>>
      %dma_start3A_40 = arith.constant 0 : i32
      %dma_start3A_41 = tpu.memref_slice %arg11[%add3A_18, %dma_start3A_40] : memref<50000x16xf32, #tpu.memory_space<vmem_shared>> -> memref<625x16xf32, #tpu.memory_space<vmem_shared>>
      tpu.enqueue_dma source(%arg10 : memref<625x16xf32, #tpu.memory_space<vmem>>) target(%dma_start3A_41 : memref<625x16xf32, #tpu.memory_space<vmem_shared>>) target_semaphore(%run_scoped3A : memref<!tpu.dma_semaphore, #tpu.memory_space<semaphore_mem>>)
      %dma_wait3A = arith.constant 0 : i32
      %dma_wait3A_42 = tpu.memref_slice %arg11[%add3A_18, %dma_wait3A] : memref<50000x16xf32, #tpu.memory_space<vmem_shared>> -> memref<625x16xf32, #tpu.memory_space<vmem_shared>>
      %dma_wait3A_43 = arith.constant 0 : i32
      %dma_wait3A_44 = tpu.memref_slice %arg11[%add3A_18, %dma_wait3A_43] : memref<50000x16xf32, #tpu.memory_space<vmem_shared>> -> memref<625x16xf32, #tpu.memory_space<vmem_shared>>
      tpu.wait_dma2 semaphore(%run_scoped3A : memref<!tpu.dma_semaphore, #tpu.memory_space<semaphore_mem>>) src(%arg10 : memref<625x16xf32, #tpu.memory_space<vmem>>) dst(%dma_wait3A_44 : memref<625x16xf32, #tpu.memory_space<vmem_shared>>)
      tpu.yield
    }) : () -> ()
    %mul3A_19 = arith.constant 3125 : i32
    %mul3A_20 = arith.muli %arg1, %mul3A_19 : i32
    %add3A_21 = arith.constant 2500 : i32
    %add3A_22 = arith.addi %mul3A_20, %add3A_21 : i32
    "tpu.region"() ({
      %run_scoped3A = tpu.sem_alloc : memref<!tpu.dma_semaphore, #tpu.memory_space<semaphore_mem>>
      %dma_start3A = arith.constant 0 : i32
      %dma_start3A_39 = tpu.memref_slice %arg11[%add3A_22, %dma_start3A] : memref<50000x16xf32, #tpu.memory_space<vmem_shared>> -> memref<625x16xf32, #tpu.memory_space<vmem_shared>>
      %dma_start3A_40 = arith.constant 0 : i32
      %dma_start3A_41 = tpu.memref_slice %arg11[%add3A_22, %dma_start3A_40] : memref<50000x16xf32, #tpu.memory_space<vmem_shared>> -> memref<625x16xf32, #tpu.memory_space<vmem_shared>>
      tpu.enqueue_dma source(%arg10 : memref<625x16xf32, #tpu.memory_space<vmem>>) target(%dma_start3A_41 : memref<625x16xf32, #tpu.memory_space<vmem_shared>>) target_semaphore(%run_scoped3A : memref<!tpu.dma_semaphore, #tpu.memory_space<semaphore_mem>>)
      %dma_wait3A = arith.constant 0 : i32
      %dma_wait3A_42 = tpu.memref_slice %arg11[%add3A_22, %dma_wait3A] : memref<50000x16xf32, #tpu.memory_space<vmem_shared>> -> memref<625x16xf32, #tpu.memory_space<vmem_shared>>
      %dma_wait3A_43 = arith.constant 0 : i32
      %dma_wait3A_44 = tpu.memref_slice %arg11[%add3A_22, %dma_wait3A_43] : memref<50000x16xf32, #tpu.memory_space<vmem_shared>> -> memref<625x16xf32, #tpu.memory_space<vmem_shared>>
      tpu.wait_dma2 semaphore(%run_scoped3A : memref<!tpu.dma_semaphore, #tpu.memory_space<semaphore_mem>>) src(%arg10 : memref<625x16xf32, #tpu.memory_space<vmem>>) dst(%dma_wait3A_44 : memref<625x16xf32, #tpu.memory_space<vmem_shared>>)
      tpu.yield
    }) : () -> ()
    %barrier3A = arith.constant 0 : index
    tpu.barrier barrier_id(%barrier3A)
    %mul3A_23 = arith.constant 50000 : i32
    %mul3A_24 = arith.muli %arg1, %mul3A_23 : i32
    %scan3A_25 = arith.constant 0 : i32
    %scan3A_26 = arith.constant 0 : i32
    %scan3A_27 = arith.constant 50 : i32
    %scan3A_28 = arith.addi %scan3A_26, %scan3A_27 : i32
    %scan3A_29 = arith.constant 1 : i32
    scf.for %scan3A_39 = %scan3A_26 to %scan3A_28 step %scan3A_29  : i32 {
      %mul3A_40 = arith.constant 1000 : i32
      %mul3A_41 = arith.muli %scan3A_39, %mul3A_40 : i32
      %add3A_42 = arith.addi %mul3A_24, %mul3A_41 : i32
      "tpu.region"() ({
        %run_scoped3A = tpu.sem_alloc : memref<!tpu.dma_semaphore, #tpu.memory_space<semaphore_mem>>
        %dma_start3A = tpu.memref_slice %arg4[%add3A_42] : memref<800000xi32, #tpu.memory_space<hbm>> -> memref<1000xi32, #tpu.memory_space<hbm>>
        %dma_start3A_53 = tpu.memref_slice %arg4[%add3A_42] : memref<800000xi32, #tpu.memory_space<hbm>> -> memref<1000xi32, #tpu.memory_space<hbm>>
        tpu.enqueue_dma source(%dma_start3A_53 : memref<1000xi32, #tpu.memory_space<hbm>>) target(%arg7 : memref<1000xi32, #tpu.memory_space<vmem>>) target_semaphore(%run_scoped3A : memref<!tpu.dma_semaphore, #tpu.memory_space<semaphore_mem>>)
        %dma_wait3A = tpu.memref_slice %arg4[%add3A_42] : memref<800000xi32, #tpu.memory_space<hbm>> -> memref<1000xi32, #tpu.memory_space<hbm>>
        %dma_wait3A_54 = tpu.memref_slice %arg4[%add3A_42] : memref<800000xi32, #tpu.memory_space<hbm>> -> memref<1000xi32, #tpu.memory_space<hbm>>
        tpu.wait_dma2 semaphore(%run_scoped3A : memref<!tpu.dma_semaphore, #tpu.memory_space<semaphore_mem>>) src(%dma_wait3A_54 : memref<1000xi32, #tpu.memory_space<hbm>>) dst(%arg7 : memref<1000xi32, #tpu.memory_space<vmem>>)
        tpu.yield
      }) : () -> ()
      "tpu.region"() ({
        %run_scoped3A = tpu.sem_alloc : memref<!tpu.dma_semaphore, #tpu.memory_space<semaphore_mem>>
        %dma_start3A = tpu.memref_slice %arg5[%add3A_42] : memref<800000xi32, #tpu.memory_space<hbm>> -> memref<1000xi32, #tpu.memory_space<hbm>>
        %dma_start3A_53 = tpu.memref_slice %arg5[%add3A_42] : memref<800000xi32, #tpu.memory_space<hbm>> -> memref<1000xi32, #tpu.memory_space<hbm>>
        tpu.enqueue_dma source(%dma_start3A_53 : memref<1000xi32, #tpu.memory_space<hbm>>) target(%arg8 : memref<1000xi32, #tpu.memory_space<vmem>>) target_semaphore(%run_scoped3A : memref<!tpu.dma_semaphore, #tpu.memory_space<semaphore_mem>>)
        %dma_wait3A = tpu.memref_slice %arg5[%add3A_42] : memref<800000xi32, #tpu.memory_space<hbm>> -> memref<1000xi32, #tpu.memory_space<hbm>>
        %dma_wait3A_54 = tpu.memref_slice %arg5[%add3A_42] : memref<800000xi32, #tpu.memory_space<hbm>> -> memref<1000xi32, #tpu.memory_space<hbm>>
        tpu.wait_dma2 semaphore(%run_scoped3A : memref<!tpu.dma_semaphore, #tpu.memory_space<semaphore_mem>>) src(%dma_wait3A_54 : memref<1000xi32, #tpu.memory_space<hbm>>) dst(%arg8 : memref<1000xi32, #tpu.memory_space<vmem>>)
        tpu.yield
      }) : () -> ()
      %eq3A_43 = arith.constant 0 : i32
      %eq3A_44 = arith.cmpi eq, %arg0, %eq3A_43 : i32
      %convert_element_type3A_45 = arith.extui %eq3A_44 : i1 to i32
      %cond3A_46 = arith.constant 0 : i32
      %cond3A_47 = arith.cmpi ne, %convert_element_type3A_45, %cond3A_46 : i32
      scf.if %cond3A_47 {
        %dma_start3A = arith.constant 0 : i32
        %dma_start3A_53 = arith.constant 0 : i32
        %dma_start3A_54 = tpu.memref_slice %arg2[%dma_start3A, %dma_start3A_53] : memref<50000x16xf32, #tpu.memory_space<hbm>> -> memref<50000x16xf32, #tpu.memory_space<hbm>>
        tpu.enqueue_indirect_dma source(%dma_start3A_54 : memref<50000x16xf32, #tpu.memory_space<hbm>>) target(%arg9 : memref<1000x16xf32, #tpu.memory_space<vmem>>) offsets(%arg7 : memref<1000xi32, #tpu.memory_space<vmem>>) semaphore(%arg12 : memref<!tpu.dma_semaphore, #tpu.memory_space<semaphore_mem>>)
        %dma_wait3A = arith.constant 0 : i32
        %dma_wait3A_55 = arith.constant 0 : i32
        %dma_wait3A_56 = tpu.memref_slice %arg2[%dma_wait3A, %dma_wait3A_55] : memref<50000x16xf32, #tpu.memory_space<hbm>> -> memref<50000x16xf32, #tpu.memory_space<hbm>>
        tpu.wait_indirect_dma semaphore(%arg12 : memref<!tpu.dma_semaphore, #tpu.memory_space<semaphore_mem>>) src(%dma_wait3A_56 : memref<50000x16xf32, #tpu.memory_space<hbm>>) dst(%arg9 : memref<1000x16xf32, #tpu.memory_space<vmem>>)
      } else {
      }
      %eq3A_48 = arith.constant 1 : i32
      %eq3A_49 = arith.cmpi eq, %arg0, %eq3A_48 : i32
      %convert_element_type3A_50 = arith.extui %eq3A_49 : i1 to i32
      %cond3A_51 = arith.constant 0 : i32
      %cond3A_52 = arith.cmpi ne, %convert_element_type3A_50, %cond3A_51 : i32
      scf.if %cond3A_52 {
        %dma_start3A = arith.constant 0 : i32
        %dma_start3A_53 = arith.constant 0 : i32
        %dma_start3A_54 = tpu.memref_slice %arg3[%dma_start3A, %dma_start3A_53] : memref<50000x16xf32, #tpu.memory_space<hbm>> -> memref<50000x16xf32, #tpu.memory_space<hbm>>
        tpu.enqueue_indirect_dma source(%dma_start3A_54 : memref<50000x16xf32, #tpu.memory_space<hbm>>) target(%arg9 : memref<1000x16xf32, #tpu.memory_space<vmem>>) offsets(%arg7 : memref<1000xi32, #tpu.memory_space<vmem>>) semaphore(%arg12 : memref<!tpu.dma_semaphore, #tpu.memory_space<semaphore_mem>>)
        %dma_wait3A = arith.constant 0 : i32
        %dma_wait3A_55 = arith.constant 0 : i32
        %dma_wait3A_56 = tpu.memref_slice %arg3[%dma_wait3A, %dma_wait3A_55] : memref<50000x16xf32, #tpu.memory_space<hbm>> -> memref<50000x16xf32, #tpu.memory_space<hbm>>
        tpu.wait_indirect_dma semaphore(%arg12 : memref<!tpu.dma_semaphore, #tpu.memory_space<semaphore_mem>>) src(%dma_wait3A_56 : memref<50000x16xf32, #tpu.memory_space<hbm>>) dst(%arg9 : memref<1000x16xf32, #tpu.memory_space<vmem>>)
      } else {
      }
      "tpu.region"() ({
        %run_scoped3A = tpu.sem_alloc : memref<!tpu.dma_semaphore, #tpu.memory_space<semaphore_mem>>
        %dma_start3A = arith.constant 0 : i32
        %dma_start3A_53 = arith.constant 0 : i32
        %dma_start3A_54 = tpu.memref_slice %arg11[%dma_start3A, %dma_start3A_53] : memref<50000x16xf32, #tpu.memory_space<vmem_shared>> -> memref<50000x16xf32, #tpu.memory_space<vmem_shared>>
        tpu.enqueue_indirect_dma source(%arg9 : memref<1000x16xf32, #tpu.memory_space<vmem>>) target(%dma_start3A_54 : memref<50000x16xf32, #tpu.memory_space<vmem_shared>>) offsets(%arg8 : memref<1000xi32, #tpu.memory_space<vmem>>) semaphore(%run_scoped3A : memref<!tpu.dma_semaphore, #tpu.memory_space<semaphore_mem>>) {add = true}
        %dma_wait3A = arith.constant 0 : i32
        %dma_wait3A_55 = arith.constant 0 : i32
        %dma_wait3A_56 = tpu.memref_slice %arg11[%dma_wait3A, %dma_wait3A_55] : memref<50000x16xf32, #tpu.memory_space<vmem_shared>> -> memref<50000x16xf32, #tpu.memory_space<vmem_shared>>
        tpu.wait_indirect_dma semaphore(%run_scoped3A : memref<!tpu.dma_semaphore, #tpu.memory_space<semaphore_mem>>) src(%arg9 : memref<1000x16xf32, #tpu.memory_space<vmem>>) dst(%dma_wait3A_56 : memref<50000x16xf32, #tpu.memory_space<vmem_shared>>)
        tpu.yield
      }) : () -> ()
    }
    %scan3A_30 = arith.constant 50 : i32
    %barrier3A_31 = arith.constant 0 : index
    tpu.barrier barrier_id(%barrier3A_31)
    %eq3A = arith.constant 0 : i32
    %eq3A_32 = arith.cmpi eq, %arg0, %eq3A : i32
    %convert_element_type3A = arith.extui %eq3A_32 : i1 to i32
    %cond3A = arith.constant 0 : i32
    %cond3A_33 = arith.cmpi ne, %convert_element_type3A, %cond3A : i32
    scf.if %cond3A_33 {
      %mul3A_39 = arith.constant 3125 : i32
      %mul3A_40 = arith.muli %arg1, %mul3A_39 : i32
      %mul3A_41 = arith.constant 3125 : i32
      %mul3A_42 = arith.muli %arg1, %mul3A_41 : i32
      %run_scoped3A = arith.constant 0 : i32
      "tpu.region"() ({
        %run_scoped3A_43 = tpu.sem_alloc : memref<!tpu.dma_semaphore, #tpu.memory_space<semaphore_mem>>
        %dma_start3A = arith.constant 0 : i32
        %dma_start3A_44 = tpu.memref_slice %arg6[%run_scoped3A, %mul3A_42, %dma_start3A] : memref<2x50000x16xf32, #tpu.memory_space<hbm>> -> memref<1x3125x16xf32, #tpu.memory_space<hbm>>
        %dma_start3A_45 = tpu.memref_squeeze %dma_start3A_44 : memref<1x3125x16xf32, #tpu.memory_space<hbm>> -> memref<3125x16xf32, #tpu.memory_space<hbm>>
        %dma_start3A_46 = arith.constant 0 : i32
        %dma_start3A_47 = tpu.memref_slice %arg11[%mul3A_40, %dma_start3A_46] : memref<50000x16xf32, #tpu.memory_space<vmem_shared>> -> memref<3125x16xf32, #tpu.memory_space<vmem_shared>>
        tpu.enqueue_dma source(%dma_start3A_47 : memref<3125x16xf32, #tpu.memory_space<vmem_shared>>) target(%dma_start3A_45 : memref<3125x16xf32, #tpu.memory_space<hbm>>) target_semaphore(%run_scoped3A_43 : memref<!tpu.dma_semaphore, #tpu.memory_space<semaphore_mem>>)
        %dma_wait3A = arith.constant 0 : i32
        %dma_wait3A_48 = tpu.memref_slice %arg6[%run_scoped3A, %mul3A_42, %dma_wait3A] : memref<2x50000x16xf32, #tpu.memory_space<hbm>> -> memref<1x3125x16xf32, #tpu.memory_space<hbm>>
        %dma_wait3A_49 = tpu.memref_squeeze %dma_wait3A_48 : memref<1x3125x16xf32, #tpu.memory_space<hbm>> -> memref<3125x16xf32, #tpu.memory_space<hbm>>
        %dma_wait3A_50 = arith.constant 0 : i32
        %dma_wait3A_51 = tpu.memref_slice %arg11[%mul3A_40, %dma_wait3A_50] : memref<50000x16xf32, #tpu.memory_space<vmem_shared>> -> memref<3125x16xf32, #tpu.memory_space<vmem_shared>>
        tpu.wait_dma2 semaphore(%run_scoped3A_43 : memref<!tpu.dma_semaphore, #tpu.memory_space<semaphore_mem>>) src(%dma_wait3A_51 : memref<3125x16xf32, #tpu.memory_space<vmem_shared>>) dst(%dma_wait3A_49 : memref<3125x16xf32, #tpu.memory_space<hbm>>)
        tpu.yield
      }) : () -> ()
    } else {
    }
    %eq3A_34 = arith.constant 1 : i32
    %eq3A_35 = arith.cmpi eq, %arg0, %eq3A_34 : i32
    %convert_element_type3A_36 = arith.extui %eq3A_35 : i1 to i32
    %cond3A_37 = arith.constant 0 : i32
    %cond3A_38 = arith.cmpi ne, %convert_element_type3A_36, %cond3A_37 : i32
    scf.if %cond3A_38 {
      %mul3A_39 = arith.constant 3125 : i32
      %mul3A_40 = arith.muli %arg1, %mul3A_39 : i32
      %mul3A_41 = arith.constant 3125 : i32
      %mul3A_42 = arith.muli %arg1, %mul3A_41 : i32
      %run_scoped3A = arith.constant 1 : i32
      "tpu.region"() ({
        %run_scoped3A_43 = tpu.sem_alloc : memref<!tpu.dma_semaphore, #tpu.memory_space<semaphore_mem>>
        %dma_start3A = arith.constant 0 : i32
        %dma_start3A_44 = tpu.memref_slice %arg6[%run_scoped3A, %mul3A_42, %dma_start3A] : memref<2x50000x16xf32, #tpu.memory_space<hbm>> -> memref<1x3125x16xf32, #tpu.memory_space<hbm>>
        %dma_start3A_45 = tpu.memref_squeeze %dma_start3A_44 : memref<1x3125x16xf32, #tpu.memory_space<hbm>> -> memref<3125x16xf32, #tpu.memory_space<hbm>>
        %dma_start3A_46 = arith.constant 0 : i32
        %dma_start3A_47 = tpu.memref_slice %arg11[%mul3A_40, %dma_start3A_46] : memref<50000x16xf32, #tpu.memory_space<vmem_shared>> -> memref<3125x16xf32, #tpu.memory_space<vmem_shared>>
        tpu.enqueue_dma source(%dma_start3A_47 : memref<3125x16xf32, #tpu.memory_space<vmem_shared>>) target(%dma_start3A_45 : memref<3125x16xf32, #tpu.memory_space<hbm>>) target_semaphore(%run_scoped3A_43 : memref<!tpu.dma_semaphore, #tpu.memory_space<semaphore_mem>>)
        %dma_wait3A = arith.constant 0 : i32
        %dma_wait3A_48 = tpu.memref_slice %arg6[%run_scoped3A, %mul3A_42, %dma_wait3A] : memref<2x50000x16xf32, #tpu.memory_space<hbm>> -> memref<1x3125x16xf32, #tpu.memory_space<hbm>>
        %dma_wait3A_49 = tpu.memref_squeeze %dma_wait3A_48 : memref<1x3125x16xf32, #tpu.memory_space<hbm>> -> memref<3125x16xf32, #tpu.memory_space<hbm>>
        %dma_wait3A_50 = arith.constant 0 : i32
        %dma_wait3A_51 = tpu.memref_slice %arg11[%mul3A_40, %dma_wait3A_50] : memref<50000x16xf32, #tpu.memory_space<vmem_shared>> -> memref<3125x16xf32, #tpu.memory_space<vmem_shared>>
        tpu.wait_dma2 semaphore(%run_scoped3A_43 : memref<!tpu.dma_semaphore, #tpu.memory_space<semaphore_mem>>) src(%dma_wait3A_51 : memref<3125x16xf32, #tpu.memory_space<vmem_shared>>) dst(%dma_wait3A_49 : memref<3125x16xf32, #tpu.memory_space<hbm>>)
        tpu.yield
      }) : () -> ()
    } else {
    }
    return
  }
}

#map = affine_map<(d0, d1) -> (0, 0)>
#map1 = affine_map<(d0, d1) -> (0)>
#map2 = affine_map<(d0, d1) -> (0, 0, 0)>
module attributes {stable_mosaic.version = 14 : i64} {
  func.func @body(%arg0: i32, %arg1: i32, %arg2: memref<50000x16xf32, #tpu.memory_space<hbm>>, %arg3: memref<50000x16xf32, #tpu.memory_space<hbm>>, %arg4: memref<800000xi32, #tpu.memory_space<hbm>>, %arg5: memref<800000xi32, #tpu.memory_space<hbm>>, %arg6: memref<2x50000x16xf32, #tpu.memory_space<hbm>>, %arg7: memref<1000xi32, #tpu.memory_space<vmem>>, %arg8: memref<1000xi32, #tpu.memory_space<vmem>>, %arg9: memref<1000x16xf32, #tpu.memory_space<vmem>>, %arg10: memref<625x16xf32, #tpu.memory_space<vmem>>, %arg11: memref<50000x16xf32, #tpu.memory_space<vmem_shared>>, %arg12: memref<!tpu.dma_semaphore, #tpu.memory_space<semaphore_mem>>) attributes {dimension_semantics = [#tpu.dimension_semantics<core_parallel>, #tpu.dimension_semantics<subcore_parallel>], iteration_bounds = array<i64: 2, 16>, scalar_prefetch = 0 : i64, scratch_operands = 6 : i64, tpu.core_type = #tpu.core_type<sc_vector_subcore>, window_params = [{transform_indices = #map}, {transform_indices = #map}, {transform_indices = #map1}, {transform_indices = #map1}, {transform_indices = #map2}]} {
    %scan3A = arith.constant 0 : i32
    %scan3A_0 = arith.constant 0 : i32
    %scan3A_1 = arith.constant 625 : i32
    %scan3A_2 = arith.addi %scan3A_0, %scan3A_1 : i32
    %scan3A_3 = arith.constant 1 : i32
    scf.for %scan3A_39 = %scan3A_0 to %scan3A_2 step %scan3A_3  : i32 {
      %broadcast_in_dim3A = arith.constant 0.000000e+00 : f32
      %broadcast_in_dim3A_40 = vector.broadcast %broadcast_in_dim3A : f32 to vector<16xf32>
      %swap3A = arith.index_cast %scan3A_39 : i32 to index
      %swap3A_41 = arith.constant 0 : index
      %swap3A_42 = tpu.vector_load %arg10[%swap3A, %swap3A_41] {strides = array<i32>} : memref<625x16xf32, #tpu.memory_space<vmem>>, vector<1x16xf32>,
      %swap3A_43 = vector.shape_cast %swap3A_42 : vector<1x16xf32> to vector<16xf32>
      %swap3A_44 = vector.shape_cast %broadcast_in_dim3A_40 : vector<16xf32> to vector<1x16xf32>
      tpu.vector_store %arg10[%swap3A, %swap3A_41], %swap3A_44 {strides = array<i32>} : memref<625x16xf32, #tpu.memory_space<vmem>>, vector<1x16xf32>,
    }
    %scan3A_4 = arith.constant 625 : i32
    %mul3A = arith.constant 3125 : i32
    %mul3A_5 = arith.muli %arg1, %mul3A : i32
    %add3A = arith.constant 0 : i32
    %add3A_6 = arith.addi %mul3A_5, %add3A : i32
    "tpu.region"() ({
      %run_scoped3A = tpu.sem_alloc : memref<!tpu.dma_semaphore, #tpu.memory_space<semaphore_mem>>
      %dma_start3A = arith.constant 0 : i32
      %dma_start3A_39 = tpu.memref_slice %arg11[%add3A_6, %dma_start3A] : memref<50000x16xf32, #tpu.memory_space<vmem_shared>> -> memref<625x16xf32, #tpu.memory_space<vmem_shared>>
      %dma_start3A_40 = arith.constant 0 : i32
      %dma_start3A_41 = tpu.memref_slice %arg11[%add3A_6, %dma_start3A_40] : memref<50000x16xf32, #tpu.memory_space<vmem_shared>> -> memref<625x16xf32, #tpu.memory_space<vmem_shared>>
      tpu.enqueue_dma source(%arg10 : memref<625x16xf32, #tpu.memory_space<vmem>>) target(%dma_start3A_41 : memref<625x16xf32, #tpu.memory_space<vmem_shared>>) target_semaphore(%run_scoped3A : memref<!tpu.dma_semaphore, #tpu.memory_space<semaphore_mem>>)
      %dma_wait3A = arith.constant 0 : i32
      %dma_wait3A_42 = tpu.memref_slice %arg11[%add3A_6, %dma_wait3A] : memref<50000x16xf32, #tpu.memory_space<vmem_shared>> -> memref<625x16xf32, #tpu.memory_space<vmem_shared>>
      %dma_wait3A_43 = arith.constant 0 : i32
      %dma_wait3A_44 = tpu.memref_slice %arg11[%add3A_6, %dma_wait3A_43] : memref<50000x16xf32, #tpu.memory_space<vmem_shared>> -> memref<625x16xf32, #tpu.memory_space<vmem_shared>>
      tpu.wait_dma2 semaphore(%run_scoped3A : memref<!tpu.dma_semaphore, #tpu.memory_space<semaphore_mem>>) src(%arg10 : memref<625x16xf32, #tpu.memory_space<vmem>>) dst(%dma_wait3A_44 : memref<625x16xf32, #tpu.memory_space<vmem_shared>>)
      tpu.yield
    }) : () -> ()
    %mul3A_7 = arith.constant 3125 : i32
    %mul3A_8 = arith.muli %arg1, %mul3A_7 : i32
    %add3A_9 = arith.constant 625 : i32
    %add3A_10 = arith.addi %mul3A_8, %add3A_9 : i32
    "tpu.region"() ({
      %run_scoped3A = tpu.sem_alloc : memref<!tpu.dma_semaphore, #tpu.memory_space<semaphore_mem>>
      %dma_start3A = arith.constant 0 : i32
      %dma_start3A_39 = tpu.memref_slice %arg11[%add3A_10, %dma_start3A] : memref<50000x16xf32, #tpu.memory_space<vmem_shared>> -> memref<625x16xf32, #tpu.memory_space<vmem_shared>>
      %dma_start3A_40 = arith.constant 0 : i32
      %dma_start3A_41 = tpu.memref_slice %arg11[%add3A_10, %dma_start3A_40] : memref<50000x16xf32, #tpu.memory_space<vmem_shared>> -> memref<625x16xf32, #tpu.memory_space<vmem_shared>>
      tpu.enqueue_dma source(%arg10 : memref<625x16xf32, #tpu.memory_space<vmem>>) target(%dma_start3A_41 : memref<625x16xf32, #tpu.memory_space<vmem_shared>>) target_semaphore(%run_scoped3A : memref<!tpu.dma_semaphore, #tpu.memory_space<semaphore_mem>>)
      %dma_wait3A = arith.constant 0 : i32
      %dma_wait3A_42 = tpu.memref_slice %arg11[%add3A_10, %dma_wait3A] : memref<50000x16xf32, #tpu.memory_space<vmem_shared>> -> memref<625x16xf32, #tpu.memory_space<vmem_shared>>
      %dma_wait3A_43 = arith.constant 0 : i32
      %dma_wait3A_44 = tpu.memref_slice %arg11[%add3A_10, %dma_wait3A_43] : memref<50000x16xf32, #tpu.memory_space<vmem_shared>> -> memref<625x16xf32, #tpu.memory_space<vmem_shared>>
      tpu.wait_dma2 semaphore(%run_scoped3A : memref<!tpu.dma_semaphore, #tpu.memory_space<semaphore_mem>>) src(%arg10 : memref<625x16xf32, #tpu.memory_space<vmem>>) dst(%dma_wait3A_44 : memref<625x16xf32, #tpu.memory_space<vmem_shared>>)
      tpu.yield
    }) : () -> ()
    %mul3A_11 = arith.constant 3125 : i32
    %mul3A_12 = arith.muli %arg1, %mul3A_11 : i32
    %add3A_13 = arith.constant 1250 : i32
    %add3A_14 = arith.addi %mul3A_12, %add3A_13 : i32
    "tpu.region"() ({
      %run_scoped3A = tpu.sem_alloc : memref<!tpu.dma_semaphore, #tpu.memory_space<semaphore_mem>>
      %dma_start3A = arith.constant 0 : i32
      %dma_start3A_39 = tpu.memref_slice %arg11[%add3A_14, %dma_start3A] : memref<50000x16xf32, #tpu.memory_space<vmem_shared>> -> memref<625x16xf32, #tpu.memory_space<vmem_shared>>
      %dma_start3A_40 = arith.constant 0 : i32
      %dma_start3A_41 = tpu.memref_slice %arg11[%add3A_14, %dma_start3A_40] : memref<50000x16xf32, #tpu.memory_space<vmem_shared>> -> memref<625x16xf32, #tpu.memory_space<vmem_shared>>
      tpu.enqueue_dma source(%arg10 : memref<625x16xf32, #tpu.memory_space<vmem>>) target(%dma_start3A_41 : memref<625x16xf32, #tpu.memory_space<vmem_shared>>) target_semaphore(%run_scoped3A : memref<!tpu.dma_semaphore, #tpu.memory_space<semaphore_mem>>)
      %dma_wait3A = arith.constant 0 : i32
      %dma_wait3A_42 = tpu.memref_slice %arg11[%add3A_14, %dma_wait3A] : memref<50000x16xf32, #tpu.memory_space<vmem_shared>> -> memref<625x16xf32, #tpu.memory_space<vmem_shared>>
      %dma_wait3A_43 = arith.constant 0 : i32
      %dma_wait3A_44 = tpu.memref_slice %arg11[%add3A_14, %dma_wait3A_43] : memref<50000x16xf32, #tpu.memory_space<vmem_shared>> -> memref<625x16xf32, #tpu.memory_space<vmem_shared>>
      tpu.wait_dma2 semaphore(%run_scoped3A : memref<!tpu.dma_semaphore, #tpu.memory_space<semaphore_mem>>) src(%arg10 : memref<625x16xf32, #tpu.memory_space<vmem>>) dst(%dma_wait3A_44 : memref<625x16xf32, #tpu.memory_space<vmem_shared>>)
      tpu.yield
    }) : () -> ()
    %mul3A_15 = arith.constant 3125 : i32
    %mul3A_16 = arith.muli %arg1, %mul3A_15 : i32
    %add3A_17 = arith.constant 1875 : i32
    %add3A_18 = arith.addi %mul3A_16, %add3A_17 : i32
    "tpu.region"() ({
      %run_scoped3A = tpu.sem_alloc : memref<!tpu.dma_semaphore, #tpu.memory_space<semaphore_mem>>
      %dma_start3A = arith.constant 0 : i32
      %dma_start3A_39 = tpu.memref_slice %arg11[%add3A_18, %dma_start3A] : memref<50000x16xf32, #tpu.memory_space<vmem_shared>> -> memref<625x16xf32, #tpu.memory_space<vmem_shared>>
      %dma_start3A_40 = arith.constant 0 : i32
      %dma_start3A_41 = tpu.memref_slice %arg11[%add3A_18, %dma_start3A_40] : memref<50000x16xf32, #tpu.memory_space<vmem_shared>> -> memref<625x16xf32, #tpu.memory_space<vmem_shared>>
      tpu.enqueue_dma source(%arg10 : memref<625x16xf32, #tpu.memory_space<vmem>>) target(%dma_start3A_41 : memref<625x16xf32, #tpu.memory_space<vmem_shared>>) target_semaphore(%run_scoped3A : memref<!tpu.dma_semaphore, #tpu.memory_space<semaphore_mem>>)
      %dma_wait3A = arith.constant 0 : i32
      %dma_wait3A_42 = tpu.memref_slice %arg11[%add3A_18, %dma_wait3A] : memref<50000x16xf32, #tpu.memory_space<vmem_shared>> -> memref<625x16xf32, #tpu.memory_space<vmem_shared>>
      %dma_wait3A_43 = arith.constant 0 : i32
      %dma_wait3A_44 = tpu.memref_slice %arg11[%add3A_18, %dma_wait3A_43] : memref<50000x16xf32, #tpu.memory_space<vmem_shared>> -> memref<625x16xf32, #tpu.memory_space<vmem_shared>>
      tpu.wait_dma2 semaphore(%run_scoped3A : memref<!tpu.dma_semaphore, #tpu.memory_space<semaphore_mem>>) src(%arg10 : memref<625x16xf32, #tpu.memory_space<vmem>>) dst(%dma_wait3A_44 : memref<625x16xf32, #tpu.memory_space<vmem_shared>>)
      tpu.yield
    }) : () -> ()
    %mul3A_19 = arith.constant 3125 : i32
    %mul3A_20 = arith.muli %arg1, %mul3A_19 : i32
    %add3A_21 = arith.constant 2500 : i32
    %add3A_22 = arith.addi %mul3A_20, %add3A_21 : i32
    "tpu.region"() ({
      %run_scoped3A = tpu.sem_alloc : memref<!tpu.dma_semaphore, #tpu.memory_space<semaphore_mem>>
      %dma_start3A = arith.constant 0 : i32
      %dma_start3A_39 = tpu.memref_slice %arg11[%add3A_22, %dma_start3A] : memref<50000x16xf32, #tpu.memory_space<vmem_shared>> -> memref<625x16xf32, #tpu.memory_space<vmem_shared>>
      %dma_start3A_40 = arith.constant 0 : i32
      %dma_start3A_41 = tpu.memref_slice %arg11[%add3A_22, %dma_start3A_40] : memref<50000x16xf32, #tpu.memory_space<vmem_shared>> -> memref<625x16xf32, #tpu.memory_space<vmem_shared>>
      tpu.enqueue_dma source(%arg10 : memref<625x16xf32, #tpu.memory_space<vmem>>) target(%dma_start3A_41 : memref<625x16xf32, #tpu.memory_space<vmem_shared>>) target_semaphore(%run_scoped3A : memref<!tpu.dma_semaphore, #tpu.memory_space<semaphore_mem>>)
      %dma_wait3A = arith.constant 0 : i32
      %dma_wait3A_42 = tpu.memref_slice %arg11[%add3A_22, %dma_wait3A] : memref<50000x16xf32, #tpu.memory_space<vmem_shared>> -> memref<625x16xf32, #tpu.memory_space<vmem_shared>>
      %dma_wait3A_43 = arith.constant 0 : i32
      %dma_wait3A_44 = tpu.memref_slice %arg11[%add3A_22, %dma_wait3A_43] : memref<50000x16xf32, #tpu.memory_space<vmem_shared>> -> memref<625x16xf32, #tpu.memory_space<vmem_shared>>
      tpu.wait_dma2 semaphore(%run_scoped3A : memref<!tpu.dma_semaphore, #tpu.memory_space<semaphore_mem>>) src(%arg10 : memref<625x16xf32, #tpu.memory_space<vmem>>) dst(%dma_wait3A_44 : memref<625x16xf32, #tpu.memory_space<vmem_shared>>)
      tpu.yield
    }) : () -> ()
    %barrier3A = arith.constant 0 : index
    tpu.barrier barrier_id(%barrier3A)
    %mul3A_23 = arith.constant 50000 : i32
    %mul3A_24 = arith.muli %arg1, %mul3A_23 : i32
    %scan3A_25 = arith.constant 0 : i32
    %scan3A_26 = arith.constant 0 : i32
    %scan3A_27 = arith.constant 50 : i32
    %scan3A_28 = arith.addi %scan3A_26, %scan3A_27 : i32
    %scan3A_29 = arith.constant 1 : i32
    scf.for %scan3A_39 = %scan3A_26 to %scan3A_28 step %scan3A_29  : i32 {
      %mul3A_40 = arith.constant 1000 : i32
      %mul3A_41 = arith.muli %scan3A_39, %mul3A_40 : i32
      %add3A_42 = arith.addi %mul3A_24, %mul3A_41 : i32
      "tpu.region"() ({
        %run_scoped3A = tpu.sem_alloc : memref<!tpu.dma_semaphore, #tpu.memory_space<semaphore_mem>>
        %dma_start3A = tpu.memref_slice %arg4[%add3A_42] : memref<800000xi32, #tpu.memory_space<hbm>> -> memref<1000xi32, #tpu.memory_space<hbm>>
        %dma_start3A_53 = tpu.memref_slice %arg4[%add3A_42] : memref<800000xi32, #tpu.memory_space<hbm>> -> memref<1000xi32, #tpu.memory_space<hbm>>
        tpu.enqueue_dma source(%dma_start3A_53 : memref<1000xi32, #tpu.memory_space<hbm>>) target(%arg7 : memref<1000xi32, #tpu.memory_space<vmem>>) target_semaphore(%run_scoped3A : memref<!tpu.dma_semaphore, #tpu.memory_space<semaphore_mem>>)
        %dma_wait3A = tpu.memref_slice %arg4[%add3A_42] : memref<800000xi32, #tpu.memory_space<hbm>> -> memref<1000xi32, #tpu.memory_space<hbm>>
        %dma_wait3A_54 = tpu.memref_slice %arg4[%add3A_42] : memref<800000xi32, #tpu.memory_space<hbm>> -> memref<1000xi32, #tpu.memory_space<hbm>>
        tpu.wait_dma2 semaphore(%run_scoped3A : memref<!tpu.dma_semaphore, #tpu.memory_space<semaphore_mem>>) src(%dma_wait3A_54 : memref<1000xi32, #tpu.memory_space<hbm>>) dst(%arg7 : memref<1000xi32, #tpu.memory_space<vmem>>)
        tpu.yield
      }) : () -> ()
      "tpu.region"() ({
        %run_scoped3A = tpu.sem_alloc : memref<!tpu.dma_semaphore, #tpu.memory_space<semaphore_mem>>
        %dma_start3A = tpu.memref_slice %arg5[%add3A_42] : memref<800000xi32, #tpu.memory_space<hbm>> -> memref<1000xi32, #tpu.memory_space<hbm>>
        %dma_start3A_53 = tpu.memref_slice %arg5[%add3A_42] : memref<800000xi32, #tpu.memory_space<hbm>> -> memref<1000xi32, #tpu.memory_space<hbm>>
        tpu.enqueue_dma source(%dma_start3A_53 : memref<1000xi32, #tpu.memory_space<hbm>>) target(%arg8 : memref<1000xi32, #tpu.memory_space<vmem>>) target_semaphore(%run_scoped3A : memref<!tpu.dma_semaphore, #tpu.memory_space<semaphore_mem>>)
        %dma_wait3A = tpu.memref_slice %arg5[%add3A_42] : memref<800000xi32, #tpu.memory_space<hbm>> -> memref<1000xi32, #tpu.memory_space<hbm>>
        %dma_wait3A_54 = tpu.memref_slice %arg5[%add3A_42] : memref<800000xi32, #tpu.memory_space<hbm>> -> memref<1000xi32, #tpu.memory_space<hbm>>
        tpu.wait_dma2 semaphore(%run_scoped3A : memref<!tpu.dma_semaphore, #tpu.memory_space<semaphore_mem>>) src(%dma_wait3A_54 : memref<1000xi32, #tpu.memory_space<hbm>>) dst(%arg8 : memref<1000xi32, #tpu.memory_space<vmem>>)
        tpu.yield
      }) : () -> ()
      %eq3A_43 = arith.constant 0 : i32
      %eq3A_44 = arith.cmpi eq, %arg0, %eq3A_43 : i32
      %convert_element_type3A_45 = arith.extui %eq3A_44 : i1 to i32
      %cond3A_46 = arith.constant 0 : i32
      %cond3A_47 = arith.cmpi ne, %convert_element_type3A_45, %cond3A_46 : i32
      scf.if %cond3A_47 {
        %dma_start3A = arith.constant 0 : i32
        %dma_start3A_53 = arith.constant 0 : i32
        %dma_start3A_54 = tpu.memref_slice %arg2[%dma_start3A, %dma_start3A_53] : memref<50000x16xf32, #tpu.memory_space<hbm>> -> memref<50000x16xf32, #tpu.memory_space<hbm>>
        tpu.enqueue_indirect_dma source(%dma_start3A_54 : memref<50000x16xf32, #tpu.memory_space<hbm>>) target(%arg9 : memref<1000x16xf32, #tpu.memory_space<vmem>>) offsets(%arg7 : memref<1000xi32, #tpu.memory_space<vmem>>) semaphore(%arg12 : memref<!tpu.dma_semaphore, #tpu.memory_space<semaphore_mem>>)
        %dma_wait3A = arith.constant 0 : i32
        %dma_wait3A_55 = arith.constant 0 : i32
        %dma_wait3A_56 = tpu.memref_slice %arg2[%dma_wait3A, %dma_wait3A_55] : memref<50000x16xf32, #tpu.memory_space<hbm>> -> memref<50000x16xf32, #tpu.memory_space<hbm>>
        tpu.wait_indirect_dma semaphore(%arg12 : memref<!tpu.dma_semaphore, #tpu.memory_space<semaphore_mem>>) src(%dma_wait3A_56 : memref<50000x16xf32, #tpu.memory_space<hbm>>) dst(%arg9 : memref<1000x16xf32, #tpu.memory_space<vmem>>)
      } else {
      }
      %eq3A_48 = arith.constant 1 : i32
      %eq3A_49 = arith.cmpi eq, %arg0, %eq3A_48 : i32
      %convert_element_type3A_50 = arith.extui %eq3A_49 : i1 to i32
      %cond3A_51 = arith.constant 0 : i32
      %cond3A_52 = arith.cmpi ne, %convert_element_type3A_50, %cond3A_51 : i32
      scf.if %cond3A_52 {
        %dma_start3A = arith.constant 0 : i32
        %dma_start3A_53 = arith.constant 0 : i32
        %dma_start3A_54 = tpu.memref_slice %arg3[%dma_start3A, %dma_start3A_53] : memref<50000x16xf32, #tpu.memory_space<hbm>> -> memref<50000x16xf32, #tpu.memory_space<hbm>>
        tpu.enqueue_indirect_dma source(%dma_start3A_54 : memref<50000x16xf32, #tpu.memory_space<hbm>>) target(%arg9 : memref<1000x16xf32, #tpu.memory_space<vmem>>) offsets(%arg7 : memref<1000xi32, #tpu.memory_space<vmem>>) semaphore(%arg12 : memref<!tpu.dma_semaphore, #tpu.memory_space<semaphore_mem>>)
        %dma_wait3A = arith.constant 0 : i32
        %dma_wait3A_55 = arith.constant 0 : i32
        %dma_wait3A_56 = tpu.memref_slice %arg3[%dma_wait3A, %dma_wait3A_55] : memref<50000x16xf32, #tpu.memory_space<hbm>> -> memref<50000x16xf32, #tpu.memory_space<hbm>>
        tpu.wait_indirect_dma semaphore(%arg12 : memref<!tpu.dma_semaphore, #tpu.memory_space<semaphore_mem>>) src(%dma_wait3A_56 : memref<50000x16xf32, #tpu.memory_space<hbm>>) dst(%arg9 : memref<1000x16xf32, #tpu.memory_space<vmem>>)
      } else {
      }
      "tpu.region"() ({
        %run_scoped3A = tpu.sem_alloc : memref<!tpu.dma_semaphore, #tpu.memory_space<semaphore_mem>>
        %dma_start3A = arith.constant 0 : i32
        %dma_start3A_53 = arith.constant 0 : i32
        %dma_start3A_54 = tpu.memref_slice %arg11[%dma_start3A, %dma_start3A_53] : memref<50000x16xf32, #tpu.memory_space<vmem_shared>> -> memref<50000x16xf32, #tpu.memory_space<vmem_shared>>
        tpu.enqueue_indirect_dma source(%arg9 : memref<1000x16xf32, #tpu.memory_space<vmem>>) target(%dma_start3A_54 : memref<50000x16xf32, #tpu.memory_space<vmem_shared>>) offsets(%arg8 : memref<1000xi32, #tpu.memory_space<vmem>>) semaphore(%run_scoped3A : memref<!tpu.dma_semaphore, #tpu.memory_space<semaphore_mem>>) {add = true}
        %dma_wait3A = arith.constant 0 : i32
        %dma_wait3A_55 = arith.constant 0 : i32
        %dma_wait3A_56 = tpu.memref_slice %arg11[%dma_wait3A, %dma_wait3A_55] : memref<50000x16xf32, #tpu.memory_space<vmem_shared>> -> memref<50000x16xf32, #tpu.memory_space<vmem_shared>>
        tpu.wait_indirect_dma semaphore(%run_scoped3A : memref<!tpu.dma_semaphore, #tpu.memory_space<semaphore_mem>>) src(%arg9 : memref<1000x16xf32, #tpu.memory_space<vmem>>) dst(%dma_wait3A_56 : memref<50000x16xf32, #tpu.memory_space<vmem_shared>>)
        tpu.yield
      }) : () -> ()
    }
    %scan3A_30 = arith.constant 50 : i32
    %barrier3A_31 = arith.constant 0 : index
    tpu.barrier barrier_id(%barrier3A_31)
    %eq3A = arith.constant 0 : i32
    %eq3A_32 = arith.cmpi eq, %arg0, %eq3A : i32
    %convert_element_type3A = arith.extui %eq3A_32 : i1 to i32
    %cond3A = arith.constant 0 : i32
    %cond3A_33 = arith.cmpi ne, %convert_element_type3A, %cond3A : i32
    scf.if %cond3A_33 {
      %mul3A_39 = arith.constant 3125 : i32
      %mul3A_40 = arith.muli %arg1, %mul3A_39 : i32
      %mul3A_41 = arith.constant 3125 : i32
      %mul3A_42 = arith.muli %arg1, %mul3A_41 : i32
      %run_scoped3A = arith.constant 0 : i32
      "tpu.region"() ({
        %run_scoped3A_43 = tpu.sem_alloc : memref<!tpu.dma_semaphore, #tpu.memory_space<semaphore_mem>>
        %dma_start3A = arith.constant 0 : i32
        %dma_start3A_44 = tpu.memref_slice %arg6[%run_scoped3A, %mul3A_42, %dma_start3A] : memref<2x50000x16xf32, #tpu.memory_space<hbm>> -> memref<1x3125x16xf32, #tpu.memory_space<hbm>>
        %dma_start3A_45 = tpu.memref_squeeze %dma_start3A_44 : memref<1x3125x16xf32, #tpu.memory_space<hbm>> -> memref<3125x16xf32, #tpu.memory_space<hbm>>
        %dma_start3A_46 = arith.constant 0 : i32
        %dma_start3A_47 = tpu.memref_slice %arg11[%mul3A_40, %dma_start3A_46] : memref<50000x16xf32, #tpu.memory_space<vmem_shared>> -> memref<3125x16xf32, #tpu.memory_space<vmem_shared>>
        tpu.enqueue_dma source(%dma_start3A_47 : memref<3125x16xf32, #tpu.memory_space<vmem_shared>>) target(%dma_start3A_45 : memref<3125x16xf32, #tpu.memory_space<hbm>>) target_semaphore(%run_scoped3A_43 : memref<!tpu.dma_semaphore, #tpu.memory_space<semaphore_mem>>)
        %dma_wait3A = arith.constant 0 : i32
        %dma_wait3A_48 = tpu.memref_slice %arg6[%run_scoped3A, %mul3A_42, %dma_wait3A] : memref<2x50000x16xf32, #tpu.memory_space<hbm>> -> memref<1x3125x16xf32, #tpu.memory_space<hbm>>
        %dma_wait3A_49 = tpu.memref_squeeze %dma_wait3A_48 : memref<1x3125x16xf32, #tpu.memory_space<hbm>> -> memref<3125x16xf32, #tpu.memory_space<hbm>>
        %dma_wait3A_50 = arith.constant 0 : i32
        %dma_wait3A_51 = tpu.memref_slice %arg11[%mul3A_40, %dma_wait3A_50] : memref<50000x16xf32, #tpu.memory_space<vmem_shared>> -> memref<3125x16xf32, #tpu.memory_space<vmem_shared>>
        tpu.wait_dma2 semaphore(%run_scoped3A_43 : memref<!tpu.dma_semaphore, #tpu.memory_space<semaphore_mem>>) src(%dma_wait3A_51 : memref<3125x16xf32, #tpu.memory_space<vmem_shared>>) dst(%dma_wait3A_49 : memref<3125x16xf32, #tpu.memory_space<hbm>>)
        tpu.yield
      }) : () -> ()
    } else {
    }
    %eq3A_34 = arith.constant 1 : i32
    %eq3A_35 = arith.cmpi eq, %arg0, %eq3A_34 : i32
    %convert_element_type3A_36 = arith.extui %eq3A_35 : i1 to i32
    %cond3A_37 = arith.constant 0 : i32
    %cond3A_38 = arith.cmpi ne, %convert_element_type3A_36, %cond3A_37 : i32
    scf.if %cond3A_38 {
      %mul3A_39 = arith.constant 3125 : i32
      %mul3A_40 = arith.muli %arg1, %mul3A_39 : i32
      %mul3A_41 = arith.constant 3125 : i32
      %mul3A_42 = arith.muli %arg1, %mul3A_41 : i32
      %run_scoped3A = arith.constant 1 : i32
      "tpu.region"() ({
        %run_scoped3A_43 = tpu.sem_alloc : memref<!tpu.dma_semaphore, #tpu.memory_space<semaphore_mem>>
        %dma_start3A = arith.constant 0 : i32
        %dma_start3A_44 = tpu.memref_slice %arg6[%run_scoped3A, %mul3A_42, %dma_start3A] : memref<2x50000x16xf32, #tpu.memory_space<hbm>> -> memref<1x3125x16xf32, #tpu.memory_space<hbm>>
        %dma_start3A_45 = tpu.memref_squeeze %dma_start3A_44 : memref<1x3125x16xf32, #tpu.memory_space<hbm>> -> memref<3125x16xf32, #tpu.memory_space<hbm>>
        %dma_start3A_46 = arith.constant 0 : i32
        %dma_start3A_47 = tpu.memref_slice %arg11[%mul3A_40, %dma_start3A_46] : memref<50000x16xf32, #tpu.memory_space<vmem_shared>> -> memref<3125x16xf32, #tpu.memory_space<vmem_shared>>
        tpu.enqueue_dma source(%dma_start3A_47 : memref<3125x16xf32, #tpu.memory_space<vmem_shared>>) target(%dma_start3A_45 : memref<3125x16xf32, #tpu.memory_space<hbm>>) target_semaphore(%run_scoped3A_43 : memref<!tpu.dma_semaphore, #tpu.memory_space<semaphore_mem>>)
        %dma_wait3A = arith.constant 0 : i32
        %dma_wait3A_48 = tpu.memref_slice %arg6[%run_scoped3A, %mul3A_42, %dma_wait3A] : memref<2x50000x16xf32, #tpu.memory_space<hbm>> -> memref<1x3125x16xf32, #tpu.memory_space<hbm>>
        %dma_wait3A_49 = tpu.memref_squeeze %dma_wait3A_48 : memref<1x3125x16xf32, #tpu.memory_space<hbm>> -> memref<3125x16xf32, #tpu.memory_space<hbm>>
        %dma_wait3A_50 = arith.constant 0 : i32
        %dma_wait3A_51 = tpu.memref_slice %arg11[%mul3A_40, %dma_wait3A_50] : memref<50000x16xf32, #tpu.memory_space<vmem_shared>> -> memref<3125x16xf32, #tpu.memory_space<vmem_shared>>
        tpu.wait_dma2 semaphore(%run_scoped3A_43 : memref<!tpu.dma_semaphore, #tpu.memory_space<semaphore_mem>>) src(%dma_wait3A_51 : memref<3125x16xf32, #tpu.memory_space<vmem_shared>>) dst(%dma_wait3A_49 : memref<3125x16xf32, #tpu.memory_space<hbm>>)
        tpu.yield
      }) : () -> ()
    } else {
    }
    return
  }
}

#map = affine_map<(d0, d1) -> (0, 0)>
#map1 = affine_map<(d0, d1) -> (0)>
#map2 = affine_map<(d0, d1) -> (0, 0, 0)>
module attributes {stable_mosaic.version = 14 : i64} {
  func.func @body(%arg0: i32, %arg1: i32, %arg2: memref<50000x16xf32, #tpu.memory_space<hbm>>, %arg3: memref<50000x16xf32, #tpu.memory_space<hbm>>, %arg4: memref<800000xi32, #tpu.memory_space<hbm>>, %arg5: memref<800000xi32, #tpu.memory_space<hbm>>, %arg6: memref<2x50000x16xf32, #tpu.memory_space<hbm>>, %arg7: memref<1000xi32, #tpu.memory_space<vmem>>, %arg8: memref<1000xi32, #tpu.memory_space<vmem>>, %arg9: memref<1000x16xf32, #tpu.memory_space<vmem>>, %arg10: memref<625x16xf32, #tpu.memory_space<vmem>>, %arg11: memref<50000x16xf32, #tpu.memory_space<vmem_shared>>, %arg12: memref<!tpu.dma_semaphore, #tpu.memory_space<semaphore_mem>>) attributes {dimension_semantics = [#tpu.dimension_semantics<core_parallel>, #tpu.dimension_semantics<subcore_parallel>], iteration_bounds = array<i64: 2, 16>, scalar_prefetch = 0 : i64, scratch_operands = 6 : i64, tpu.core_type = #tpu.core_type<sc_vector_subcore>, window_params = [{transform_indices = #map}, {transform_indices = #map}, {transform_indices = #map1}, {transform_indices = #map1}, {transform_indices = #map2}]} {
    %scan3A = arith.constant 0 : i32
    %scan3A_0 = arith.constant 0 : i32
    %scan3A_1 = arith.constant 625 : i32
    %scan3A_2 = arith.addi %scan3A_0, %scan3A_1 : i32
    %scan3A_3 = arith.constant 1 : i32
    scf.for %scan3A_39 = %scan3A_0 to %scan3A_2 step %scan3A_3  : i32 {
      %broadcast_in_dim3A = arith.constant 0.000000e+00 : f32
      %broadcast_in_dim3A_40 = vector.broadcast %broadcast_in_dim3A : f32 to vector<16xf32>
      %swap3A = arith.index_cast %scan3A_39 : i32 to index
      %swap3A_41 = arith.constant 0 : index
      %swap3A_42 = tpu.vector_load %arg10[%swap3A, %swap3A_41] {strides = array<i32>} : memref<625x16xf32, #tpu.memory_space<vmem>>, vector<1x16xf32>,
      %swap3A_43 = vector.shape_cast %swap3A_42 : vector<1x16xf32> to vector<16xf32>
      %swap3A_44 = vector.shape_cast %broadcast_in_dim3A_40 : vector<16xf32> to vector<1x16xf32>
      tpu.vector_store %arg10[%swap3A, %swap3A_41], %swap3A_44 {strides = array<i32>} : memref<625x16xf32, #tpu.memory_space<vmem>>, vector<1x16xf32>,
    }
    %scan3A_4 = arith.constant 625 : i32
    %mul3A = arith.constant 3125 : i32
    %mul3A_5 = arith.muli %arg1, %mul3A : i32
    %add3A = arith.constant 0 : i32
    %add3A_6 = arith.addi %mul3A_5, %add3A : i32
    "tpu.region"() ({
      %run_scoped3A = tpu.sem_alloc : memref<!tpu.dma_semaphore, #tpu.memory_space<semaphore_mem>>
      %dma_start3A = arith.constant 0 : i32
      %dma_start3A_39 = tpu.memref_slice %arg11[%add3A_6, %dma_start3A] : memref<50000x16xf32, #tpu.memory_space<vmem_shared>> -> memref<625x16xf32, #tpu.memory_space<vmem_shared>>
      %dma_start3A_40 = arith.constant 0 : i32
      %dma_start3A_41 = tpu.memref_slice %arg11[%add3A_6, %dma_start3A_40] : memref<50000x16xf32, #tpu.memory_space<vmem_shared>> -> memref<625x16xf32, #tpu.memory_space<vmem_shared>>
      tpu.enqueue_dma source(%arg10 : memref<625x16xf32, #tpu.memory_space<vmem>>) target(%dma_start3A_41 : memref<625x16xf32, #tpu.memory_space<vmem_shared>>) target_semaphore(%run_scoped3A : memref<!tpu.dma_semaphore, #tpu.memory_space<semaphore_mem>>)
      %dma_wait3A = arith.constant 0 : i32
      %dma_wait3A_42 = tpu.memref_slice %arg11[%add3A_6, %dma_wait3A] : memref<50000x16xf32, #tpu.memory_space<vmem_shared>> -> memref<625x16xf32, #tpu.memory_space<vmem_shared>>
      %dma_wait3A_43 = arith.constant 0 : i32
      %dma_wait3A_44 = tpu.memref_slice %arg11[%add3A_6, %dma_wait3A_43] : memref<50000x16xf32, #tpu.memory_space<vmem_shared>> -> memref<625x16xf32, #tpu.memory_space<vmem_shared>>
      tpu.wait_dma2 semaphore(%run_scoped3A : memref<!tpu.dma_semaphore, #tpu.memory_space<semaphore_mem>>) src(%arg10 : memref<625x16xf32, #tpu.memory_space<vmem>>) dst(%dma_wait3A_44 : memref<625x16xf32, #tpu.memory_space<vmem_shared>>)
      tpu.yield
    }) : () -> ()
    %mul3A_7 = arith.constant 3125 : i32
    %mul3A_8 = arith.muli %arg1, %mul3A_7 : i32
    %add3A_9 = arith.constant 625 : i32
    %add3A_10 = arith.addi %mul3A_8, %add3A_9 : i32
    "tpu.region"() ({
      %run_scoped3A = tpu.sem_alloc : memref<!tpu.dma_semaphore, #tpu.memory_space<semaphore_mem>>
      %dma_start3A = arith.constant 0 : i32
      %dma_start3A_39 = tpu.memref_slice %arg11[%add3A_10, %dma_start3A] : memref<50000x16xf32, #tpu.memory_space<vmem_shared>> -> memref<625x16xf32, #tpu.memory_space<vmem_shared>>
      %dma_start3A_40 = arith.constant 0 : i32
      %dma_start3A_41 = tpu.memref_slice %arg11[%add3A_10, %dma_start3A_40] : memref<50000x16xf32, #tpu.memory_space<vmem_shared>> -> memref<625x16xf32, #tpu.memory_space<vmem_shared>>
      tpu.enqueue_dma source(%arg10 : memref<625x16xf32, #tpu.memory_space<vmem>>) target(%dma_start3A_41 : memref<625x16xf32, #tpu.memory_space<vmem_shared>>) target_semaphore(%run_scoped3A : memref<!tpu.dma_semaphore, #tpu.memory_space<semaphore_mem>>)
      %dma_wait3A = arith.constant 0 : i32
      %dma_wait3A_42 = tpu.memref_slice %arg11[%add3A_10, %dma_wait3A] : memref<50000x16xf32, #tpu.memory_space<vmem_shared>> -> memref<625x16xf32, #tpu.memory_space<vmem_shared>>
      %dma_wait3A_43 = arith.constant 0 : i32
      %dma_wait3A_44 = tpu.memref_slice %arg11[%add3A_10, %dma_wait3A_43] : memref<50000x16xf32, #tpu.memory_space<vmem_shared>> -> memref<625x16xf32, #tpu.memory_space<vmem_shared>>
      tpu.wait_dma2 semaphore(%run_scoped3A : memref<!tpu.dma_semaphore, #tpu.memory_space<semaphore_mem>>) src(%arg10 : memref<625x16xf32, #tpu.memory_space<vmem>>) dst(%dma_wait3A_44 : memref<625x16xf32, #tpu.memory_space<vmem_shared>>)
      tpu.yield
    }) : () -> ()
    %mul3A_11 = arith.constant 3125 : i32
    %mul3A_12 = arith.muli %arg1, %mul3A_11 : i32
    %add3A_13 = arith.constant 1250 : i32
    %add3A_14 = arith.addi %mul3A_12, %add3A_13 : i32
    "tpu.region"() ({
      %run_scoped3A = tpu.sem_alloc : memref<!tpu.dma_semaphore, #tpu.memory_space<semaphore_mem>>
      %dma_start3A = arith.constant 0 : i32
      %dma_start3A_39 = tpu.memref_slice %arg11[%add3A_14, %dma_start3A] : memref<50000x16xf32, #tpu.memory_space<vmem_shared>> -> memref<625x16xf32, #tpu.memory_space<vmem_shared>>
      %dma_start3A_40 = arith.constant 0 : i32
      %dma_start3A_41 = tpu.memref_slice %arg11[%add3A_14, %dma_start3A_40] : memref<50000x16xf32, #tpu.memory_space<vmem_shared>> -> memref<625x16xf32, #tpu.memory_space<vmem_shared>>
      tpu.enqueue_dma source(%arg10 : memref<625x16xf32, #tpu.memory_space<vmem>>) target(%dma_start3A_41 : memref<625x16xf32, #tpu.memory_space<vmem_shared>>) target_semaphore(%run_scoped3A : memref<!tpu.dma_semaphore, #tpu.memory_space<semaphore_mem>>)
      %dma_wait3A = arith.constant 0 : i32
      %dma_wait3A_42 = tpu.memref_slice %arg11[%add3A_14, %dma_wait3A] : memref<50000x16xf32, #tpu.memory_space<vmem_shared>> -> memref<625x16xf32, #tpu.memory_space<vmem_shared>>
      %dma_wait3A_43 = arith.constant 0 : i32
      %dma_wait3A_44 = tpu.memref_slice %arg11[%add3A_14, %dma_wait3A_43] : memref<50000x16xf32, #tpu.memory_space<vmem_shared>> -> memref<625x16xf32, #tpu.memory_space<vmem_shared>>
      tpu.wait_dma2 semaphore(%run_scoped3A : memref<!tpu.dma_semaphore, #tpu.memory_space<semaphore_mem>>) src(%arg10 : memref<625x16xf32, #tpu.memory_space<vmem>>) dst(%dma_wait3A_44 : memref<625x16xf32, #tpu.memory_space<vmem_shared>>)
      tpu.yield
    }) : () -> ()
    %mul3A_15 = arith.constant 3125 : i32
    %mul3A_16 = arith.muli %arg1, %mul3A_15 : i32
    %add3A_17 = arith.constant 1875 : i32
    %add3A_18 = arith.addi %mul3A_16, %add3A_17 : i32
    "tpu.region"() ({
      %run_scoped3A = tpu.sem_alloc : memref<!tpu.dma_semaphore, #tpu.memory_space<semaphore_mem>>
      %dma_start3A = arith.constant 0 : i32
      %dma_start3A_39 = tpu.memref_slice %arg11[%add3A_18, %dma_start3A] : memref<50000x16xf32, #tpu.memory_space<vmem_shared>> -> memref<625x16xf32, #tpu.memory_space<vmem_shared>>
      %dma_start3A_40 = arith.constant 0 : i32
      %dma_start3A_41 = tpu.memref_slice %arg11[%add3A_18, %dma_start3A_40] : memref<50000x16xf32, #tpu.memory_space<vmem_shared>> -> memref<625x16xf32, #tpu.memory_space<vmem_shared>>
      tpu.enqueue_dma source(%arg10 : memref<625x16xf32, #tpu.memory_space<vmem>>) target(%dma_start3A_41 : memref<625x16xf32, #tpu.memory_space<vmem_shared>>) target_semaphore(%run_scoped3A : memref<!tpu.dma_semaphore, #tpu.memory_space<semaphore_mem>>)
      %dma_wait3A = arith.constant 0 : i32
      %dma_wait3A_42 = tpu.memref_slice %arg11[%add3A_18, %dma_wait3A] : memref<50000x16xf32, #tpu.memory_space<vmem_shared>> -> memref<625x16xf32, #tpu.memory_space<vmem_shared>>
      %dma_wait3A_43 = arith.constant 0 : i32
      %dma_wait3A_44 = tpu.memref_slice %arg11[%add3A_18, %dma_wait3A_43] : memref<50000x16xf32, #tpu.memory_space<vmem_shared>> -> memref<625x16xf32, #tpu.memory_space<vmem_shared>>
      tpu.wait_dma2 semaphore(%run_scoped3A : memref<!tpu.dma_semaphore, #tpu.memory_space<semaphore_mem>>) src(%arg10 : memref<625x16xf32, #tpu.memory_space<vmem>>) dst(%dma_wait3A_44 : memref<625x16xf32, #tpu.memory_space<vmem_shared>>)
      tpu.yield
    }) : () -> ()
    %mul3A_19 = arith.constant 3125 : i32
    %mul3A_20 = arith.muli %arg1, %mul3A_19 : i32
    %add3A_21 = arith.constant 2500 : i32
    %add3A_22 = arith.addi %mul3A_20, %add3A_21 : i32
    "tpu.region"() ({
      %run_scoped3A = tpu.sem_alloc : memref<!tpu.dma_semaphore, #tpu.memory_space<semaphore_mem>>
      %dma_start3A = arith.constant 0 : i32
      %dma_start3A_39 = tpu.memref_slice %arg11[%add3A_22, %dma_start3A] : memref<50000x16xf32, #tpu.memory_space<vmem_shared>> -> memref<625x16xf32, #tpu.memory_space<vmem_shared>>
      %dma_start3A_40 = arith.constant 0 : i32
      %dma_start3A_41 = tpu.memref_slice %arg11[%add3A_22, %dma_start3A_40] : memref<50000x16xf32, #tpu.memory_space<vmem_shared>> -> memref<625x16xf32, #tpu.memory_space<vmem_shared>>
      tpu.enqueue_dma source(%arg10 : memref<625x16xf32, #tpu.memory_space<vmem>>) target(%dma_start3A_41 : memref<625x16xf32, #tpu.memory_space<vmem_shared>>) target_semaphore(%run_scoped3A : memref<!tpu.dma_semaphore, #tpu.memory_space<semaphore_mem>>)
      %dma_wait3A = arith.constant 0 : i32
      %dma_wait3A_42 = tpu.memref_slice %arg11[%add3A_22, %dma_wait3A] : memref<50000x16xf32, #tpu.memory_space<vmem_shared>> -> memref<625x16xf32, #tpu.memory_space<vmem_shared>>
      %dma_wait3A_43 = arith.constant 0 : i32
      %dma_wait3A_44 = tpu.memref_slice %arg11[%add3A_22, %dma_wait3A_43] : memref<50000x16xf32, #tpu.memory_space<vmem_shared>> -> memref<625x16xf32, #tpu.memory_space<vmem_shared>>
      tpu.wait_dma2 semaphore(%run_scoped3A : memref<!tpu.dma_semaphore, #tpu.memory_space<semaphore_mem>>) src(%arg10 : memref<625x16xf32, #tpu.memory_space<vmem>>) dst(%dma_wait3A_44 : memref<625x16xf32, #tpu.memory_space<vmem_shared>>)
      tpu.yield
    }) : () -> ()
    %barrier3A = arith.constant 0 : index
    tpu.barrier barrier_id(%barrier3A)
    %mul3A_23 = arith.constant 50000 : i32
    %mul3A_24 = arith.muli %arg1, %mul3A_23 : i32
    %scan3A_25 = arith.constant 0 : i32
    %scan3A_26 = arith.constant 0 : i32
    %scan3A_27 = arith.constant 50 : i32
    %scan3A_28 = arith.addi %scan3A_26, %scan3A_27 : i32
    %scan3A_29 = arith.constant 1 : i32
    scf.for %scan3A_39 = %scan3A_26 to %scan3A_28 step %scan3A_29  : i32 {
      %mul3A_40 = arith.constant 1000 : i32
      %mul3A_41 = arith.muli %scan3A_39, %mul3A_40 : i32
      %add3A_42 = arith.addi %mul3A_24, %mul3A_41 : i32
      "tpu.region"() ({
        %run_scoped3A = tpu.sem_alloc : memref<!tpu.dma_semaphore, #tpu.memory_space<semaphore_mem>>
        %dma_start3A = tpu.memref_slice %arg4[%add3A_42] : memref<800000xi32, #tpu.memory_space<hbm>> -> memref<1000xi32, #tpu.memory_space<hbm>>
        %dma_start3A_53 = tpu.memref_slice %arg4[%add3A_42] : memref<800000xi32, #tpu.memory_space<hbm>> -> memref<1000xi32, #tpu.memory_space<hbm>>
        tpu.enqueue_dma source(%dma_start3A_53 : memref<1000xi32, #tpu.memory_space<hbm>>) target(%arg7 : memref<1000xi32, #tpu.memory_space<vmem>>) target_semaphore(%run_scoped3A : memref<!tpu.dma_semaphore, #tpu.memory_space<semaphore_mem>>)
        %dma_wait3A = tpu.memref_slice %arg4[%add3A_42] : memref<800000xi32, #tpu.memory_space<hbm>> -> memref<1000xi32, #tpu.memory_space<hbm>>
        %dma_wait3A_54 = tpu.memref_slice %arg4[%add3A_42] : memref<800000xi32, #tpu.memory_space<hbm>> -> memref<1000xi32, #tpu.memory_space<hbm>>
        tpu.wait_dma2 semaphore(%run_scoped3A : memref<!tpu.dma_semaphore, #tpu.memory_space<semaphore_mem>>) src(%dma_wait3A_54 : memref<1000xi32, #tpu.memory_space<hbm>>) dst(%arg7 : memref<1000xi32, #tpu.memory_space<vmem>>)
        tpu.yield
      }) : () -> ()
      "tpu.region"() ({
        %run_scoped3A = tpu.sem_alloc : memref<!tpu.dma_semaphore, #tpu.memory_space<semaphore_mem>>
        %dma_start3A = tpu.memref_slice %arg5[%add3A_42] : memref<800000xi32, #tpu.memory_space<hbm>> -> memref<1000xi32, #tpu.memory_space<hbm>>
        %dma_start3A_53 = tpu.memref_slice %arg5[%add3A_42] : memref<800000xi32, #tpu.memory_space<hbm>> -> memref<1000xi32, #tpu.memory_space<hbm>>
        tpu.enqueue_dma source(%dma_start3A_53 : memref<1000xi32, #tpu.memory_space<hbm>>) target(%arg8 : memref<1000xi32, #tpu.memory_space<vmem>>) target_semaphore(%run_scoped3A : memref<!tpu.dma_semaphore, #tpu.memory_space<semaphore_mem>>)
        %dma_wait3A = tpu.memref_slice %arg5[%add3A_42] : memref<800000xi32, #tpu.memory_space<hbm>> -> memref<1000xi32, #tpu.memory_space<hbm>>
        %dma_wait3A_54 = tpu.memref_slice %arg5[%add3A_42] : memref<800000xi32, #tpu.memory_space<hbm>> -> memref<1000xi32, #tpu.memory_space<hbm>>
        tpu.wait_dma2 semaphore(%run_scoped3A : memref<!tpu.dma_semaphore, #tpu.memory_space<semaphore_mem>>) src(%dma_wait3A_54 : memref<1000xi32, #tpu.memory_space<hbm>>) dst(%arg8 : memref<1000xi32, #tpu.memory_space<vmem>>)
        tpu.yield
      }) : () -> ()
      %eq3A_43 = arith.constant 0 : i32
      %eq3A_44 = arith.cmpi eq, %arg0, %eq3A_43 : i32
      %convert_element_type3A_45 = arith.extui %eq3A_44 : i1 to i32
      %cond3A_46 = arith.constant 0 : i32
      %cond3A_47 = arith.cmpi ne, %convert_element_type3A_45, %cond3A_46 : i32
      scf.if %cond3A_47 {
        %dma_start3A = arith.constant 0 : i32
        %dma_start3A_53 = arith.constant 0 : i32
        %dma_start3A_54 = tpu.memref_slice %arg2[%dma_start3A, %dma_start3A_53] : memref<50000x16xf32, #tpu.memory_space<hbm>> -> memref<50000x16xf32, #tpu.memory_space<hbm>>
        tpu.enqueue_indirect_dma source(%dma_start3A_54 : memref<50000x16xf32, #tpu.memory_space<hbm>>) target(%arg9 : memref<1000x16xf32, #tpu.memory_space<vmem>>) offsets(%arg7 : memref<1000xi32, #tpu.memory_space<vmem>>) semaphore(%arg12 : memref<!tpu.dma_semaphore, #tpu.memory_space<semaphore_mem>>)
        %dma_wait3A = arith.constant 0 : i32
        %dma_wait3A_55 = arith.constant 0 : i32
        %dma_wait3A_56 = tpu.memref_slice %arg2[%dma_wait3A, %dma_wait3A_55] : memref<50000x16xf32, #tpu.memory_space<hbm>> -> memref<50000x16xf32, #tpu.memory_space<hbm>>
        tpu.wait_indirect_dma semaphore(%arg12 : memref<!tpu.dma_semaphore, #tpu.memory_space<semaphore_mem>>) src(%dma_wait3A_56 : memref<50000x16xf32, #tpu.memory_space<hbm>>) dst(%arg9 : memref<1000x16xf32, #tpu.memory_space<vmem>>)
      } else {
      }
      %eq3A_48 = arith.constant 1 : i32
      %eq3A_49 = arith.cmpi eq, %arg0, %eq3A_48 : i32
      %convert_element_type3A_50 = arith.extui %eq3A_49 : i1 to i32
      %cond3A_51 = arith.constant 0 : i32
      %cond3A_52 = arith.cmpi ne, %convert_element_type3A_50, %cond3A_51 : i32
      scf.if %cond3A_52 {
        %dma_start3A = arith.constant 0 : i32
        %dma_start3A_53 = arith.constant 0 : i32
        %dma_start3A_54 = tpu.memref_slice %arg3[%dma_start3A, %dma_start3A_53] : memref<50000x16xf32, #tpu.memory_space<hbm>> -> memref<50000x16xf32, #tpu.memory_space<hbm>>
        tpu.enqueue_indirect_dma source(%dma_start3A_54 : memref<50000x16xf32, #tpu.memory_space<hbm>>) target(%arg9 : memref<1000x16xf32, #tpu.memory_space<vmem>>) offsets(%arg7 : memref<1000xi32, #tpu.memory_space<vmem>>) semaphore(%arg12 : memref<!tpu.dma_semaphore, #tpu.memory_space<semaphore_mem>>)
        %dma_wait3A = arith.constant 0 : i32
        %dma_wait3A_55 = arith.constant 0 : i32
        %dma_wait3A_56 = tpu.memref_slice %arg3[%dma_wait3A, %dma_wait3A_55] : memref<50000x16xf32, #tpu.memory_space<hbm>> -> memref<50000x16xf32, #tpu.memory_space<hbm>>
        tpu.wait_indirect_dma semaphore(%arg12 : memref<!tpu.dma_semaphore, #tpu.memory_space<semaphore_mem>>) src(%dma_wait3A_56 : memref<50000x16xf32, #tpu.memory_space<hbm>>) dst(%arg9 : memref<1000x16xf32, #tpu.memory_space<vmem>>)
      } else {
      }
      "tpu.region"() ({
        %run_scoped3A = tpu.sem_alloc : memref<!tpu.dma_semaphore, #tpu.memory_space<semaphore_mem>>
        %dma_start3A = arith.constant 0 : i32
        %dma_start3A_53 = arith.constant 0 : i32
        %dma_start3A_54 = tpu.memref_slice %arg11[%dma_start3A, %dma_start3A_53] : memref<50000x16xf32, #tpu.memory_space<vmem_shared>> -> memref<50000x16xf32, #tpu.memory_space<vmem_shared>>
        tpu.enqueue_indirect_dma source(%arg9 : memref<1000x16xf32, #tpu.memory_space<vmem>>) target(%dma_start3A_54 : memref<50000x16xf32, #tpu.memory_space<vmem_shared>>) offsets(%arg8 : memref<1000xi32, #tpu.memory_space<vmem>>) semaphore(%run_scoped3A : memref<!tpu.dma_semaphore, #tpu.memory_space<semaphore_mem>>) {add = true}
        %dma_wait3A = arith.constant 0 : i32
        %dma_wait3A_55 = arith.constant 0 : i32
        %dma_wait3A_56 = tpu.memref_slice %arg11[%dma_wait3A, %dma_wait3A_55] : memref<50000x16xf32, #tpu.memory_space<vmem_shared>> -> memref<50000x16xf32, #tpu.memory_space<vmem_shared>>
        tpu.wait_indirect_dma semaphore(%run_scoped3A : memref<!tpu.dma_semaphore, #tpu.memory_space<semaphore_mem>>) src(%arg9 : memref<1000x16xf32, #tpu.memory_space<vmem>>) dst(%dma_wait3A_56 : memref<50000x16xf32, #tpu.memory_space<vmem_shared>>)
        tpu.yield
      }) : () -> ()
    }
    %scan3A_30 = arith.constant 50 : i32
    %barrier3A_31 = arith.constant 0 : index
    tpu.barrier barrier_id(%barrier3A_31)
    %eq3A = arith.constant 0 : i32
    %eq3A_32 = arith.cmpi eq, %arg0, %eq3A : i32
    %convert_element_type3A = arith.extui %eq3A_32 : i1 to i32
    %cond3A = arith.constant 0 : i32
    %cond3A_33 = arith.cmpi ne, %convert_element_type3A, %cond3A : i32
    scf.if %cond3A_33 {
      %mul3A_39 = arith.constant 3125 : i32
      %mul3A_40 = arith.muli %arg1, %mul3A_39 : i32
      %mul3A_41 = arith.constant 3125 : i32
      %mul3A_42 = arith.muli %arg1, %mul3A_41 : i32
      %run_scoped3A = arith.constant 0 : i32
      "tpu.region"() ({
        %run_scoped3A_43 = tpu.sem_alloc : memref<!tpu.dma_semaphore, #tpu.memory_space<semaphore_mem>>
        %dma_start3A = arith.constant 0 : i32
        %dma_start3A_44 = tpu.memref_slice %arg6[%run_scoped3A, %mul3A_42, %dma_start3A] : memref<2x50000x16xf32, #tpu.memory_space<hbm>> -> memref<1x3125x16xf32, #tpu.memory_space<hbm>>
        %dma_start3A_45 = tpu.memref_squeeze %dma_start3A_44 : memref<1x3125x16xf32, #tpu.memory_space<hbm>> -> memref<3125x16xf32, #tpu.memory_space<hbm>>
        %dma_start3A_46 = arith.constant 0 : i32
        %dma_start3A_47 = tpu.memref_slice %arg11[%mul3A_40, %dma_start3A_46] : memref<50000x16xf32, #tpu.memory_space<vmem_shared>> -> memref<3125x16xf32, #tpu.memory_space<vmem_shared>>
        tpu.enqueue_dma source(%dma_start3A_47 : memref<3125x16xf32, #tpu.memory_space<vmem_shared>>) target(%dma_start3A_45 : memref<3125x16xf32, #tpu.memory_space<hbm>>) target_semaphore(%run_scoped3A_43 : memref<!tpu.dma_semaphore, #tpu.memory_space<semaphore_mem>>)
        %dma_wait3A = arith.constant 0 : i32
        %dma_wait3A_48 = tpu.memref_slice %arg6[%run_scoped3A, %mul3A_42, %dma_wait3A] : memref<2x50000x16xf32, #tpu.memory_space<hbm>> -> memref<1x3125x16xf32, #tpu.memory_space<hbm>>
        %dma_wait3A_49 = tpu.memref_squeeze %dma_wait3A_48 : memref<1x3125x16xf32, #tpu.memory_space<hbm>> -> memref<3125x16xf32, #tpu.memory_space<hbm>>
        %dma_wait3A_50 = arith.constant 0 : i32
        %dma_wait3A_51 = tpu.memref_slice %arg11[%mul3A_40, %dma_wait3A_50] : memref<50000x16xf32, #tpu.memory_space<vmem_shared>> -> memref<3125x16xf32, #tpu.memory_space<vmem_shared>>
        tpu.wait_dma2 semaphore(%run_scoped3A_43 : memref<!tpu.dma_semaphore, #tpu.memory_space<semaphore_mem>>) src(%dma_wait3A_51 : memref<3125x16xf32, #tpu.memory_space<vmem_shared>>) dst(%dma_wait3A_49 : memref<3125x16xf32, #tpu.memory_space<hbm>>)
        tpu.yield
      }) : () -> ()
    } else {
    }
    %eq3A_34 = arith.constant 1 : i32
    %eq3A_35 = arith.cmpi eq, %arg0, %eq3A_34 : i32
    %convert_element_type3A_36 = arith.extui %eq3A_35 : i1 to i32
    %cond3A_37 = arith.constant 0 : i32
    %cond3A_38 = arith.cmpi ne, %convert_element_type3A_36, %cond3A_37 : i32
    scf.if %cond3A_38 {
      %mul3A_39 = arith.constant 3125 : i32
      %mul3A_40 = arith.muli %arg1, %mul3A_39 : i32
      %mul3A_41 = arith.constant 3125 : i32
      %mul3A_42 = arith.muli %arg1, %mul3A_41 : i32
      %run_scoped3A = arith.constant 1 : i32
      "tpu.region"() ({
        %run_scoped3A_43 = tpu.sem_alloc : memref<!tpu.dma_semaphore, #tpu.memory_space<semaphore_mem>>
        %dma_start3A = arith.constant 0 : i32
        %dma_start3A_44 = tpu.memref_slice %arg6[%run_scoped3A, %mul3A_42, %dma_start3A] : memref<2x50000x16xf32, #tpu.memory_space<hbm>> -> memref<1x3125x16xf32, #tpu.memory_space<hbm>>
        %dma_start3A_45 = tpu.memref_squeeze %dma_start3A_44 : memref<1x3125x16xf32, #tpu.memory_space<hbm>> -> memref<3125x16xf32, #tpu.memory_space<hbm>>
        %dma_start3A_46 = arith.constant 0 : i32
        %dma_start3A_47 = tpu.memref_slice %arg11[%mul3A_40, %dma_start3A_46] : memref<50000x16xf32, #tpu.memory_space<vmem_shared>> -> memref<3125x16xf32, #tpu.memory_space<vmem_shared>>
        tpu.enqueue_dma source(%dma_start3A_47 : memref<3125x16xf32, #tpu.memory_space<vmem_shared>>) target(%dma_start3A_45 : memref<3125x16xf32, #tpu.memory_space<hbm>>) target_semaphore(%run_scoped3A_43 : memref<!tpu.dma_semaphore, #tpu.memory_space<semaphore_mem>>)
        %dma_wait3A = arith.constant 0 : i32
        %dma_wait3A_48 = tpu.memref_slice %arg6[%run_scoped3A, %mul3A_42, %dma_wait3A] : memref<2x50000x16xf32, #tpu.memory_space<hbm>> -> memref<1x3125x16xf32, #tpu.memory_space<hbm>>
        %dma_wait3A_49 = tpu.memref_squeeze %dma_wait3A_48 : memref<1x3125x16xf32, #tpu.memory_space<hbm>> -> memref<3125x16xf32, #tpu.memory_space<hbm>>
        %dma_wait3A_50 = arith.constant 0 : i32
        %dma_wait3A_51 = tpu.memref_slice %arg11[%mul3A_40, %dma_wait3A_50] : memref<50000x16xf32, #tpu.memory_space<vmem_shared>> -> memref<3125x16xf32, #tpu.memory_space<vmem_shared>>
        tpu.wait_dma2 semaphore(%run_scoped3A_43 : memref<!tpu.dma_semaphore, #tpu.memory_space<semaphore_mem>>) src(%dma_wait3A_51 : memref<3125x16xf32, #tpu.memory_space<vmem_shared>>) dst(%dma_wait3A_49 : memref<3125x16xf32, #tpu.memory_space<hbm>>)
        tpu.yield
      }) : () -> ()
    } else {
    }
    return
  }
}

module attributes {stable_mosaic.version = 14 : i64} {
  func.func @body(%arg0: i32, %arg1: memref<2000x128xf32, #tpu.memory_space<vmem>>, %arg2: memref<1x2000x16xf32, #tpu.memory_space<vmem>>, %arg3: memref<1x2000x16xf32, #tpu.memory_space<vmem>>, %arg4: memref<128x64xf32, #tpu.memory_space<vmem>>, %arg5: memref<2000x16xf32, #tpu.memory_space<vmem>>, %arg6: memref<2000x16xf32, #tpu.memory_space<vmem>>, %arg7: memref<2000x16xf32, #tpu.memory_space<vmem>>, %arg8: memref<2000x16xf32, #tpu.memory_space<vmem>>, %arg9: memref<2000x1xf32, #tpu.memory_space<vmem>>) attributes {dimension_semantics = [#tpu.dimension_semantics<arbitrary>], iteration_bounds = array<i64: 25>, scalar_prefetch = 0 : i64, scratch_operands = 0 : i64, tpu.core_type = #tpu.core_type<tc>, window_params = [{transform_indices = @transform_0, window_bounds = array<i64: 2000, 128>}, {transform_indices = @transform_1, window_bounds = array<i64: 1, 2000, 16>}, {transform_indices = @transform_2, window_bounds = array<i64: 1, 2000, 16>}, {pipeline_mode = #tpu.pipeline_mode<synchronous>, transform_indices = @transform_3, window_bounds = array<i64: 128, 64>}, {transform_indices = @transform_4, window_bounds = array<i64: 2000, 16>}, {transform_indices = @transform_5, window_bounds = array<i64: 2000, 16>}, {transform_indices = @transform_6, window_bounds = array<i64: 2000, 16>}, {transform_indices = @transform_7, window_bounds = array<i64: 2000, 16>}, {transform_indices = @transform_8, window_bounds = array<i64: 2000, 1>}]} {
    %get3A = arith.constant 0 : index
    %get3A_0 = arith.constant 0 : index
    %get3A_1 = arith.constant 0 : index
    %get3A_2 = vector.load %arg2[%get3A, %get3A_0, %get3A_1] : memref<1x2000x16xf32, #tpu.memory_space<vmem>>, vector<1x2000x16xf32>
    %get3A_3 = vector.shape_cast %get3A_2 : vector<1x2000x16xf32> to vector<2000x16xf32>
    %get3A_4 = arith.constant 0 : index
    %get3A_5 = arith.constant 0 : index
    %get3A_6 = arith.constant 0 : index
    %get3A_7 = vector.load %arg3[%get3A_4, %get3A_5, %get3A_6] : memref<1x2000x16xf32, #tpu.memory_space<vmem>>, vector<1x2000x16xf32>
    %get3A_8 = vector.shape_cast %get3A_7 : vector<1x2000x16xf32> to vector<2000x16xf32>
    %add3A = arith.addf %get3A_3, %get3A_8 : vector<2000x16xf32>
    %reduce_sum3A = arith.constant dense<0.000000e+00> : vector<2000xf32>
    %reduce_sum3A_9 = vector.multi_reduction <add>, %add3A, %reduce_sum3A [1] : vector<2000x16xf32> to vector<2000xf32>
    %broadcast_in_dim3A = vector.shape_cast %reduce_sum3A_9 : vector<2000xf32> to vector<2000x1xf32>
    %mul3A = arith.constant 6.250000e-02 : f32
    %mul3A_10 = vector.broadcast %mul3A : f32 to vector<2000x1xf32>
    %mul3A_11 = arith.mulf %broadcast_in_dim3A, %mul3A_10 : vector<2000x1xf32>
    %add3A_12 = arith.constant 1.000000e+00 : f32
    %add3A_13 = vector.broadcast %add3A_12 : f32 to vector<2000x1xf32>
    %add3A_14 = arith.addf %mul3A_11, %add3A_13 : vector<2000x1xf32>
    %rsqrt3A = math.rsqrt %add3A_14 : vector<2000x1xf32>
    %get3A_15 = arith.constant 0 : index
    %get3A_16 = arith.constant 0 : index
    %get3A_17 = vector.load %arg1[%get3A_15, %get3A_16] : memref<2000x128xf32, #tpu.memory_space<vmem>>, vector<2000x128xf32>
    %get3A_18 = arith.constant 0 : index
    %get3A_19 = arith.constant 0 : index
    %get3A_20 = vector.load %arg4[%get3A_18, %get3A_19] : memref<128x64xf32, #tpu.memory_space<vmem>>, vector<128x64xf32>
    %dot_general3A = arith.constant dense<0.000000e+00> : vector<2000x64xf32>
    %dot_general3A_21 = tpu.matmul %get3A_17, %get3A_20, %dot_general3A {dimension_numbers = #tpu.dot_dimension_numbers<[1], [0], [0], [1], [0, 0, 1, 1], [], []>, transpose_lhs_hint = false} : vector<2000x128xf32>, vector<128x64xf32>, vector<2000x64xf32> -> vector<2000x64xf32>
    %mul3A_22 = vector.broadcast %rsqrt3A : vector<2000x1xf32> to vector<2000x64xf32>
    %mul3A_23 = arith.mulf %dot_general3A_21, %mul3A_22 : vector<2000x64xf32>
    %slice3A = vector.extract_strided_slice %mul3A_23 {offsets = [0, 0], sizes = [2000, 16], strides = [1, 1]} : vector<2000x64xf32> to vector<2000x16xf32>
    %swap3A = arith.constant 0 : index
    %swap3A_24 = arith.constant 0 : index
    %swap3A_25 = vector.load %arg5[%swap3A, %swap3A_24] : memref<2000x16xf32, #tpu.memory_space<vmem>>, vector<2000x16xf32>
    tpu.vector_store %arg5[%swap3A, %swap3A_24], %slice3A {strides = array<i32>} : memref<2000x16xf32, #tpu.memory_space<vmem>>, vector<2000x16xf32>,
    %slice3A_26 = vector.extract_strided_slice %mul3A_23 {offsets = [0, 16], sizes = [2000, 16], strides = [1, 1]} : vector<2000x64xf32> to vector<2000x16xf32>
    %swap3A_27 = arith.constant 0 : index
    %swap3A_28 = arith.constant 0 : index
    %swap3A_29 = vector.load %arg6[%swap3A_27, %swap3A_28] : memref<2000x16xf32, #tpu.memory_space<vmem>>, vector<2000x16xf32>
    tpu.vector_store %arg6[%swap3A_27, %swap3A_28], %slice3A_26 {strides = array<i32>} : memref<2000x16xf32, #tpu.memory_space<vmem>>, vector<2000x16xf32>,
    %slice3A_30 = vector.extract_strided_slice %mul3A_23 {offsets = [0, 32], sizes = [2000, 16], strides = [1, 1]} : vector<2000x64xf32> to vector<2000x16xf32>
    %swap3A_31 = arith.constant 0 : index
    %swap3A_32 = arith.constant 0 : index
    %swap3A_33 = vector.load %arg7[%swap3A_31, %swap3A_32] : memref<2000x16xf32, #tpu.memory_space<vmem>>, vector<2000x16xf32>
    tpu.vector_store %arg7[%swap3A_31, %swap3A_32], %slice3A_30 {strides = array<i32>} : memref<2000x16xf32, #tpu.memory_space<vmem>>, vector<2000x16xf32>,
    %slice3A_34 = vector.extract_strided_slice %mul3A_23 {offsets = [0, 48], sizes = [2000, 16], strides = [1, 1]} : vector<2000x64xf32> to vector<2000x16xf32>
    %swap3A_35 = arith.constant 0 : index
    %swap3A_36 = arith.constant 0 : index
    %swap3A_37 = vector.load %arg8[%swap3A_35, %swap3A_36] : memref<2000x16xf32, #tpu.memory_space<vmem>>, vector<2000x16xf32>
    tpu.vector_store %arg8[%swap3A_35, %swap3A_36], %slice3A_34 {strides = array<i32>} : memref<2000x16xf32, #tpu.memory_space<vmem>>, vector<2000x16xf32>,
    %swap3A_38 = arith.constant 0 : index
    %swap3A_39 = arith.constant 0 : index
    %swap3A_40 = vector.load %arg9[%swap3A_38, %swap3A_39] : memref<2000x1xf32, #tpu.memory_space<vmem>>, vector<2000x1xf32>
    tpu.vector_store %arg9[%swap3A_38, %swap3A_39], %rsqrt3A {strides = array<i32>} : memref<2000x1xf32, #tpu.memory_space<vmem>>, vector<2000x1xf32>,
    return
  }
  func.func @transform_0(%arg0: i32) -> (i32, i32) {
    %c0_i32 = arith.constant 0 : i32
    %c0_i32_0 = arith.constant 0 : i32
    return %arg0, %c0_i32 : i32, i32
  }
  func.func @transform_1(%arg0: i32) -> (i32, i32, i32) {
    %c0_i32 = arith.constant 0 : i32
    %c0_i32_0 = arith.constant 0 : i32
    %c0_i32_1 = arith.constant 0 : i32
    return %c0_i32, %arg0, %c0_i32_0 : i32, i32, i32
  }
  func.func @transform_2(%arg0: i32) -> (i32, i32, i32) {
    %c1_i32 = arith.constant 1 : i32
    %c0_i32 = arith.constant 0 : i32
    %c0_i32_0 = arith.constant 0 : i32
    return %c1_i32, %arg0, %c0_i32 : i32, i32, i32
  }
  func.func @transform_3(%arg0: i32) -> (i32, i32) {
    %c0_i32 = arith.constant 0 : i32
    %c0_i32_0 = arith.constant 0 : i32
    %c0_i32_1 = arith.constant 0 : i32
    return %c0_i32, %c0_i32_0 : i32, i32
  }
  func.func @transform_4(%arg0: i32) -> (i32, i32) {
    %c0_i32 = arith.constant 0 : i32
    %c0_i32_0 = arith.constant 0 : i32
    return %arg0, %c0_i32 : i32, i32
  }
  func.func @transform_5(%arg0: i32) -> (i32, i32) {
    %c0_i32 = arith.constant 0 : i32
    %c0_i32_0 = arith.constant 0 : i32
    return %arg0, %c0_i32 : i32, i32
  }
  func.func @transform_6(%arg0: i32) -> (i32, i32) {
    %c0_i32 = arith.constant 0 : i32
    %c0_i32_0 = arith.constant 0 : i32
    return %arg0, %c0_i32 : i32, i32
  }
  func.func @transform_7(%arg0: i32) -> (i32, i32) {
    %c0_i32 = arith.constant 0 : i32
    %c0_i32_0 = arith.constant 0 : i32
    return %arg0, %c0_i32 : i32, i32
  }
  func.func @transform_8(%arg0: i32) -> (i32, i32) {
    %c0_i32 = arith.constant 0 : i32
    %c0_i32_0 = arith.constant 0 : i32
    return %arg0, %c0_i32 : i32, i32
  }
}

module attributes {stable_mosaic.version = 14 : i64} {
  func.func @body(%arg0: i32, %arg1: memref<1x2000x16xf32, #tpu.memory_space<vmem>>, %arg2: memref<1x2000x16xf32, #tpu.memory_space<vmem>>, %arg3: memref<1x2000x16xf32, #tpu.memory_space<vmem>>, %arg4: memref<1x2000x16xf32, #tpu.memory_space<vmem>>, %arg5: memref<2000x16xf32, #tpu.memory_space<vmem>>, %arg6: memref<2000x16xf32, #tpu.memory_space<vmem>>, %arg7: memref<2000x16xf32, #tpu.memory_space<vmem>>, %arg8: memref<2000x16xf32, #tpu.memory_space<vmem>>, %arg9: memref<2000x1xf32, #tpu.memory_space<vmem>>, %arg10: memref<1x64xf32, #tpu.memory_space<vmem>>, %arg11: memref<64x64xf32, #tpu.memory_space<vmem>>, %arg12: memref<2000x16xf32, #tpu.memory_space<vmem>>, %arg13: memref<2000x16xf32, #tpu.memory_space<vmem>>, %arg14: memref<2000x16xf32, #tpu.memory_space<vmem>>, %arg15: memref<2000x16xf32, #tpu.memory_space<vmem>>) attributes {dimension_semantics = [#tpu.dimension_semantics<arbitrary>], iteration_bounds = array<i64: 25>, scalar_prefetch = 0 : i64, scratch_operands = 0 : i64, tpu.core_type = #tpu.core_type<tc>, window_params = [{transform_indices = @transform_0, window_bounds = array<i64: 1, 2000, 16>}, {transform_indices = @transform_1, window_bounds = array<i64: 1, 2000, 16>}, {transform_indices = @transform_2, window_bounds = array<i64: 1, 2000, 16>}, {transform_indices = @transform_3, window_bounds = array<i64: 1, 2000, 16>}, {transform_indices = @transform_4, window_bounds = array<i64: 2000, 16>}, {transform_indices = @transform_5, window_bounds = array<i64: 2000, 16>}, {transform_indices = @transform_6, window_bounds = array<i64: 2000, 16>}, {transform_indices = @transform_7, window_bounds = array<i64: 2000, 16>}, {transform_indices = @transform_8, window_bounds = array<i64: 2000, 1>}, {pipeline_mode = #tpu.pipeline_mode<synchronous>, transform_indices = @transform_9, window_bounds = array<i64: 1, 64>}, {pipeline_mode = #tpu.pipeline_mode<synchronous>, transform_indices = @transform_10, window_bounds = array<i64: 64, 64>}, {transform_indices = @transform_11, window_bounds = array<i64: 2000, 16>}, {transform_indices = @transform_12, window_bounds = array<i64: 2000, 16>}, {transform_indices = @transform_13, window_bounds = array<i64: 2000, 16>}, {transform_indices = @transform_14, window_bounds = array<i64: 2000, 16>}]} {
    %get3A = arith.constant 0 : index
    %get3A_0 = arith.constant 0 : index
    %get3A_1 = vector.load %arg9[%get3A, %get3A_0] : memref<2000x1xf32, #tpu.memory_space<vmem>>, vector<2000x1xf32>
    %get3A_2 = arith.constant 0 : index
    %get3A_3 = arith.constant 0 : index
    %get3A_4 = vector.load %arg10[%get3A_2, %get3A_3] : memref<1x64xf32, #tpu.memory_space<vmem>>, vector<1x64xf32>
    %get3A_5 = arith.constant 0 : index
    %get3A_6 = arith.constant 0 : index
    %get3A_7 = vector.load %arg11[%get3A_5, %get3A_6] : memref<64x64xf32, #tpu.memory_space<vmem>>, vector<64x64xf32>
    %get3A_8 = arith.constant 0 : index
    %get3A_9 = arith.constant 0 : index
    %get3A_10 = arith.constant 0 : index
    %get3A_11 = vector.load %arg1[%get3A_8, %get3A_9, %get3A_10] : memref<1x2000x16xf32, #tpu.memory_space<vmem>>, vector<1x2000x16xf32>
    %get3A_12 = vector.shape_cast %get3A_11 : vector<1x2000x16xf32> to vector<2000x16xf32>
    %get3A_13 = arith.constant 0 : index
    %get3A_14 = arith.constant 0 : index
    %get3A_15 = vector.load %arg5[%get3A_13, %get3A_14] : memref<2000x16xf32, #tpu.memory_space<vmem>>, vector<2000x16xf32>
    %add3A = arith.addf %get3A_12, %get3A_15 : vector<2000x16xf32>
    %mul3A = vector.broadcast %get3A_1 : vector<2000x1xf32> to vector<2000x16xf32>
    %mul3A_16 = arith.mulf %mul3A, %add3A : vector<2000x16xf32>
    %slice3A = vector.extract_strided_slice %get3A_4 {offsets = [0, 0], sizes = [1, 16], strides = [1, 1]} : vector<1x64xf32> to vector<1x16xf32>
    %add3A_17 = vector.broadcast %slice3A : vector<1x16xf32> to vector<2000x16xf32>
    %add3A_18 = arith.addf %mul3A_16, %add3A_17 : vector<2000x16xf32>
    %max3A = arith.constant 0.000000e+00 : f32
    %max3A_19 = vector.broadcast %max3A : f32 to vector<2000x16xf32>
    %max3A_20 = arith.maximumf %add3A_18, %max3A_19 : vector<2000x16xf32>
    %slice3A_21 = vector.extract_strided_slice %get3A_7 {offsets = [0, 0], sizes = [16, 64], strides = [1, 1]} : vector<64x64xf32> to vector<16x64xf32>
    %dot_general3A = arith.constant dense<0.000000e+00> : vector<2000x64xf32>
    %dot_general3A_22 = tpu.matmul %max3A_20, %slice3A_21, %dot_general3A {dimension_numbers = #tpu.dot_dimension_numbers<[1], [0], [0], [1], [0, 0, 1, 1], [], []>, transpose_lhs_hint = false} : vector<2000x16xf32>, vector<16x64xf32>, vector<2000x64xf32> -> vector<2000x64xf32>
    %get3A_23 = arith.constant 0 : index
    %get3A_24 = arith.constant 0 : index
    %get3A_25 = arith.constant 0 : index
    %get3A_26 = vector.load %arg2[%get3A_23, %get3A_24, %get3A_25] : memref<1x2000x16xf32, #tpu.memory_space<vmem>>, vector<1x2000x16xf32>
    %get3A_27 = vector.shape_cast %get3A_26 : vector<1x2000x16xf32> to vector<2000x16xf32>
    %get3A_28 = arith.constant 0 : index
    %get3A_29 = arith.constant 0 : index
    %get3A_30 = vector.load %arg6[%get3A_28, %get3A_29] : memref<2000x16xf32, #tpu.memory_space<vmem>>, vector<2000x16xf32>
    %add3A_31 = arith.addf %get3A_27, %get3A_30 : vector<2000x16xf32>
    %mul3A_32 = vector.broadcast %get3A_1 : vector<2000x1xf32> to vector<2000x16xf32>
    %mul3A_33 = arith.mulf %mul3A_32, %add3A_31 : vector<2000x16xf32>
    %slice3A_34 = vector.extract_strided_slice %get3A_4 {offsets = [0, 16], sizes = [1, 16], strides = [1, 1]} : vector<1x64xf32> to vector<1x16xf32>
    %add3A_35 = vector.broadcast %slice3A_34 : vector<1x16xf32> to vector<2000x16xf32>
    %add3A_36 = arith.addf %mul3A_33, %add3A_35 : vector<2000x16xf32>
    %max3A_37 = arith.constant 0.000000e+00 : f32
    %max3A_38 = vector.broadcast %max3A_37 : f32 to vector<2000x16xf32>
    %max3A_39 = arith.maximumf %add3A_36, %max3A_38 : vector<2000x16xf32>
    %slice3A_40 = vector.extract_strided_slice %get3A_7 {offsets = [16, 0], sizes = [16, 64], strides = [1, 1]} : vector<64x64xf32> to vector<16x64xf32>
    %dot_general3A_41 = arith.constant dense<0.000000e+00> : vector<2000x64xf32>
    %dot_general3A_42 = tpu.matmul %max3A_39, %slice3A_40, %dot_general3A_41 {dimension_numbers = #tpu.dot_dimension_numbers<[1], [0], [0], [1], [0, 0, 1, 1], [], []>, transpose_lhs_hint = false} : vector<2000x16xf32>, vector<16x64xf32>, vector<2000x64xf32> -> vector<2000x64xf32>
    %add3A_43 = arith.addf %dot_general3A_22, %dot_general3A_42 : vector<2000x64xf32>
    %get3A_44 = arith.constant 0 : index
    %get3A_45 = arith.constant 0 : index
    %get3A_46 = arith.constant 0 : index
    %get3A_47 = vector.load %arg3[%get3A_44, %get3A_45, %get3A_46] : memref<1x2000x16xf32, #tpu.memory_space<vmem>>, vector<1x2000x16xf32>
    %get3A_48 = vector.shape_cast %get3A_47 : vector<1x2000x16xf32> to vector<2000x16xf32>
    %get3A_49 = arith.constant 0 : index
    %get3A_50 = arith.constant 0 : index
    %get3A_51 = vector.load %arg7[%get3A_49, %get3A_50] : memref<2000x16xf32, #tpu.memory_space<vmem>>, vector<2000x16xf32>
    %add3A_52 = arith.addf %get3A_48, %get3A_51 : vector<2000x16xf32>
    %mul3A_53 = vector.broadcast %get3A_1 : vector<2000x1xf32> to vector<2000x16xf32>
    %mul3A_54 = arith.mulf %mul3A_53, %add3A_52 : vector<2000x16xf32>
    %slice3A_55 = vector.extract_strided_slice %get3A_4 {offsets = [0, 32], sizes = [1, 16], strides = [1, 1]} : vector<1x64xf32> to vector<1x16xf32>
    %add3A_56 = vector.broadcast %slice3A_55 : vector<1x16xf32> to vector<2000x16xf32>
    %add3A_57 = arith.addf %mul3A_54, %add3A_56 : vector<2000x16xf32>
    %max3A_58 = arith.constant 0.000000e+00 : f32
    %max3A_59 = vector.broadcast %max3A_58 : f32 to vector<2000x16xf32>
    %max3A_60 = arith.maximumf %add3A_57, %max3A_59 : vector<2000x16xf32>
    %slice3A_61 = vector.extract_strided_slice %get3A_7 {offsets = [32, 0], sizes = [16, 64], strides = [1, 1]} : vector<64x64xf32> to vector<16x64xf32>
    %dot_general3A_62 = arith.constant dense<0.000000e+00> : vector<2000x64xf32>
    %dot_general3A_63 = tpu.matmul %max3A_60, %slice3A_61, %dot_general3A_62 {dimension_numbers = #tpu.dot_dimension_numbers<[1], [0], [0], [1], [0, 0, 1, 1], [], []>, transpose_lhs_hint = false} : vector<2000x16xf32>, vector<16x64xf32>, vector<2000x64xf32> -> vector<2000x64xf32>
    %add3A_64 = arith.addf %add3A_43, %dot_general3A_63 : vector<2000x64xf32>
    %get3A_65 = arith.constant 0 : index
    %get3A_66 = arith.constant 0 : index
    %get3A_67 = arith.constant 0 : index
    %get3A_68 = vector.load %arg4[%get3A_65, %get3A_66, %get3A_67] : memref<1x2000x16xf32, #tpu.memory_space<vmem>>, vector<1x2000x16xf32>
    %get3A_69 = vector.shape_cast %get3A_68 : vector<1x2000x16xf32> to vector<2000x16xf32>
    %get3A_70 = arith.constant 0 : index
    %get3A_71 = arith.constant 0 : index
    %get3A_72 = vector.load %arg8[%get3A_70, %get3A_71] : memref<2000x16xf32, #tpu.memory_space<vmem>>, vector<2000x16xf32>
    %add3A_73 = arith.addf %get3A_69, %get3A_72 : vector<2000x16xf32>
    %mul3A_74 = vector.broadcast %get3A_1 : vector<2000x1xf32> to vector<2000x16xf32>
    %mul3A_75 = arith.mulf %mul3A_74, %add3A_73 : vector<2000x16xf32>
    %slice3A_76 = vector.extract_strided_slice %get3A_4 {offsets = [0, 48], sizes = [1, 16], strides = [1, 1]} : vector<1x64xf32> to vector<1x16xf32>
    %add3A_77 = vector.broadcast %slice3A_76 : vector<1x16xf32> to vector<2000x16xf32>
    %add3A_78 = arith.addf %mul3A_75, %add3A_77 : vector<2000x16xf32>
    %max3A_79 = arith.constant 0.000000e+00 : f32
    %max3A_80 = vector.broadcast %max3A_79 : f32 to vector<2000x16xf32>
    %max3A_81 = arith.maximumf %add3A_78, %max3A_80 : vector<2000x16xf32>
    %slice3A_82 = vector.extract_strided_slice %get3A_7 {offsets = [48, 0], sizes = [16, 64], strides = [1, 1]} : vector<64x64xf32> to vector<16x64xf32>
    %dot_general3A_83 = arith.constant dense<0.000000e+00> : vector<2000x64xf32>
    %dot_general3A_84 = tpu.matmul %max3A_81, %slice3A_82, %dot_general3A_83 {dimension_numbers = #tpu.dot_dimension_numbers<[1], [0], [0], [1], [0, 0, 1, 1], [], []>, transpose_lhs_hint = false} : vector<2000x16xf32>, vector<16x64xf32>, vector<2000x64xf32> -> vector<2000x64xf32>
    %add3A_85 = arith.addf %add3A_64, %dot_general3A_84 : vector<2000x64xf32>
    %mul3A_86 = vector.broadcast %get3A_1 : vector<2000x1xf32> to vector<2000x64xf32>
    %mul3A_87 = arith.mulf %add3A_85, %mul3A_86 : vector<2000x64xf32>
    %slice3A_88 = vector.extract_strided_slice %mul3A_87 {offsets = [0, 0], sizes = [2000, 16], strides = [1, 1]} : vector<2000x64xf32> to vector<2000x16xf32>
    %swap3A = arith.constant 0 : index
    %swap3A_89 = arith.constant 0 : index
    %swap3A_90 = vector.load %arg12[%swap3A, %swap3A_89] : memref<2000x16xf32, #tpu.memory_space<vmem>>, vector<2000x16xf32>
    tpu.vector_store %arg12[%swap3A, %swap3A_89], %slice3A_88 {strides = array<i32>} : memref<2000x16xf32, #tpu.memory_space<vmem>>, vector<2000x16xf32>,
    %slice3A_91 = vector.extract_strided_slice %mul3A_87 {offsets = [0, 16], sizes = [2000, 16], strides = [1, 1]} : vector<2000x64xf32> to vector<2000x16xf32>
    %swap3A_92 = arith.constant 0 : index
    %swap3A_93 = arith.constant 0 : index
    %swap3A_94 = vector.load %arg13[%swap3A_92, %swap3A_93] : memref<2000x16xf32, #tpu.memory_space<vmem>>, vector<2000x16xf32>
    tpu.vector_store %arg13[%swap3A_92, %swap3A_93], %slice3A_91 {strides = array<i32>} : memref<2000x16xf32, #tpu.memory_space<vmem>>, vector<2000x16xf32>,
    %slice3A_95 = vector.extract_strided_slice %mul3A_87 {offsets = [0, 32], sizes = [2000, 16], strides = [1, 1]} : vector<2000x64xf32> to vector<2000x16xf32>
    %swap3A_96 = arith.constant 0 : index
    %swap3A_97 = arith.constant 0 : index
    %swap3A_98 = vector.load %arg14[%swap3A_96, %swap3A_97] : memref<2000x16xf32, #tpu.memory_space<vmem>>, vector<2000x16xf32>
    tpu.vector_store %arg14[%swap3A_96, %swap3A_97], %slice3A_95 {strides = array<i32>} : memref<2000x16xf32, #tpu.memory_space<vmem>>, vector<2000x16xf32>,
    %slice3A_99 = vector.extract_strided_slice %mul3A_87 {offsets = [0, 48], sizes = [2000, 16], strides = [1, 1]} : vector<2000x64xf32> to vector<2000x16xf32>
    %swap3A_100 = arith.constant 0 : index
    %swap3A_101 = arith.constant 0 : index
    %swap3A_102 = vector.load %arg15[%swap3A_100, %swap3A_101] : memref<2000x16xf32, #tpu.memory_space<vmem>>, vector<2000x16xf32>
    tpu.vector_store %arg15[%swap3A_100, %swap3A_101], %slice3A_99 {strides = array<i32>} : memref<2000x16xf32, #tpu.memory_space<vmem>>, vector<2000x16xf32>,
    return
  }
  func.func @transform_0(%arg0: i32) -> (i32, i32, i32) {
    %c0_i32 = arith.constant 0 : i32
    %c0_i32_0 = arith.constant 0 : i32
    %c0_i32_1 = arith.constant 0 : i32
    return %c0_i32, %arg0, %c0_i32_0 : i32, i32, i32
  }
  func.func @transform_1(%arg0: i32) -> (i32, i32, i32) {
    %c1_i32 = arith.constant 1 : i32
    %c0_i32 = arith.constant 0 : i32
    %c0_i32_0 = arith.constant 0 : i32
    return %c1_i32, %arg0, %c0_i32 : i32, i32, i32
  }
  func.func @transform_2(%arg0: i32) -> (i32, i32, i32) {
    %c0_i32 = arith.constant 0 : i32
    %c0_i32_0 = arith.constant 0 : i32
    %c0_i32_1 = arith.constant 0 : i32
    return %c0_i32, %arg0, %c0_i32_0 : i32, i32, i32
  }
  func.func @transform_3(%arg0: i32) -> (i32, i32, i32) {
    %c1_i32 = arith.constant 1 : i32
    %c0_i32 = arith.constant 0 : i32
    %c0_i32_0 = arith.constant 0 : i32
    return %c1_i32, %arg0, %c0_i32 : i32, i32, i32
  }
  func.func @transform_4(%arg0: i32) -> (i32, i32) {
    %c0_i32 = arith.constant 0 : i32
    %c0_i32_0 = arith.constant 0 : i32
    return %arg0, %c0_i32 : i32, i32
  }
  func.func @transform_5(%arg0: i32) -> (i32, i32) {
    %c0_i32 = arith.constant 0 : i32
    %c0_i32_0 = arith.constant 0 : i32
    return %arg0, %c0_i32 : i32, i32
  }
  func.func @transform_6(%arg0: i32) -> (i32, i32) {
    %c0_i32 = arith.constant 0 : i32
    %c0_i32_0 = arith.constant 0 : i32
    return %arg0, %c0_i32 : i32, i32
  }
  func.func @transform_7(%arg0: i32) -> (i32, i32) {
    %c0_i32 = arith.constant 0 : i32
    %c0_i32_0 = arith.constant 0 : i32
    return %arg0, %c0_i32 : i32, i32
  }
  func.func @transform_8(%arg0: i32) -> (i32, i32) {
    %c0_i32 = arith.constant 0 : i32
    %c0_i32_0 = arith.constant 0 : i32
    return %arg0, %c0_i32 : i32, i32
  }
  func.func @transform_9(%arg0: i32) -> (i32, i32) {
    %c0_i32 = arith.constant 0 : i32
    %c0_i32_0 = arith.constant 0 : i32
    %c0_i32_1 = arith.constant 0 : i32
    return %c0_i32, %c0_i32_0 : i32, i32
  }
  func.func @transform_10(%arg0: i32) -> (i32, i32) {
    %c0_i32 = arith.constant 0 : i32
    %c0_i32_0 = arith.constant 0 : i32
    %c0_i32_1 = arith.constant 0 : i32
    return %c0_i32, %c0_i32_0 : i32, i32
  }
  func.func @transform_11(%arg0: i32) -> (i32, i32) {
    %c0_i32 = arith.constant 0 : i32
    %c0_i32_0 = arith.constant 0 : i32
    return %arg0, %c0_i32 : i32, i32
  }
  func.func @transform_12(%arg0: i32) -> (i32, i32) {
    %c0_i32 = arith.constant 0 : i32
    %c0_i32_0 = arith.constant 0 : i32
    return %arg0, %c0_i32 : i32, i32
  }
  func.func @transform_13(%arg0: i32) -> (i32, i32) {
    %c0_i32 = arith.constant 0 : i32
    %c0_i32_0 = arith.constant 0 : i32
    return %arg0, %c0_i32 : i32, i32
  }
  func.func @transform_14(%arg0: i32) -> (i32, i32) {
    %c0_i32 = arith.constant 0 : i32
    %c0_i32_0 = arith.constant 0 : i32
    return %arg0, %c0_i32 : i32, i32
  }
}

module attributes {stable_mosaic.version = 14 : i64} {
  func.func @body(%arg0: i32, %arg1: memref<1x2000x16xf32, #tpu.memory_space<vmem>>, %arg2: memref<1x2000x16xf32, #tpu.memory_space<vmem>>, %arg3: memref<1x2000x16xf32, #tpu.memory_space<vmem>>, %arg4: memref<1x2000x16xf32, #tpu.memory_space<vmem>>, %arg5: memref<2000x16xf32, #tpu.memory_space<vmem>>, %arg6: memref<2000x16xf32, #tpu.memory_space<vmem>>, %arg7: memref<2000x16xf32, #tpu.memory_space<vmem>>, %arg8: memref<2000x16xf32, #tpu.memory_space<vmem>>, %arg9: memref<2000x1xf32, #tpu.memory_space<vmem>>, %arg10: memref<1x64xf32, #tpu.memory_space<vmem>>, %arg11: memref<64x32xf32, #tpu.memory_space<vmem>>, %arg12: memref<2000x16xf32, #tpu.memory_space<vmem>>, %arg13: memref<2000x16xf32, #tpu.memory_space<vmem>>) attributes {dimension_semantics = [#tpu.dimension_semantics<arbitrary>], iteration_bounds = array<i64: 25>, scalar_prefetch = 0 : i64, scratch_operands = 0 : i64, tpu.core_type = #tpu.core_type<tc>, window_params = [{transform_indices = @transform_0, window_bounds = array<i64: 1, 2000, 16>}, {transform_indices = @transform_1, window_bounds = array<i64: 1, 2000, 16>}, {transform_indices = @transform_2, window_bounds = array<i64: 1, 2000, 16>}, {transform_indices = @transform_3, window_bounds = array<i64: 1, 2000, 16>}, {transform_indices = @transform_4, window_bounds = array<i64: 2000, 16>}, {transform_indices = @transform_5, window_bounds = array<i64: 2000, 16>}, {transform_indices = @transform_6, window_bounds = array<i64: 2000, 16>}, {transform_indices = @transform_7, window_bounds = array<i64: 2000, 16>}, {transform_indices = @transform_8, window_bounds = array<i64: 2000, 1>}, {pipeline_mode = #tpu.pipeline_mode<synchronous>, transform_indices = @transform_9, window_bounds = array<i64: 1, 64>}, {pipeline_mode = #tpu.pipeline_mode<synchronous>, transform_indices = @transform_10, window_bounds = array<i64: 64, 32>}, {transform_indices = @transform_11, window_bounds = array<i64: 2000, 16>}, {transform_indices = @transform_12, window_bounds = array<i64: 2000, 16>}]} {
    %get3A = arith.constant 0 : index
    %get3A_0 = arith.constant 0 : index
    %get3A_1 = vector.load %arg9[%get3A, %get3A_0] : memref<2000x1xf32, #tpu.memory_space<vmem>>, vector<2000x1xf32>
    %get3A_2 = arith.constant 0 : index
    %get3A_3 = arith.constant 0 : index
    %get3A_4 = vector.load %arg10[%get3A_2, %get3A_3] : memref<1x64xf32, #tpu.memory_space<vmem>>, vector<1x64xf32>
    %get3A_5 = arith.constant 0 : index
    %get3A_6 = arith.constant 0 : index
    %get3A_7 = vector.load %arg11[%get3A_5, %get3A_6] : memref<64x32xf32, #tpu.memory_space<vmem>>, vector<64x32xf32>
    %get3A_8 = arith.constant 0 : index
    %get3A_9 = arith.constant 0 : index
    %get3A_10 = arith.constant 0 : index
    %get3A_11 = vector.load %arg1[%get3A_8, %get3A_9, %get3A_10] : memref<1x2000x16xf32, #tpu.memory_space<vmem>>, vector<1x2000x16xf32>
    %get3A_12 = vector.shape_cast %get3A_11 : vector<1x2000x16xf32> to vector<2000x16xf32>
    %get3A_13 = arith.constant 0 : index
    %get3A_14 = arith.constant 0 : index
    %get3A_15 = vector.load %arg5[%get3A_13, %get3A_14] : memref<2000x16xf32, #tpu.memory_space<vmem>>, vector<2000x16xf32>
    %add3A = arith.addf %get3A_12, %get3A_15 : vector<2000x16xf32>
    %mul3A = vector.broadcast %get3A_1 : vector<2000x1xf32> to vector<2000x16xf32>
    %mul3A_16 = arith.mulf %mul3A, %add3A : vector<2000x16xf32>
    %slice3A = vector.extract_strided_slice %get3A_4 {offsets = [0, 0], sizes = [1, 16], strides = [1, 1]} : vector<1x64xf32> to vector<1x16xf32>
    %add3A_17 = vector.broadcast %slice3A : vector<1x16xf32> to vector<2000x16xf32>
    %add3A_18 = arith.addf %mul3A_16, %add3A_17 : vector<2000x16xf32>
    %max3A = arith.constant 0.000000e+00 : f32
    %max3A_19 = vector.broadcast %max3A : f32 to vector<2000x16xf32>
    %max3A_20 = arith.maximumf %add3A_18, %max3A_19 : vector<2000x16xf32>
    %slice3A_21 = vector.extract_strided_slice %get3A_7 {offsets = [0, 0], sizes = [16, 32], strides = [1, 1]} : vector<64x32xf32> to vector<16x32xf32>
    %dot_general3A = arith.constant dense<0.000000e+00> : vector<2000x32xf32>
    %dot_general3A_22 = tpu.matmul %max3A_20, %slice3A_21, %dot_general3A {dimension_numbers = #tpu.dot_dimension_numbers<[1], [0], [0], [1], [0, 0, 1, 1], [], []>, transpose_lhs_hint = false} : vector<2000x16xf32>, vector<16x32xf32>, vector<2000x32xf32> -> vector<2000x32xf32>
    %get3A_23 = arith.constant 0 : index
    %get3A_24 = arith.constant 0 : index
    %get3A_25 = arith.constant 0 : index
    %get3A_26 = vector.load %arg2[%get3A_23, %get3A_24, %get3A_25] : memref<1x2000x16xf32, #tpu.memory_space<vmem>>, vector<1x2000x16xf32>
    %get3A_27 = vector.shape_cast %get3A_26 : vector<1x2000x16xf32> to vector<2000x16xf32>
    %get3A_28 = arith.constant 0 : index
    %get3A_29 = arith.constant 0 : index
    %get3A_30 = vector.load %arg6[%get3A_28, %get3A_29] : memref<2000x16xf32, #tpu.memory_space<vmem>>, vector<2000x16xf32>
    %add3A_31 = arith.addf %get3A_27, %get3A_30 : vector<2000x16xf32>
    %mul3A_32 = vector.broadcast %get3A_1 : vector<2000x1xf32> to vector<2000x16xf32>
    %mul3A_33 = arith.mulf %mul3A_32, %add3A_31 : vector<2000x16xf32>
    %slice3A_34 = vector.extract_strided_slice %get3A_4 {offsets = [0, 16], sizes = [1, 16], strides = [1, 1]} : vector<1x64xf32> to vector<1x16xf32>
    %add3A_35 = vector.broadcast %slice3A_34 : vector<1x16xf32> to vector<2000x16xf32>
    %add3A_36 = arith.addf %mul3A_33, %add3A_35 : vector<2000x16xf32>
    %max3A_37 = arith.constant 0.000000e+00 : f32
    %max3A_38 = vector.broadcast %max3A_37 : f32 to vector<2000x16xf32>
    %max3A_39 = arith.maximumf %add3A_36, %max3A_38 : vector<2000x16xf32>
    %slice3A_40 = vector.extract_strided_slice %get3A_7 {offsets = [16, 0], sizes = [16, 32], strides = [1, 1]} : vector<64x32xf32> to vector<16x32xf32>
    %dot_general3A_41 = arith.constant dense<0.000000e+00> : vector<2000x32xf32>
    %dot_general3A_42 = tpu.matmul %max3A_39, %slice3A_40, %dot_general3A_41 {dimension_numbers = #tpu.dot_dimension_numbers<[1], [0], [0], [1], [0, 0, 1, 1], [], []>, transpose_lhs_hint = false} : vector<2000x16xf32>, vector<16x32xf32>, vector<2000x32xf32> -> vector<2000x32xf32>
    %add3A_43 = arith.addf %dot_general3A_22, %dot_general3A_42 : vector<2000x32xf32>
    %get3A_44 = arith.constant 0 : index
    %get3A_45 = arith.constant 0 : index
    %get3A_46 = arith.constant 0 : index
    %get3A_47 = vector.load %arg3[%get3A_44, %get3A_45, %get3A_46] : memref<1x2000x16xf32, #tpu.memory_space<vmem>>, vector<1x2000x16xf32>
    %get3A_48 = vector.shape_cast %get3A_47 : vector<1x2000x16xf32> to vector<2000x16xf32>
    %get3A_49 = arith.constant 0 : index
    %get3A_50 = arith.constant 0 : index
    %get3A_51 = vector.load %arg7[%get3A_49, %get3A_50] : memref<2000x16xf32, #tpu.memory_space<vmem>>, vector<2000x16xf32>
    %add3A_52 = arith.addf %get3A_48, %get3A_51 : vector<2000x16xf32>
    %mul3A_53 = vector.broadcast %get3A_1 : vector<2000x1xf32> to vector<2000x16xf32>
    %mul3A_54 = arith.mulf %mul3A_53, %add3A_52 : vector<2000x16xf32>
    %slice3A_55 = vector.extract_strided_slice %get3A_4 {offsets = [0, 32], sizes = [1, 16], strides = [1, 1]} : vector<1x64xf32> to vector<1x16xf32>
    %add3A_56 = vector.broadcast %slice3A_55 : vector<1x16xf32> to vector<2000x16xf32>
    %add3A_57 = arith.addf %mul3A_54, %add3A_56 : vector<2000x16xf32>
    %max3A_58 = arith.constant 0.000000e+00 : f32
    %max3A_59 = vector.broadcast %max3A_58 : f32 to vector<2000x16xf32>
    %max3A_60 = arith.maximumf %add3A_57, %max3A_59 : vector<2000x16xf32>
    %slice3A_61 = vector.extract_strided_slice %get3A_7 {offsets = [32, 0], sizes = [16, 32], strides = [1, 1]} : vector<64x32xf32> to vector<16x32xf32>
    %dot_general3A_62 = arith.constant dense<0.000000e+00> : vector<2000x32xf32>
    %dot_general3A_63 = tpu.matmul %max3A_60, %slice3A_61, %dot_general3A_62 {dimension_numbers = #tpu.dot_dimension_numbers<[1], [0], [0], [1], [0, 0, 1, 1], [], []>, transpose_lhs_hint = false} : vector<2000x16xf32>, vector<16x32xf32>, vector<2000x32xf32> -> vector<2000x32xf32>
    %add3A_64 = arith.addf %add3A_43, %dot_general3A_63 : vector<2000x32xf32>
    %get3A_65 = arith.constant 0 : index
    %get3A_66 = arith.constant 0 : index
    %get3A_67 = arith.constant 0 : index
    %get3A_68 = vector.load %arg4[%get3A_65, %get3A_66, %get3A_67] : memref<1x2000x16xf32, #tpu.memory_space<vmem>>, vector<1x2000x16xf32>
    %get3A_69 = vector.shape_cast %get3A_68 : vector<1x2000x16xf32> to vector<2000x16xf32>
    %get3A_70 = arith.constant 0 : index
    %get3A_71 = arith.constant 0 : index
    %get3A_72 = vector.load %arg8[%get3A_70, %get3A_71] : memref<2000x16xf32, #tpu.memory_space<vmem>>, vector<2000x16xf32>
    %add3A_73 = arith.addf %get3A_69, %get3A_72 : vector<2000x16xf32>
    %mul3A_74 = vector.broadcast %get3A_1 : vector<2000x1xf32> to vector<2000x16xf32>
    %mul3A_75 = arith.mulf %mul3A_74, %add3A_73 : vector<2000x16xf32>
    %slice3A_76 = vector.extract_strided_slice %get3A_4 {offsets = [0, 48], sizes = [1, 16], strides = [1, 1]} : vector<1x64xf32> to vector<1x16xf32>
    %add3A_77 = vector.broadcast %slice3A_76 : vector<1x16xf32> to vector<2000x16xf32>
    %add3A_78 = arith.addf %mul3A_75, %add3A_77 : vector<2000x16xf32>
    %max3A_79 = arith.constant 0.000000e+00 : f32
    %max3A_80 = vector.broadcast %max3A_79 : f32 to vector<2000x16xf32>
    %max3A_81 = arith.maximumf %add3A_78, %max3A_80 : vector<2000x16xf32>
    %slice3A_82 = vector.extract_strided_slice %get3A_7 {offsets = [48, 0], sizes = [16, 32], strides = [1, 1]} : vector<64x32xf32> to vector<16x32xf32>
    %dot_general3A_83 = arith.constant dense<0.000000e+00> : vector<2000x32xf32>
    %dot_general3A_84 = tpu.matmul %max3A_81, %slice3A_82, %dot_general3A_83 {dimension_numbers = #tpu.dot_dimension_numbers<[1], [0], [0], [1], [0, 0, 1, 1], [], []>, transpose_lhs_hint = false} : vector<2000x16xf32>, vector<16x32xf32>, vector<2000x32xf32> -> vector<2000x32xf32>
    %add3A_85 = arith.addf %add3A_64, %dot_general3A_84 : vector<2000x32xf32>
    %mul3A_86 = vector.broadcast %get3A_1 : vector<2000x1xf32> to vector<2000x32xf32>
    %mul3A_87 = arith.mulf %add3A_85, %mul3A_86 : vector<2000x32xf32>
    %slice3A_88 = vector.extract_strided_slice %mul3A_87 {offsets = [0, 0], sizes = [2000, 16], strides = [1, 1]} : vector<2000x32xf32> to vector<2000x16xf32>
    %swap3A = arith.constant 0 : index
    %swap3A_89 = arith.constant 0 : index
    %swap3A_90 = vector.load %arg12[%swap3A, %swap3A_89] : memref<2000x16xf32, #tpu.memory_space<vmem>>, vector<2000x16xf32>
    tpu.vector_store %arg12[%swap3A, %swap3A_89], %slice3A_88 {strides = array<i32>} : memref<2000x16xf32, #tpu.memory_space<vmem>>, vector<2000x16xf32>,
    %slice3A_91 = vector.extract_strided_slice %mul3A_87 {offsets = [0, 16], sizes = [2000, 16], strides = [1, 1]} : vector<2000x32xf32> to vector<2000x16xf32>
    %swap3A_92 = arith.constant 0 : index
    %swap3A_93 = arith.constant 0 : index
    %swap3A_94 = vector.load %arg13[%swap3A_92, %swap3A_93] : memref<2000x16xf32, #tpu.memory_space<vmem>>, vector<2000x16xf32>
    tpu.vector_store %arg13[%swap3A_92, %swap3A_93], %slice3A_91 {strides = array<i32>} : memref<2000x16xf32, #tpu.memory_space<vmem>>, vector<2000x16xf32>,
    return
  }
  func.func @transform_0(%arg0: i32) -> (i32, i32, i32) {
    %c0_i32 = arith.constant 0 : i32
    %c0_i32_0 = arith.constant 0 : i32
    %c0_i32_1 = arith.constant 0 : i32
    return %c0_i32, %arg0, %c0_i32_0 : i32, i32, i32
  }
  func.func @transform_1(%arg0: i32) -> (i32, i32, i32) {
    %c1_i32 = arith.constant 1 : i32
    %c0_i32 = arith.constant 0 : i32
    %c0_i32_0 = arith.constant 0 : i32
    return %c1_i32, %arg0, %c0_i32 : i32, i32, i32
  }
  func.func @transform_2(%arg0: i32) -> (i32, i32, i32) {
    %c0_i32 = arith.constant 0 : i32
    %c0_i32_0 = arith.constant 0 : i32
    %c0_i32_1 = arith.constant 0 : i32
    return %c0_i32, %arg0, %c0_i32_0 : i32, i32, i32
  }
  func.func @transform_3(%arg0: i32) -> (i32, i32, i32) {
    %c1_i32 = arith.constant 1 : i32
    %c0_i32 = arith.constant 0 : i32
    %c0_i32_0 = arith.constant 0 : i32
    return %c1_i32, %arg0, %c0_i32 : i32, i32, i32
  }
  func.func @transform_4(%arg0: i32) -> (i32, i32) {
    %c0_i32 = arith.constant 0 : i32
    %c0_i32_0 = arith.constant 0 : i32
    return %arg0, %c0_i32 : i32, i32
  }
  func.func @transform_5(%arg0: i32) -> (i32, i32) {
    %c0_i32 = arith.constant 0 : i32
    %c0_i32_0 = arith.constant 0 : i32
    return %arg0, %c0_i32 : i32, i32
  }
  func.func @transform_6(%arg0: i32) -> (i32, i32) {
    %c0_i32 = arith.constant 0 : i32
    %c0_i32_0 = arith.constant 0 : i32
    return %arg0, %c0_i32 : i32, i32
  }
  func.func @transform_7(%arg0: i32) -> (i32, i32) {
    %c0_i32 = arith.constant 0 : i32
    %c0_i32_0 = arith.constant 0 : i32
    return %arg0, %c0_i32 : i32, i32
  }
  func.func @transform_8(%arg0: i32) -> (i32, i32) {
    %c0_i32 = arith.constant 0 : i32
    %c0_i32_0 = arith.constant 0 : i32
    return %arg0, %c0_i32 : i32, i32
  }
  func.func @transform_9(%arg0: i32) -> (i32, i32) {
    %c0_i32 = arith.constant 0 : i32
    %c0_i32_0 = arith.constant 0 : i32
    %c0_i32_1 = arith.constant 0 : i32
    return %c0_i32, %c0_i32_0 : i32, i32
  }
  func.func @transform_10(%arg0: i32) -> (i32, i32) {
    %c0_i32 = arith.constant 0 : i32
    %c0_i32_0 = arith.constant 0 : i32
    %c0_i32_1 = arith.constant 0 : i32
    return %c0_i32, %c0_i32_0 : i32, i32
  }
  func.func @transform_11(%arg0: i32) -> (i32, i32) {
    %c0_i32 = arith.constant 0 : i32
    %c0_i32_0 = arith.constant 0 : i32
    return %arg0, %c0_i32 : i32, i32
  }
  func.func @transform_12(%arg0: i32) -> (i32, i32) {
    %c0_i32 = arith.constant 0 : i32
    %c0_i32_0 = arith.constant 0 : i32
    return %arg0, %c0_i32 : i32, i32
  }
}

module attributes {stable_mosaic.version = 14 : i64} {
  func.func @body(%arg0: i32, %arg1: memref<1x2000x16xf32, #tpu.memory_space<vmem>>, %arg2: memref<1x2000x16xf32, #tpu.memory_space<vmem>>, %arg3: memref<2000x16xf32, #tpu.memory_space<vmem>>, %arg4: memref<2000x16xf32, #tpu.memory_space<vmem>>, %arg5: memref<2000x1xf32, #tpu.memory_space<vmem>>, %arg6: memref<1x32xf32, #tpu.memory_space<vmem>>, %arg7: memref<2000x1xi32, #tpu.memory_space<vmem>>, %arg8: memref<64x32xf32, #tpu.memory_space<vmem>>, %arg9: memref<64x32xf32, #tpu.memory_space<vmem>>, %arg10: memref<64x1xf32, #tpu.memory_space<vmem>>) attributes {dimension_semantics = [#tpu.dimension_semantics<arbitrary>], iteration_bounds = array<i64: 25>, scalar_prefetch = 0 : i64, scratch_operands = 2 : i64, tpu.core_type = #tpu.core_type<tc>, window_params = [{transform_indices = @transform_0, window_bounds = array<i64: 1, 2000, 16>}, {transform_indices = @transform_1, window_bounds = array<i64: 1, 2000, 16>}, {transform_indices = @transform_2, window_bounds = array<i64: 2000, 16>}, {transform_indices = @transform_3, window_bounds = array<i64: 2000, 16>}, {transform_indices = @transform_4, window_bounds = array<i64: 2000, 1>}, {pipeline_mode = #tpu.pipeline_mode<synchronous>, transform_indices = @transform_5, window_bounds = array<i64: 1, 32>}, {transform_indices = @transform_6, window_bounds = array<i64: 2000, 1>}, {pipeline_mode = #tpu.pipeline_mode<synchronous>, transform_indices = @transform_7, window_bounds = array<i64: 64, 32>}]} {
    %eq3A = arith.constant 0 : i32
    %eq3A_0 = arith.cmpi eq, %arg0, %eq3A : i32
    %convert_element_type3A = arith.extui %eq3A_0 : i1 to i32
    %cond3A = arith.constant 0 : i32
    %cond3A_1 = arith.cmpi ne, %convert_element_type3A, %cond3A : i32
    scf.if %cond3A_1 {
      %broadcast_in_dim3A_70 = arith.constant 0.000000e+00 : f32
      %broadcast_in_dim3A_71 = vector.broadcast %broadcast_in_dim3A_70 : f32 to vector<64x32xf32>
      %swap3A_72 = arith.constant 0 : index
      %swap3A_73 = arith.constant 0 : index
      %swap3A_74 = vector.load %arg9[%swap3A_72, %swap3A_73] : memref<64x32xf32, #tpu.memory_space<vmem>>, vector<64x32xf32>
      tpu.vector_store %arg9[%swap3A_72, %swap3A_73], %broadcast_in_dim3A_71 {strides = array<i32>} : memref<64x32xf32, #tpu.memory_space<vmem>>, vector<64x32xf32>,
      %broadcast_in_dim3A_75 = arith.constant 0.000000e+00 : f32
      %broadcast_in_dim3A_76 = vector.broadcast %broadcast_in_dim3A_75 : f32 to vector<64x1xf32>
      %swap3A_77 = arith.constant 0 : index
      %swap3A_78 = arith.constant 0 : index
      %swap3A_79 = vector.load %arg10[%swap3A_77, %swap3A_78] : memref<64x1xf32, #tpu.memory_space<vmem>>, vector<64x1xf32>
      tpu.vector_store %arg10[%swap3A_77, %swap3A_78], %broadcast_in_dim3A_76 {strides = array<i32>} : memref<64x1xf32, #tpu.memory_space<vmem>>, vector<64x1xf32>,
    } else {
    }
    %get3A = arith.constant 0 : index
    %get3A_2 = arith.constant 0 : index
    %get3A_3 = vector.load %arg5[%get3A, %get3A_2] : memref<2000x1xf32, #tpu.memory_space<vmem>>, vector<2000x1xf32>
    %get3A_4 = arith.constant 0 : index
    %get3A_5 = arith.constant 0 : index
    %get3A_6 = vector.load %arg6[%get3A_4, %get3A_5] : memref<1x32xf32, #tpu.memory_space<vmem>>, vector<1x32xf32>
    %get3A_7 = arith.constant 0 : index
    %get3A_8 = arith.constant 0 : index
    %get3A_9 = vector.load %arg7[%get3A_7, %get3A_8] : memref<2000x1xi32, #tpu.memory_space<vmem>>, vector<2000x1xi32>
    %iota3A = tpu.iota {dimensions = array<i32: 1>} : vector<2000x64xi32>
    %eq3A_10 = vector.broadcast %get3A_9 : vector<2000x1xi32> to vector<2000x64xi32>
    %eq3A_11 = arith.cmpi eq, %eq3A_10, %iota3A : vector<2000x64xi32>
    %convert_element_type3A_12 = arith.extui %eq3A_11 : vector<2000x64xi1> to vector<2000x64xi32>
    %convert_element_type3A_13 = arith.sitofp %convert_element_type3A_12 : vector<2000x64xi32> to vector<2000x64xf32>
    %get3A_14 = arith.constant 0 : index
    %get3A_15 = arith.constant 0 : index
    %get3A_16 = arith.constant 0 : index
    %get3A_17 = vector.load %arg1[%get3A_14, %get3A_15, %get3A_16] : memref<1x2000x16xf32, #tpu.memory_space<vmem>>, vector<1x2000x16xf32>
    %get3A_18 = vector.shape_cast %get3A_17 : vector<1x2000x16xf32> to vector<2000x16xf32>
    %get3A_19 = arith.constant 0 : index
    %get3A_20 = arith.constant 0 : index
    %get3A_21 = vector.load %arg3[%get3A_19, %get3A_20] : memref<2000x16xf32, #tpu.memory_space<vmem>>, vector<2000x16xf32>
    %add3A = arith.addf %get3A_18, %get3A_21 : vector<2000x16xf32>
    %mul3A = vector.broadcast %get3A_3 : vector<2000x1xf32> to vector<2000x16xf32>
    %mul3A_22 = arith.mulf %mul3A, %add3A : vector<2000x16xf32>
    %slice3A = vector.extract_strided_slice %get3A_6 {offsets = [0, 0], sizes = [1, 16], strides = [1, 1]} : vector<1x32xf32> to vector<1x16xf32>
    %add3A_23 = vector.broadcast %slice3A : vector<1x16xf32> to vector<2000x16xf32>
    %add3A_24 = arith.addf %mul3A_22, %add3A_23 : vector<2000x16xf32>
    %get3A_25 = arith.constant 0 : index
    %get3A_26 = arith.constant 0 : index
    %get3A_27 = vector.load %arg9[%get3A_25, %get3A_26] : memref<64x32xf32, #tpu.memory_space<vmem>>, vector<64x16xf32>
    %dot_general3A = arith.constant dense<0.000000e+00> : vector<64x16xf32>
    %dot_general3A_28 = tpu.matmul %convert_element_type3A_13, %add3A_24, %dot_general3A {dimension_numbers = #tpu.dot_dimension_numbers<[0], [0], [1], [1], [0, 1, 1, 1], [], []>, transpose_lhs_hint = false} : vector<2000x64xf32>, vector<2000x16xf32>, vector<64x16xf32> -> vector<64x16xf32>
    %add3A_29 = arith.addf %get3A_27, %dot_general3A_28 : vector<64x16xf32>
    %swap3A = arith.constant 0 : index
    %swap3A_30 = arith.constant 0 : index
    %swap3A_31 = vector.load %arg9[%swap3A, %swap3A_30] : memref<64x32xf32, #tpu.memory_space<vmem>>, vector<64x16xf32>
    tpu.vector_store %arg9[%swap3A, %swap3A_30], %add3A_29 {strides = array<i32>} : memref<64x32xf32, #tpu.memory_space<vmem>>, vector<64x16xf32>,
    %get3A_32 = arith.constant 0 : index
    %get3A_33 = arith.constant 0 : index
    %get3A_34 = arith.constant 0 : index
    %get3A_35 = vector.load %arg2[%get3A_32, %get3A_33, %get3A_34] : memref<1x2000x16xf32, #tpu.memory_space<vmem>>, vector<1x2000x16xf32>
    %get3A_36 = vector.shape_cast %get3A_35 : vector<1x2000x16xf32> to vector<2000x16xf32>
    %get3A_37 = arith.constant 0 : index
    %get3A_38 = arith.constant 0 : index
    %get3A_39 = vector.load %arg4[%get3A_37, %get3A_38] : memref<2000x16xf32, #tpu.memory_space<vmem>>, vector<2000x16xf32>
    %add3A_40 = arith.addf %get3A_36, %get3A_39 : vector<2000x16xf32>
    %mul3A_41 = vector.broadcast %get3A_3 : vector<2000x1xf32> to vector<2000x16xf32>
    %mul3A_42 = arith.mulf %mul3A_41, %add3A_40 : vector<2000x16xf32>
    %slice3A_43 = vector.extract_strided_slice %get3A_6 {offsets = [0, 16], sizes = [1, 16], strides = [1, 1]} : vector<1x32xf32> to vector<1x16xf32>
    %add3A_44 = vector.broadcast %slice3A_43 : vector<1x16xf32> to vector<2000x16xf32>
    %add3A_45 = arith.addf %mul3A_42, %add3A_44 : vector<2000x16xf32>
    %get3A_46 = arith.constant 0 : index
    %get3A_47 = arith.constant 16 : index
    %get3A_48 = vector.load %arg9[%get3A_46, %get3A_47] : memref<64x32xf32, #tpu.memory_space<vmem>>, vector<64x16xf32>
    %dot_general3A_49 = arith.constant dense<0.000000e+00> : vector<64x16xf32>
    %dot_general3A_50 = tpu.matmul %convert_element_type3A_13, %add3A_45, %dot_general3A_49 {dimension_numbers = #tpu.dot_dimension_numbers<[0], [0], [1], [1], [0, 1, 1, 1], [], []>, transpose_lhs_hint = false} : vector<2000x64xf32>, vector<2000x16xf32>, vector<64x16xf32> -> vector<64x16xf32>
    %add3A_51 = arith.addf %get3A_48, %dot_general3A_50 : vector<64x16xf32>
    %swap3A_52 = arith.constant 0 : index
    %swap3A_53 = arith.constant 16 : index
    %swap3A_54 = vector.load %arg9[%swap3A_52, %swap3A_53] : memref<64x32xf32, #tpu.memory_space<vmem>>, vector<64x16xf32>
    tpu.vector_store %arg9[%swap3A_52, %swap3A_53], %add3A_51 {strides = array<i32>} : memref<64x32xf32, #tpu.memory_space<vmem>>, vector<64x16xf32>,
    %get3A_55 = arith.constant 0 : index
    %get3A_56 = arith.constant 0 : index
    %get3A_57 = vector.load %arg10[%get3A_55, %get3A_56] : memref<64x1xf32, #tpu.memory_space<vmem>>, vector<64x1xf32>
    %broadcast_in_dim3A = arith.constant 1.000000e+00 : f32
    %broadcast_in_dim3A_58 = vector.broadcast %broadcast_in_dim3A : f32 to vector<2000x1xf32>
    %dot_general3A_59 = arith.constant dense<0.000000e+00> : vector<64x1xf32>
    %dot_general3A_60 = tpu.matmul %convert_element_type3A_13, %broadcast_in_dim3A_58, %dot_general3A_59 {dimension_numbers = #tpu.dot_dimension_numbers<[0], [0], [1], [1], [0, 1, 1, 1], [], []>, transpose_lhs_hint = false} : vector<2000x64xf32>, vector<2000x1xf32>, vector<64x1xf32> -> vector<64x1xf32>
    %add3A_61 = arith.addf %get3A_57, %dot_general3A_60 : vector<64x1xf32>
    %swap3A_62 = arith.constant 0 : index
    %swap3A_63 = arith.constant 0 : index
    %swap3A_64 = vector.load %arg10[%swap3A_62, %swap3A_63] : memref<64x1xf32, #tpu.memory_space<vmem>>, vector<64x1xf32>
    tpu.vector_store %arg10[%swap3A_62, %swap3A_63], %add3A_61 {strides = array<i32>} : memref<64x1xf32, #tpu.memory_space<vmem>>, vector<64x1xf32>,
    %eq3A_65 = arith.constant 24 : i32
    %eq3A_66 = arith.cmpi eq, %arg0, %eq3A_65 : i32
    %convert_element_type3A_67 = arith.extui %eq3A_66 : i1 to i32
    %cond3A_68 = arith.constant 0 : i32
    %cond3A_69 = arith.cmpi ne, %convert_element_type3A_67, %cond3A_68 : i32
    scf.if %cond3A_69 {
      %get3A_70 = arith.constant 0 : index
      %get3A_71 = arith.constant 0 : index
      %get3A_72 = vector.load %arg9[%get3A_70, %get3A_71] : memref<64x32xf32, #tpu.memory_space<vmem>>, vector<64x32xf32>
      %get3A_73 = arith.constant 0 : index
      %get3A_74 = arith.constant 0 : index
      %get3A_75 = vector.load %arg10[%get3A_73, %get3A_74] : memref<64x1xf32, #tpu.memory_space<vmem>>, vector<64x1xf32>
      %max3A = arith.constant 1.000000e+00 : f32
      %max3A_76 = vector.broadcast %max3A : f32 to vector<64x1xf32>
      %max3A_77 = arith.maximumf %get3A_75, %max3A_76 : vector<64x1xf32>
      %div3A = vector.broadcast %max3A_77 : vector<64x1xf32> to vector<64x32xf32>
      %div3A_78 = arith.divf %get3A_72, %div3A : vector<64x32xf32>
      %swap3A_79 = arith.constant 0 : index
      %swap3A_80 = arith.constant 0 : index
      %swap3A_81 = vector.load %arg8[%swap3A_79, %swap3A_80] : memref<64x32xf32, #tpu.memory_space<vmem>>, vector<64x32xf32>
      tpu.vector_store %arg8[%swap3A_79, %swap3A_80], %div3A_78 {strides = array<i32>} : memref<64x32xf32, #tpu.memory_space<vmem>>, vector<64x32xf32>,
    } else {
    }
    return
  }
  func.func @transform_0(%arg0: i32) -> (i32, i32, i32) {
    %c0_i32 = arith.constant 0 : i32
    %c0_i32_0 = arith.constant 0 : i32
    %c0_i32_1 = arith.constant 0 : i32
    return %c0_i32, %arg0, %c0_i32_0 : i32, i32, i32
  }
  func.func @transform_1(%arg0: i32) -> (i32, i32, i32) {
    %c1_i32 = arith.constant 1 : i32
    %c0_i32 = arith.constant 0 : i32
    %c0_i32_0 = arith.constant 0 : i32
    return %c1_i32, %arg0, %c0_i32 : i32, i32, i32
  }
  func.func @transform_2(%arg0: i32) -> (i32, i32) {
    %c0_i32 = arith.constant 0 : i32
    %c0_i32_0 = arith.constant 0 : i32
    return %arg0, %c0_i32 : i32, i32
  }
  func.func @transform_3(%arg0: i32) -> (i32, i32) {
    %c0_i32 = arith.constant 0 : i32
    %c0_i32_0 = arith.constant 0 : i32
    return %arg0, %c0_i32 : i32, i32
  }
  func.func @transform_4(%arg0: i32) -> (i32, i32) {
    %c0_i32 = arith.constant 0 : i32
    %c0_i32_0 = arith.constant 0 : i32
    return %arg0, %c0_i32 : i32, i32
  }
  func.func @transform_5(%arg0: i32) -> (i32, i32) {
    %c0_i32 = arith.constant 0 : i32
    %c0_i32_0 = arith.constant 0 : i32
    %c0_i32_1 = arith.constant 0 : i32
    return %c0_i32, %c0_i32_0 : i32, i32
  }
  func.func @transform_6(%arg0: i32) -> (i32, i32) {
    %c0_i32 = arith.constant 0 : i32
    %c0_i32_0 = arith.constant 0 : i32
    return %arg0, %c0_i32 : i32, i32
  }
  func.func @transform_7(%arg0: i32) -> (i32, i32) {
    %c0_i32 = arith.constant 0 : i32
    %c0_i32_0 = arith.constant 0 : i32
    %c0_i32_1 = arith.constant 0 : i32
    return %c0_i32, %c0_i32_0 : i32, i32
  }
}

</mosaic_0001>

<sc_bundles>
// kernel: kernel.12.cloned.1.call-start
scs
__scs_entry_jumppad:
0x0: {  	(pc) =	sbr.rel $0x88, $3  }
0x1: {  	(tag) =	ssettag $0x0;
	lr =	simm.s32 $0x1  }
0x2: {  	[smem:$0x3F98] =	sst lr;
	_ =	strace $0xD0000000  }
0x3: {  	_ = 	snop  }
0x4: {  	_ = 	snop  }
0x5: {  	_ = 	snop  }
0x6: {  	_ = 	snop  }
0x7: {  	_ = 	snop  }
__scs_overlays_trampoline_lowered:
0x8: {  	[smem:$0x3FA7] =	sst s0  }
0x9: {  	[smem:$0x3FA8] =	sst s1  }
0xa: {  	[smem:$0x3FA9] =	sst s2  }
0xb: {  	[smem:$0x3FAA] =	sst s3  }
0xc: {  	[smem:$0x3FAB] =	sst s4  }
0xd: {  	[smem:$0x3FAC] =	sst s5  }
0xe: {  	[smem:$0x3FAD] =	sst s6  }
0xf: {  	[smem:$0x3FAE] =	sst s7  }
0x10: {  	[smem:$0x3FAF] =	sst s8  }
0x11: {  	[smem:$0x3FB0] =	sst s9;
	s0 =	simm.s32 @!p0 $0x0  }
0x12: {  	s1 =	sld [smem:$0x3F96];
	s0 =	simm.s32 @p0 $0x1  }
0x13: {  	[smem:$0x3FB1] =	sst s0;
	s0 =	simm.s32 @!p1 $0x0  }
0x14: {  	s2 =	sld [smem:$0x3F95];
	s0 =	simm.s32 @p1 $0x1  }
0x15: {  	[smem:$0x3FB2] =	sst s0;
	s0 =	simm.s32 @!p2 $0x0  }
0x16: {  	s3 =	sld [smem:$0x3FDB];
	s0 =	simm.s32 @p2 $0x1  }
0x17: {  	s4 =	simm.s32 $0x1BF5;
	[smem:$0x3FB4] =	sst s0  }
0x18: {  	s0 =	sld [smem:$0x3F97];
	_ =	swait.ge [sflag:s4], $0x0  }
0x19: {  	s7 =	sld [smem:$0x3F98]  }
0x1a: {  	s8 =	sadd.s32 $0xFFFFE003, lr  }
0x1b: {  	s9 =	sadd.s32 $0xFFFFFEF7, lr;
	s5 =	simm.s32 $0xFFFFFFFF;
	p2 =	slt.u32 s8, $0xFFFFF086  }
0x1c: {  	p1 =	slt.u32 s9, $0xF7A;
	s5 =	simm.s32 @!p2 $0x0  }
0x1d: {  	s5 =	simm.s32 @p1 $0x1;
	p0 =	seq.s32 s7, s2  }
0x1e: {  	s7 =	smul.u32 @!p0 $0xF7A, s2;
	p2 =	seq.s32 @!p0 s5, $0x0  }
0x1f: {  	s9 =	smul.u32 $0xF7A, s1;
	s8 =	simm.s32 @!p0 $0x1BF5;
	p2 =	por !p2, p0  }
0x20: {  	[sflag:s8] =	ssyncset.s32 @!p0 $0xFFFFF086;
	s6 =	sadd.s32 @!p0 s3, s7;
	s7 =	simm.s32 @!p0 $0x108  }
0x21: {  	s3 =	sadd.s32 s3, s9;
	s6 =	sadd.s32 @!p0 $0x88, s6;
	s7 =	simm.s32 @p2 $0x1082  }
0x22: {  	[simem:s7], [sflag:s8] =	dma.local @!p0 [hbm:s6], $0xF7A  }
0x23: {  	s9 =	sor.u32 $0xD0000000, s2;
	s6 =	simm.s32 $0x108;
	_ =	swait.ge @!p0 [sflag:s8], $0x0  }
0x24: {  	s3 =	sadd.s32 $0x88, s3;
	s6 =	simm.s32 @!p1 $0x1082;
	[sflag:s4] =	ssyncset.s32 $0xFFFFF086  }
0x25: {  	[simem:s6], [sflag:s4] =	dma.local [hbm:s3], $0xF7A  }
0x26: {  	[smem:$0x3F98] =	sst s1;
	(tag) =	ssettag s2;
	_ =	strace s9  }
0x27: {  	s1 =	sld [smem:$0x3FA8]  }
0x28: {  	s2 =	sld [smem:$0x3FA9]  }
0x29: {  	s4 =	sld [smem:$0x3FAB]  }
0x2a: {  	p0 =	seq.s32 s5, $0x0;
	s5 =	sld [smem:$0x3FAC]  }
0x2b: {  	s6 =	sld [smem:$0x3FAD]  }
0x2c: {  	s7 =	sld [smem:$0x3FAE]  }
0x2d: {  	s3 =	simm.s32 $0x108;
	s8 =	sld [smem:$0x3FAF]  }
0x2e: {  	s3 =	simm.s32 @!p0 $0x1082;
	s9 =	sld [smem:$0x3FB0]  }
0x2f: {  	lr =	sadd.s32 s0, s3;
	s0 =	sld [smem:$0x3FA7]  }
0x30: {  	s3 =	sld [smem:$0x3FAA]  }
0x31: {  	[smem:$0x3FB3] =	sst s10  }
0x32: {  	s10 =	sld [smem:$0x3FB1];
	_ =	sdelay $0x3  }
0x33: {  	p0 =	seq.s32 s10, $0x1;
	s10 =	sld [smem:$0x3FB3];
	_ =	sdelay $0x3  }
0x34: {  	[smem:$0x3FB3] =	sst s10  }
0x35: {  	s10 =	sld [smem:$0x3FB2];
	_ =	sdelay $0x3  }
0x36: {  	p1 =	seq.s32 s10, $0x1;
	s10 =	sld [smem:$0x3FB3];
	_ =	sdelay $0x3  }
0x37: {  	[smem:$0x3FB3] =	sst s10  }
0x38: {  	s10 =	sld [smem:$0x3FB4]  }
0x39: {  	_ = 	snop;
	(pc) =	sbr.ind lr, $3  }
0x3a: {  	_ = 	snop  }
0x3b: {  	_ = 	snop  }
0x3c: {  	p2 =	seq.s32 s10, $0x1;
	s10 =	sld [smem:$0x3FB3]  }
0x3d: {  	_ =	shalt  }
0x3e: {  	_ =	shalt  }
0x3f: {  	_ =	shalt  }
0x40: {  	_ =	shalt  }
0x41: {  	_ =	shalt  }
0x42: {  	_ =	shalt  }
0x43: {  	_ =	shalt  }
0x44: {  	_ =	shalt  }
0x45: {  	_ =	shalt  }
0x46: {  	_ =	shalt  }
0x47: {  	_ =	shalt  }
0x48: {  	_ =	shalt  }
0x49: {  	_ =	shalt  }
0x4a: {  	_ =	shalt  }
0x4b: {  	_ =	shalt  }
0x4c: {  	_ =	shalt  }
0x4d: {  	_ =	shalt  }
0x4e: {  	_ =	shalt  }
0x4f: {  	_ =	shalt  }
0x50: {  	_ =	shalt  }
0x51: {  	_ =	shalt  }
0x52: {  	_ =	shalt  }
0x53: {  	_ =	shalt  }
0x54: {  	_ =	shalt  }
0x55: {  	_ =	shalt  }
0x56: {  	_ =	shalt  }
0x57: {  	_ =	shalt  }
0x58: {  	_ =	shalt  }
0x59: {  	_ =	shalt  }
0x5a: {  	_ =	shalt  }
0x5b: {  	_ =	shalt  }
0x5c: {  	_ =	shalt  }
0x5d: {  	_ =	shalt  }
0x5e: {  	_ =	shalt  }
0x5f: {  	_ =	shalt  }
0x60: {  	_ =	shalt  }
0x61: {  	_ =	shalt  }
0x62: {  	_ =	shalt  }
0x63: {  	_ =	shalt  }
0x64: {  	_ =	shalt  }
0x65: {  	_ =	shalt  }
0x66: {  	_ =	shalt  }
0x67: {  	_ =	shalt  }
0x68: {  	_ =	shalt  }
0x69: {  	_ =	shalt  }
0x6a: {  	_ =	shalt  }
0x6b: {  	_ =	shalt  }
0x6c: {  	_ =	shalt  }
0x6d: {  	_ =	shalt  }
0x6e: {  	_ =	shalt  }
0x6f: {  	_ =	shalt  }
0x70: {  	_ =	shalt  }
0x71: {  	_ =	shalt  }
0x72: {  	_ =	shalt  }
0x73: {  	_ =	shalt  }
0x74: {  	_ =	shalt  }
0x75: {  	_ =	shalt  }
0x76: {  	_ =	shalt  }
0x77: {  	_ =	shalt  }
0x78: {  	_ =	shalt  }
0x79: {  	_ =	shalt  }
0x7a: {  	_ =	shalt  }
0x7b: {  	_ =	shalt  }
0x7c: {  	_ =	shalt  }
0x7d: {  	_ =	shalt  }
0x7e: {  	_ =	shalt  }
0x7f: {  	_ =	shalt  }
0x80: {  	_ =	shalt  }
0x81: {  	_ =	shalt  }
0x82: {  	_ =	shalt  }
0x83: {  	_ =	shalt  }
0x84: {  	_ =	shalt  }
0x85: {  	_ =	shalt  }
0x86: {  	_ =	shalt  }
0x87: {  	_ =	shalt  }
.Lfunc_end0:
.L_simem_size_0:
called_computation_lowered:
.L_overlay_start_0:
0x88: {  	s2 =	sld [smem:$0x3FD9]  }
0x89: {  	s3 =	sld [smem:$0x3FFE];
	_ =	sdelay $0x1  }
0x8a: {  	s1 =	srdreg.scid  }
0x8b: {  	s0 =	sand.u32 $0x1, s1  }
0x8c: {  	s16 =	sshll.u32 s0, $0xA;
	s2 =	sadd.s32 s3, s2  }
0x8d: {  	s2 =	sadd.s32 s2, s16  }
0x8e: {  	[smem:$0x3FBF] =	sst s2  }
0x8f: {  	_ = 	snop  }
0x90: {  	(tm) =	ssettm $0x1  }
0x91: {  	s17 =	sld [smem:$0x3FFB];
	_ =	sdelay $0x3  }
0x92: {  	_ =	strace s17  }
0x93: {  	s2 =	sld [smem:$0x3FFC];
	_ =	sdelay $0x3  }
0x94: {  	_ =	strace s2  }
0x95: {  	s2 =	sld [smem:$0x3FFD];
	_ =	sdelay $0x3  }
0x96: {  	_ =	strace s2  }
0x97: {  	_ =	strace $0x8FFFFFFF  }
0x98: {  	s18 =	sld [smem:$0x3FDB];
	_ =	sdelay $0x1  }
0x99: {  	s19 =	simm.s32 $_scs_section_size  }
0x9a: {  	s4 =	simm.s32 $_size__tile_overlayer_lowered;
	s5 =	simm.s32 $_tile_overlayer_lowered  }
0x9b: {  	s22 =	simm.s32 $0x1BFF;
	s21 =	sshll.u32 s5, $0x1;
	s2 =	sadd.s32 s19, s18  }
0x9c: {  	s6 =	simm.s32 $0x0;
	s20 =	sshll.u32 s4, $0x1;
	s4 =	sadd.s32 s21, s2  }
0x9d: {  	[timem:s6], [sflag:s22] =	dma.local [hbm:s4], s20  }
0x9e: {  	_ =	swait.ge [sflag:s22], s20  }
0x9f: {  	s3 =	ssub.s32 $0x0, s20;
	[sflag:s22] =	ssyncset.done $0x0  }
0xa0: {  	[sflag:s22] =	ssyncadd.s32 s3;
	_ =	sdelay $0x1  }
0xa1: {  	s23 =	simm.s32 $0x1B8B  }
0xa2: {  	_ =	swait.ge [sflag:s23], $0x1  }
0xa3: {  	[sflag:s23] =	ssyncset.done $0x0  }
0xa4: {  	s25 =	simm.s32 $0x1B8E;
	s24 =	sld [smem:$0x3FFE];
	[sflag:s23] =	ssyncadd.s32 $0xFFFFFFFF  }
0xa5: {  	s26 =	simm.s32 $execute0_lowered;
	[smem:$0x3FD2] =	sst s25  }
0xa6: {  	s4 =	sshll.u32 s26, $0x1;
	_ =	strace $0x80000046;
	[dreg:$0x1] =	wrdreg $0xFFFFFFFF  }
0xa7: {  	s28 =	simm.s32 $_size_execute0_lowered;
	s2 =	sadd.s32 s2, s4;
	[dreg:$0x0] =	wrdreg $0x0  }
0xa8: {  	s4 =	sshll.u32 s28, $0x1;
	[dreg:$0x2] =	wrdreg s2  }
0xa9: {  	[dreg:$0x3] =	wrdreg s4  }
0xaa: {  	[dreg:$0x4] =	wrdreg $0xC0  }
0xab: {  	_ =	task [dreg:s6], $0x5FFFF  }
0xac: {  	[dreg:$0x1] =	wrdreg $0xFFFFFFFF  }
0xad: {  	[dreg:$0x0] =	wrdreg $0x60  }
0xae: {  	[dreg:$0x2] =	wrdreg s24  }
0xaf: {  	[dreg:$0x3] =	wrdreg $0x69780  }
0xb0: {  	[dreg:$0x4] =	wrdreg $0x9  }
0xb1: {  	_ =	task.clear_ibuf [dreg:s6], $0x5FFFF;
	_ =	strace $0x90000046  }
0xb2: {  	s29 =	simm.s32 $0x9;
	_ =	strace $0x80000048  }
0xb3: {  	_ =	swait.ge [sflag:s29], $0x1  }
0xb4: {  	[sflag:s29] =	ssyncadd.s32 $0xFFFFFFFF  }
0xb5: {  	_ =	strace $0x90000048  }
0xb6: {  	_ =	sfence  }
0xb7: {  	s30 =	sld [smem:$0x0];
	_ =	sdelay $0x2  }
0xb8: {  	s31 =	sshll.u32 s1, $0xD;
	s1 =	sshrl.u32 s1, $0x2  }
0xb9: {  	s3 =	sand.u32 $0x4000, s31;
	s1 =	sadd.s32 s1, s30  }
0xba: {  	s0 =	sor.u32 s3, s0;
	s1 =	sshll.u32 s1, $0x11  }
0xbb: {  	s0 =	sor.u32 s1, s0  }
0xbc: {  	s0 =	sadd.s32 $0x8F2B, s0  }
0xbd: {  	[sflag:s0] =	ssyncadd.remote.s32 $0x1  }
0xbe: {  	_ =	sfence.sel $0xFFFF  }
0xbf: {  	[dreg:$0x0] =	wrdreg $0xFFFFFFFF;
	(pc) =	sbr.abs _section_cstart, $3  }
0xc0: {  	[dreg:$0x1] =	wrdreg $0xFFFFFFFF  }
0xc1: {  	_ =	task.clear_ibuf [dreg:s6], $0x2FFFF;
	_ =	strace $0x9FFFFFFF  }
0xc2: {  	(tm) =	ssettm $0x7FFFFFFF  }
0xc3: {  	_ =	shalt  }
tec
execute0_lowered:
.L_overlay_start_1:
0x0: {  	(tag) =	ssettag $0x1  }
0x1: {  	s5 =	rddreg [dreg:$0x0]  }
0x2: {  	s2 =	rddreg [dreg:$0x1]  }
0x3: {  	s0 =	srdreg.scid;
	s1 =	rddreg [dreg:$0x2];
	s3 =	simm.s32 $0x0  }
0x4: {  	s12 =	simm.s32 $0x4268;
	s13 =	simm.s32 $0x1;
	s6 =	sand.u32 $0x1, s0  }
0x5: {  	s14 =	simm.s32 $0x3E8;
	s0 =	stileid.u32;
	s4 =	smul.u32 $0x61A80, s6  }
0x6: {  	s17 =	simm.s32 $0x0;
	[smem:$0x7FF] =	sst s3;
	s7 =	smul.u32 $0x61A8, s0  }
0x7: {  	p0 =	seq.s32 s6, $0x1;
	s10 =	smul.u32 $0x30D40, s0;
	s6 =	ssub.s32 $0x2, s6  }
0x8: {  	_ =	strace $0x80000047;
	s15 =	sshll.u32 s0, $0x6;
	s30 =	sshrl.u32 s6, $0x1  }
0x9: {  	s15 =	sor.u32 $0x1C01, s15;
	s4 =	sadd.s32 s7, s4;
	s7 =	smul.u32 $0xC350, s0  }
0xa: {  	s28 =	sshrl.u32 s10, $0x2;
	s31 =	ssub.s32 s6, s30;
	s8 =	sshrl.u32 s4, $0x3  }
0xb: {  	s9 =	sadd.s32 $0xC3500, s7;
	s11 =	sadd.s32 s8, s5;
	s8 =	sadd.s32 s28, s2  }
0xc: {  	s4 =	sadd.s32 s7, s2;
	s7 =	smov.u32 @p0 s9;
	s6 =	sadd.s32 $0x4E20, s8  }
0xd: {  	s9 =	smax.u32 s31, $0x1;
	s11 =	sadd.s32 $0x1EA00, s11;
	s7 =	sshrl.u32 s7, $0x3  }
0xe: {  	s16 =	sshrl.u32 s4, $0x3;
	s29 =	sadd.s32 s7, s5;
	s5 =	sadd.s32 $0x2710, s8  }
0xf: {  	v0 =	vimm.f32 $0.0e+00;
	v1 =	vimm.f32 $1.000000000e+00;
	s7 =	sadd.s32 $0x7530, s8;
	s8 =	sadd.s32 $0x9C40, s8;
	s10 =	sadd.s32 $0x37200, s29  }
.LBB2_1:
0x10: {  	s18 =	simm.s32 $0x0  }
.LBB2_2:
0x11: {  	p0 =	sne.s32 s18, $0x9C00  }
.Ltmp0:
0x12: {  	_ = 	snop;
	(pc) =	sbr.rel @p0 .LBB2_2-.Ltmp0, $3  }
0x13: {  	_ =	sdelay $0x1  }
0x14: {  	s19 =	sshra.s32 s18, $0x2  }
0x15: {  	s18 =	sadd.s32 $0x40, s18;
	[tilespmem:s19+$0x4268] =	vst v0  }
0x16: {  	s18 =	simm.s32 $0x40;
	s19 =	simm.s32 $0x0  }
.LBB2_4:
0x17: {  	p0 =	sne.s32 s18, $0xF9C0;
	[tilespmem:s19+$0x3E8] =	vst v1;
	s19 =	smov.u32 s18;
	s18 =	sadd.s32 $0x40, s18  }
.Ltmp1:
0x18: {  	(pc) =	sbr.rel @p0 .LBB2_4-.Ltmp1, $2  }
0x19: {  	_ =	sdelay $0x2  }
0x1a: {  	s19 =	sshra.s32 s19, $0x2  }
0x1b: {  	[tilespmem:s19+$0x3E8] =	vst v1  }
0x1c: {  	[spmem:s4] =	stream.linear.scatter [tilespmem:s12], [sflag:$0x1], $0x2710, $0x38;
	[tilespmem:$0x12CC8] =	vst v63  }
0x1d: {  	_ =	swait.ge [sflag:s13], $0x2710  }
0x1e: {  	[sflag:s13] =	ssyncset.done $0x0  }
0x1f: {  	[sflag:s13] =	ssyncadd.s32 $0xFFFFD8F0  }
0x20: {  	[spmem:s5] =	stream.linear.scatter [tilespmem:s12], [sflag:$0x1], $0x2710, $0x38;
	[tilespmem:$0x12CC8] =	vst v63  }
0x21: {  	_ =	swait.ge [sflag:s13], $0x2710  }
0x22: {  	[sflag:s13] =	ssyncset.done $0x0  }
0x23: {  	[sflag:s13] =	ssyncadd.s32 $0xFFFFD8F0  }
0x24: {  	[spmem:s6] =	stream.linear.scatter [tilespmem:s12], [sflag:$0x1], $0x2710, $0x38;
	[tilespmem:$0x12CC8] =	vst v63  }
0x25: {  	_ =	swait.ge [sflag:s13], $0x2710  }
0x26: {  	[sflag:s13] =	ssyncset.done $0x0  }
0x27: {  	[sflag:s13] =	ssyncadd.s32 $0xFFFFD8F0  }
0x28: {  	[spmem:s7] =	stream.linear.scatter [tilespmem:s12], [sflag:$0x1], $0x2710, $0x38;
	[tilespmem:$0x12CC8] =	vst v63  }
0x29: {  	_ =	swait.ge [sflag:s13], $0x2710  }
0x2a: {  	[sflag:s13] =	ssyncset.done $0x0  }
0x2b: {  	[sflag:s13] =	ssyncadd.s32 $0xFFFFD8F0  }
0x2c: {  	[spmem:s8] =	stream.linear.scatter [tilespmem:s12], [sflag:$0x1], $0x2710, $0x38;
	[tilespmem:$0x12CC8] =	vst v63  }
0x2d: {  	_ =	swait.ge [sflag:s13], $0x2710  }
0x2e: {  	[sflag:s13] =	ssyncset.done $0x0  }
0x2f: {  	[sflag:s13] =	ssyncadd.s32 $0xFFFFD8F0  }
0x30: {  	s18 =	sadd.s32 $0x0, s11;
	[bflag:$0x0] =	sbarrier.arrive $0xFFFF  }
0x31: {  	[tilespmem:s3], [sflag:$0x1] =	stream.linear.gather [hbm4b:s18+s3], $0x3E8, $0x38;
	[tilespmem:$0x12CC8] =	vst v63  }
0x32: {  	_ =	swait.ge [sflag:s13], $0x3E8  }
0x33: {  	[sflag:s13] =	ssyncset.done $0x0  }
0x34: {  	[sflag:s13] =	ssyncadd.s32 $0xFFFFFC18  }
0x35: {  	[spmem:s2] =	stream.indirect.scatter.add.f32 [tilespmem:s14], [sflag:$0x1], $0x10, s3, s14, $0xb8;
	[tilespmem:$0x12CC8] =	vst v63  }
0x36: {  	_ =	swait.ge [sflag:s13], $0x3E80  }
0x37: {  	s19 =	simm.s32 $0xFA;
	s18 =	simm.s32 $0x7D;
	[sflag:s13] =	ssyncset.done $0x0  }
.LBB2_6:
0x38: {  	s20 =	sadd.s32 s18, s11  }
0x39: {  	[sflag:s13] =	ssyncadd.s32 $0xFFFFC180;
	s18 =	smov.u32 s19;
	s21 =	sadd.s32 $0x7D, s19  }
0x3a: {  	[tilespmem:s3], [sflag:$0x1] =	stream.linear.gather [hbm4b:s20+s3], $0x3E8, $0x38;
	[tilespmem:$0x12CC8] =	vst v63  }
0x3b: {  	p0 =	sne.s32 s19, $0xBB8;
	_ =	swait.ge [sflag:s13], $0x3E8  }
.Ltmp2:
0x3c: {  	[sflag:s13] =	ssyncset.done $0x0;
	(pc) =	sbr.rel @p0 .LBB2_6-.Ltmp2, $4  }
0x3d: {  	[sflag:s13] =	ssyncadd.s32 $0xFFFFFC18  }
0x3e: {  	[spmem:s2] =	stream.indirect.scatter.add.f32 [tilespmem:s14], [sflag:$0x1], $0x10, s3, s14, $0xb8;
	[tilespmem:$0x12CC8] =	vst v63  }
0x3f: {  	_ =	swait.ge [sflag:s13], $0x3E80  }
0x40: {  	s19 =	smov.u32 s21;
	[sflag:s13] =	ssyncset.done $0x0  }
0x41: {  	s18 =	sadd.s32 s18, s11;
	[sflag:s13] =	ssyncadd.s32 $0xFFFFC180  }
0x42: {  	[tilespmem:s3], [sflag:$0x1] =	stream.linear.gather [hbm4b:s18+s3], $0x3E8, $0x38;
	[tilespmem:$0x12CC8] =	vst v63  }
0x43: {  	_ =	swait.ge [sflag:s13], $0x3E8  }
0x44: {  	[sflag:s13] =	ssyncset.done $0x0  }
0x45: {  	[sflag:s13] =	ssyncadd.s32 $0xFFFFFC18  }
0x46: {  	[spmem:s2] =	stream.indirect.scatter.add.f32 [tilespmem:s14], [sflag:$0x1], $0x10, s3, s14, $0xb8;
	[tilespmem:$0x12CC8] =	vst v63  }
0x47: {  	_ =	swait.ge [sflag:s13], $0x3E80  }
0x48: {  	s17 =	sadd.s32 $0x1, s17;
	[sflag:s13] =	ssyncset.done $0x0  }
0x49: {  	p0 =	sne.s32 s17, s9;
	[sflag:s13] =	ssyncadd.s32 $0xFFFFC180  }
.Ltmp3:
0x4a: {  	[bflag:$0x0] =	sbarrier.arrive $0xFFFF;
	(pc) =	sbr.rel @p0 .LBB2_1-.Ltmp3, $4  }
0x4b: {  	[hbm:s10], [sflag:s15] =	dma.local [spmem:s16], $0x186A  }
0x4c: {  	_ =	swait.ge [sflag:s13], $0x186A  }
0x4d: {  	[sflag:s13] =	ssyncset.done $0x0  }
0x4e: {  	[sflag:s13] =	ssyncadd.s32 $0xFFFFE796  }
0x4f: {  	_ =	sfence.sel $0x180000  }
0x50: {  	[bflag:$0x0] =	sbarrier.arrive $0xFFFF  }
0x51: {  	p0 =	sne.s32 s0, $0x0;
	_ =	strace $0x90000047  }
0x52: {  	s0 =	sadd.s32 @!p0 $0x100000, s1;
	[bflag:$0x2] =	sbarrier.arrive $0xFFFF  }
0x53: {  	[sflag:s0] =	ssyncadd.tile.s32 @!p0 $0x1;
	_ =	shalt  }
.Lfunc_end2:
_tile_overlayer_lowered:
.L_overlay_start_2:
0x54: {  	(tag) =	ssettag $0x2  }
0x55: {  	s0 =	rddreg [dreg:$0x0];
	s2 =	stileid.u32  }
0x56: {  	s1 =	rddreg [dreg:$0x1];
	p0 =	sne.s32 s2, $0x0  }
0x57: {  	s3 =	rddreg [dreg:$0x2];
	[bflag:$0x3] =	sbarrier.arrive $0xFFFF;
	s2 =	simm.s32 @!p0 $0x1C01  }
0x58: {  	[timem:s3], [sflag:s2] =	dma.local @!p0 [hbm:s0], s1  }
0x59: {  	s0 =	simm.s32 @!p0 $0x1  }
0x5a: {  	_ =	swait.ge @!p0 [sflag:s0], s1  }
0x5b: {  	s1 =	ssub.s32 @!p0 $0x0, s1;
	[sflag:s0] =	ssyncset.done @!p0 $0x0  }
0x5c: {  	[sflag:s0] =	ssyncadd.s32 @!p0 s1  }
0x5d: {  	[bflag:$0x3] =	sbarrier.arrive $0xFFFF  }
0x5e: {  	_ =	shalt  }

// kernel: kernel.15.cloned.1.call-start
scs
__scs_entry_jumppad:
0x0: {  	(pc) =	sbr.rel $0x88, $3  }
0x1: {  	(tag) =	ssettag $0x0;
	lr =	simm.s32 $0x1  }
0x2: {  	[smem:$0x3F98] =	sst lr;
	_ =	strace $0xD0000000  }
0x3: {  	_ = 	snop  }
0x4: {  	_ = 	snop  }
0x5: {  	_ = 	snop  }
0x6: {  	_ = 	snop  }
0x7: {  	_ = 	snop  }
__scs_overlays_trampoline_lowered:
0x8: {  	[smem:$0x3FA7] =	sst s0  }
0x9: {  	[smem:$0x3FA8] =	sst s1  }
0xa: {  	[smem:$0x3FA9] =	sst s2  }
0xb: {  	[smem:$0x3FAA] =	sst s3  }
0xc: {  	[smem:$0x3FAB] =	sst s4  }
0xd: {  	[smem:$0x3FAC] =	sst s5  }
0xe: {  	[smem:$0x3FAD] =	sst s6  }
0xf: {  	[smem:$0x3FAE] =	sst s7  }
0x10: {  	[smem:$0x3FAF] =	sst s8  }
0x11: {  	[smem:$0x3FB0] =	sst s9;
	s0 =	simm.s32 @!p0 $0x0  }
0x12: {  	s1 =	sld [smem:$0x3F96];
	s0 =	simm.s32 @p0 $0x1  }
0x13: {  	[smem:$0x3FB1] =	sst s0;
	s0 =	simm.s32 @!p1 $0x0  }
0x14: {  	s2 =	sld [smem:$0x3F95];
	s0 =	simm.s32 @p1 $0x1  }
0x15: {  	[smem:$0x3FB2] =	sst s0;
	s0 =	simm.s32 @!p2 $0x0  }
0x16: {  	s3 =	sld [smem:$0x3FDB];
	s0 =	simm.s32 @p2 $0x1  }
0x17: {  	s4 =	simm.s32 $0x1BF5;
	[smem:$0x3FB4] =	sst s0  }
0x18: {  	s0 =	sld [smem:$0x3F97];
	_ =	swait.ge [sflag:s4], $0x0  }
0x19: {  	s7 =	sld [smem:$0x3F98]  }
0x1a: {  	s8 =	sadd.s32 $0xFFFFE003, lr  }
0x1b: {  	s9 =	sadd.s32 $0xFFFFFEF7, lr;
	s5 =	simm.s32 $0xFFFFFFFF;
	p2 =	slt.u32 s8, $0xFFFFF086  }
0x1c: {  	p1 =	slt.u32 s9, $0xF7A;
	s5 =	simm.s32 @!p2 $0x0  }
0x1d: {  	s5 =	simm.s32 @p1 $0x1;
	p0 =	seq.s32 s7, s2  }
0x1e: {  	s7 =	smul.u32 @!p0 $0xF7A, s2;
	p2 =	seq.s32 @!p0 s5, $0x0  }
0x1f: {  	s9 =	smul.u32 $0xF7A, s1;
	s8 =	simm.s32 @!p0 $0x1BF5;
	p2 =	por !p2, p0  }
0x20: {  	[sflag:s8] =	ssyncset.s32 @!p0 $0xFFFFF086;
	s6 =	sadd.s32 @!p0 s3, s7;
	s7 =	simm.s32 @!p0 $0x108  }
0x21: {  	s3 =	sadd.s32 s3, s9;
	s6 =	sadd.s32 @!p0 $0x88, s6;
	s7 =	simm.s32 @p2 $0x1082  }
0x22: {  	[simem:s7], [sflag:s8] =	dma.local @!p0 [hbm:s6], $0xF7A  }
0x23: {  	s9 =	sor.u32 $0xD0000000, s2;
	s6 =	simm.s32 $0x108;
	_ =	swait.ge @!p0 [sflag:s8], $0x0  }
0x24: {  	s3 =	sadd.s32 $0x88, s3;
	s6 =	simm.s32 @!p1 $0x1082;
	[sflag:s4] =	ssyncset.s32 $0xFFFFF086  }
0x25: {  	[simem:s6], [sflag:s4] =	dma.local [hbm:s3], $0xF7A  }
0x26: {  	[smem:$0x3F98] =	sst s1;
	(tag) =	ssettag s2;
	_ =	strace s9  }
0x27: {  	s1 =	sld [smem:$0x3FA8]  }
0x28: {  	s2 =	sld [smem:$0x3FA9]  }
0x29: {  	s4 =	sld [smem:$0x3FAB]  }
0x2a: {  	p0 =	seq.s32 s5, $0x0;
	s5 =	sld [smem:$0x3FAC]  }
0x2b: {  	s6 =	sld [smem:$0x3FAD]  }
0x2c: {  	s7 =	sld [smem:$0x3FAE]  }
0x2d: {  	s3 =	simm.s32 $0x108;
	s8 =	sld [smem:$0x3FAF]  }
0x2e: {  	s3 =	simm.s32 @!p0 $0x1082;
	s9 =	sld [smem:$0x3FB0]  }
0x2f: {  	lr =	sadd.s32 s0, s3;
	s0 =	sld [smem:$0x3FA7]  }
0x30: {  	s3 =	sld [smem:$0x3FAA]  }
0x31: {  	[smem:$0x3FB3] =	sst s10  }
0x32: {  	s10 =	sld [smem:$0x3FB1];
	_ =	sdelay $0x3  }
0x33: {  	p0 =	seq.s32 s10, $0x1;
	s10 =	sld [smem:$0x3FB3];
	_ =	sdelay $0x3  }
0x34: {  	[smem:$0x3FB3] =	sst s10  }
0x35: {  	s10 =	sld [smem:$0x3FB2];
	_ =	sdelay $0x3  }
0x36: {  	p1 =	seq.s32 s10, $0x1;
	s10 =	sld [smem:$0x3FB3];
	_ =	sdelay $0x3  }
0x37: {  	[smem:$0x3FB3] =	sst s10  }
0x38: {  	s10 =	sld [smem:$0x3FB4]  }
0x39: {  	_ = 	snop;
	(pc) =	sbr.ind lr, $3  }
0x3a: {  	_ = 	snop  }
0x3b: {  	_ = 	snop  }
0x3c: {  	p2 =	seq.s32 s10, $0x1;
	s10 =	sld [smem:$0x3FB3]  }
0x3d: {  	_ =	shalt  }
0x3e: {  	_ =	shalt  }
0x3f: {  	_ =	shalt  }
0x40: {  	_ =	shalt  }
0x41: {  	_ =	shalt  }
0x42: {  	_ =	shalt  }
0x43: {  	_ =	shalt  }
0x44: {  	_ =	shalt  }
0x45: {  	_ =	shalt  }
0x46: {  	_ =	shalt  }
0x47: {  	_ =	shalt  }
0x48: {  	_ =	shalt  }
0x49: {  	_ =	shalt  }
0x4a: {  	_ =	shalt  }
0x4b: {  	_ =	shalt  }
0x4c: {  	_ =	shalt  }
0x4d: {  	_ =	shalt  }
0x4e: {  	_ =	shalt  }
0x4f: {  	_ =	shalt  }
0x50: {  	_ =	shalt  }
0x51: {  	_ =	shalt  }
0x52: {  	_ =	shalt  }
0x53: {  	_ =	shalt  }
0x54: {  	_ =	shalt  }
0x55: {  	_ =	shalt  }
0x56: {  	_ =	shalt  }
0x57: {  	_ =	shalt  }
0x58: {  	_ =	shalt  }
0x59: {  	_ =	shalt  }
0x5a: {  	_ =	shalt  }
0x5b: {  	_ =	shalt  }
0x5c: {  	_ =	shalt  }
0x5d: {  	_ =	shalt  }
0x5e: {  	_ =	shalt  }
0x5f: {  	_ =	shalt  }
0x60: {  	_ =	shalt  }
0x61: {  	_ =	shalt  }
0x62: {  	_ =	shalt  }
0x63: {  	_ =	shalt  }
0x64: {  	_ =	shalt  }
0x65: {  	_ =	shalt  }
0x66: {  	_ =	shalt  }
0x67: {  	_ =	shalt  }
0x68: {  	_ =	shalt  }
0x69: {  	_ =	shalt  }
0x6a: {  	_ =	shalt  }
0x6b: {  	_ =	shalt  }
0x6c: {  	_ =	shalt  }
0x6d: {  	_ =	shalt  }
0x6e: {  	_ =	shalt  }
0x6f: {  	_ =	shalt  }
0x70: {  	_ =	shalt  }
0x71: {  	_ =	shalt  }
0x72: {  	_ =	shalt  }
0x73: {  	_ =	shalt  }
0x74: {  	_ =	shalt  }
0x75: {  	_ =	shalt  }
0x76: {  	_ =	shalt  }
0x77: {  	_ =	shalt  }
0x78: {  	_ =	shalt  }
0x79: {  	_ =	shalt  }
0x7a: {  	_ =	shalt  }
0x7b: {  	_ =	shalt  }
0x7c: {  	_ =	shalt  }
0x7d: {  	_ =	shalt  }
0x7e: {  	_ =	shalt  }
0x7f: {  	_ =	shalt  }
0x80: {  	_ =	shalt  }
0x81: {  	_ =	shalt  }
0x82: {  	_ =	shalt  }
0x83: {  	_ =	shalt  }
0x84: {  	_ =	shalt  }
0x85: {  	_ =	shalt  }
0x86: {  	_ =	shalt  }
0x87: {  	_ =	shalt  }
.Lfunc_end0:
.L_simem_size_0:
called_computation.1_lowered:
.L_overlay_start_0:
0x88: {  	s2 =	sld [smem:$0x3FD9]  }
0x89: {  	s3 =	sld [smem:$0x3FFE];
	_ =	sdelay $0x1  }
0x8a: {  	s1 =	srdreg.scid  }
0x8b: {  	s0 =	sand.u32 $0x1, s1  }
0x8c: {  	s17 =	sshll.u32 s0, $0xA;
	s2 =	sadd.s32 s3, s2  }
0x8d: {  	s2 =	sadd.s32 s2, s17  }
0x8e: {  	[smem:$0x3FBF] =	sst s2  }
0x8f: {  	_ = 	snop  }
0x90: {  	(tm) =	ssettm $0x1  }
0x91: {  	s18 =	sld [smem:$0x3FFB];
	_ =	sdelay $0x3  }
0x92: {  	_ =	strace s18  }
0x93: {  	s2 =	sld [smem:$0x3FFC];
	_ =	sdelay $0x3  }
0x94: {  	_ =	strace s2  }
0x95: {  	s2 =	sld [smem:$0x3FFD];
	_ =	sdelay $0x3  }
0x96: {  	_ =	strace s2  }
0x97: {  	_ =	strace $0x8FFFFFFF  }
0x98: {  	s19 =	sld [smem:$0x3FDB];
	_ =	sdelay $0x1  }
0x99: {  	s20 =	simm.s32 $_scs_section_size  }
0x9a: {  	s4 =	simm.s32 $_size__tile_overlayer_lowered;
	s5 =	simm.s32 $_tile_overlayer_lowered  }
0x9b: {  	s6 =	simm.s32 $0x1BFF;
	s21 =	sshll.u32 s5, $0x1;
	s3 =	sadd.s32 s20, s19  }
0x9c: {  	s22 =	simm.s32 $0x0;
	s4 =	sshll.u32 s4, $0x1;
	s5 =	sadd.s32 s21, s3  }
0x9d: {  	[timem:s22], [sflag:s6] =	dma.local [hbm:s5], s4  }
0x9e: {  	_ =	swait.ge [sflag:s6], s4  }
0x9f: {  	s4 =	ssub.s32 $0x0, s4;
	[sflag:s6] =	ssyncset.done $0x0  }
0xa0: {  	[sflag:s6] =	ssyncadd.s32 s4;
	_ =	sdelay $0x1  }
0xa1: {  	s23 =	simm.s32 $0x1B8B  }
0xa2: {  	_ =	swait.ge [sflag:s23], $0x1  }
0xa3: {  	[sflag:s23] =	ssyncset.done $0x0  }
0xa4: {  	[sflag:s23] =	ssyncadd.s32 $0xFFFFFFFF  }
0xa5: {  	s4 =	sld [smem:$0x0]  }
0xa6: {  	s5 =	sand.u32 $0xFFFFFFFE, s1  }
0xa7: {  	p0 =	sne.s32 s1, s5  }
0xa8: {  	s5 =	sshll.u32 @p0 s5, $0xE  }
0xa9: {  	s5 =	sadd.s32 @p0 $0x11B8D, s5;
	s6 =	sshll.u32 @p0 s4, $0x11  }
0xaa: {  	s5 =	sor.u32 @p0 s6, s5  }
0xab: {  	[sflag:s5] =	ssyncadd.remote.s32 @p0 $0x1;
	_ =	sdelay $0x1  }
0xac: {  	s5 =	simm.s32 @p0 $0x1B8D  }
0xad: {  	_ =	swait.eq @p0 [sflag:s5], $0x1  }
0xae: {  	[sflag:s5] =	ssyncadd.s32 @p0 $0xFFFFFFFF  }
0xaf: {  	s6 =	sshll.u32 @!p0 s1, $0xE  }
0xb0: {  	s6 =	sor.u32 @!p0 $0x4000, s6;
	s5 =	simm.s32 @!p0 $0x1B8D  }
0xb1: {  	s4 =	sshll.u32 @!p0 s4, $0x11;
	s6 =	sadd.s32 @!p0 $0x11B8D, s6;
	_ =	swait.eq @!p0 [sflag:s5], $0x1  }
0xb2: {  	s4 =	sor.u32 @!p0 s4, s6;
	[sflag:s5] =	ssyncadd.s32 @!p0 $0xFFFFFFFF  }
0xb3: {  	s25 =	simm.s32 $0x1B8E;
	s24 =	sld [smem:$0x3FFE];
	[sflag:s4] =	ssyncadd.remote.s32 @!p0 $0x1  }
0xb4: {  	s26 =	simm.s32 $execute0_lowered;
	[smem:$0x3FD2] =	sst s25  }
0xb5: {  	s5 =	sshll.u32 s26, $0x1;
	_ =	strace $0x8000004C;
	[dreg:$0x1] =	wrdreg $0xFFFFFFFF  }
0xb6: {  	s28 =	simm.s32 $_size_execute0_lowered;
	s3 =	sadd.s32 s3, s5;
	[dreg:$0x0] =	wrdreg $0x0  }
0xb7: {  	s5 =	sshll.u32 s28, $0x1;
	[dreg:$0x2] =	wrdreg s3  }
0xb8: {  	[dreg:$0x3] =	wrdreg s5  }
0xb9: {  	[dreg:$0x4] =	wrdreg $0xC0  }
0xba: {  	_ =	task [dreg:s22], $0x5FFFF  }
0xbb: {  	[dreg:$0x1] =	wrdreg $0xFFFFFFFF  }
0xbc: {  	[dreg:$0x0] =	wrdreg $0x60  }
0xbd: {  	[dreg:$0x2] =	wrdreg s24  }
0xbe: {  	[dreg:$0x3] =	wrdreg $0x6D600  }
0xbf: {  	[dreg:$0x4] =	wrdreg $0x9  }
0xc0: {  	_ =	task.clear_ibuf [dreg:s22], $0x5FFFF;
	_ =	strace $0x9000004C  }
0xc1: {  	s29 =	simm.s32 $0x9;
	_ =	strace $0x8000004E  }
0xc2: {  	_ =	swait.ge [sflag:s29], $0x1  }
0xc3: {  	[sflag:s29] =	ssyncadd.s32 $0xFFFFFFFF  }
0xc4: {  	_ =	strace $0x9000004E  }
0xc5: {  	_ =	sfence  }
0xc6: {  	s30 =	sld [smem:$0x0];
	_ =	sdelay $0x2  }
0xc7: {  	s31 =	sshll.u32 s1, $0xD;
	s1 =	sshrl.u32 s1, $0x2  }
0xc8: {  	s4 =	sand.u32 $0x4000, s31;
	s1 =	sadd.s32 s1, s30  }
0xc9: {  	s0 =	sor.u32 s4, s0;
	s1 =	sshll.u32 s1, $0x11  }
0xca: {  	s0 =	sor.u32 s1, s0  }
0xcb: {  	s0 =	sadd.s32 $0x8F2B, s0  }
0xcc: {  	[sflag:s0] =	ssyncadd.remote.s32 $0x1  }
0xcd: {  	_ =	sfence.sel $0xFFFF  }
0xce: {  	[dreg:$0x0] =	wrdreg $0xFFFFFFFF;
	(pc) =	sbr.abs _section_cstart, $3  }
0xcf: {  	[dreg:$0x1] =	wrdreg $0xFFFFFFFF  }
0xd0: {  	_ =	task.clear_ibuf [dreg:s22], $0x2FFFF;
	_ =	strace $0x9FFFFFFF  }
0xd1: {  	(tm) =	ssettm $0x7FFFFFFF  }
tec
execute0_lowered:
.L_overlay_start_1:
0x0: {  	(tag) =	ssettag $0x1  }
0x1: {  	s6 =	rddreg [dreg:$0x0]  }
0x2: {  	s1 =	rddreg [dreg:$0x1]  }
0x3: {  	s0 =	rddreg [dreg:$0x2];
	s3 =	simm.s32 $0x0;
	s2 =	stileid.u32  }
0x4: {  	s5 =	srdreg.scid;
	s15 =	simm.s32 $0x2;
	s16 =	simm.s32 $0x3E8  }
0x5: {  	s17 =	simm.s32 $0x7D0;
	s18 =	simm.s32 $0x1;
	s21 =	simm.s32 $0x0  }
0x6: {  	[smem:$0x7FF] =	sst s3;
	s4 =	sadd.s32 $0xB1800, s6;
	s7 =	smul.u32 $0xC350, s2  }
0x7: {  	s8 =	sand.u32 $0x1, s5;
	s11 =	sadd.s32 $0x99000, s6;
	s9 =	smul.u32 $0x186A, s2  }
0x8: {  	s12 =	smul.u32 $0x30D40, s2;
	s19 =	sshll.u32 s2, $0x6;
	_ =	strace $0x8000004D  }
0x9: {  	p0 =	seq.s32 s8, $0x1;
	s8 =	ssub.s32 $0x2, s8;
	s19 =	sor.u32 $0x1C02, s19  }
0xa: {  	s10 =	sadd.s32 $0xC3500, s7;
	s5 =	sadd.s32 s7, s1;
	s13 =	sadd.s32 s9, s6  }
0xb: {  	s28 =	sshrl.u32 s8, $0x1;
	s29 =	sshrl.u32 s12, $0x2;
	s4 =	smov.u32 @p0 s11  }
0xc: {  	s7 =	smov.u32 @p0 s10;
	s14 =	ssub.s32 s8, s28;
	s31 =	sadd.s32 s29, s1  }
0xd: {  	s12 =	sadd.s32 $0x1EA00, s13;
	s13 =	sadd.s32 $0x6200, s13;
	s20 =	sshrl.u32 s5, $0x3  }
0xe: {  	s7 =	sshrl.u32 s7, $0x3;
	s8 =	sadd.s32 $0x7530, s31;
	s9 =	sadd.s32 $0x9C40, s31  }
0xf: {  	s10 =	smax.u32 s14, $0x1;
	s14 =	simm.s32 $0x4650;
	s30 =	sadd.s32 s7, s6  }
0x10: {  	v0 =	vimm.f32 $0.0e+00;
	s6 =	sadd.s32 $0x2710, s31;
	s7 =	sadd.s32 $0x4E20, s31;
	s11 =	sadd.s32 $0xCA000, s30  }
.LBB2_1:
0x11: {  	s22 =	simm.s32 $0x40;
	s23 =	simm.s32 $0x0  }
.LBB2_2:
0x12: {  	p0 =	sne.s32 s22, $0x9C00;
	[tilespmem:s23+$0x4650] =	vst v0;
	s23 =	smov.u32 s22;
	s22 =	sadd.s32 $0x40, s22  }
.Ltmp0:
0x13: {  	(pc) =	sbr.rel @p0 .LBB2_2-.Ltmp0, $2  }
0x14: {  	_ =	sdelay $0x2  }
0x15: {  	s23 =	sshra.s32 s23, $0x2  }
0x16: {  	[tilespmem:s23+$0x4650] =	vst v0  }
0x17: {  	[spmem:s5] =	stream.linear.scatter [tilespmem:s14], [sflag:$0x2], $0x2710, $0x38;
	[tilespmem:$0x130B0] =	vst v63  }
0x18: {  	_ =	swait.ge [sflag:s15], $0x2710  }
0x19: {  	[sflag:s15] =	ssyncset.done $0x0  }
0x1a: {  	[sflag:s15] =	ssyncadd.s32 $0xFFFFD8F0  }
0x1b: {  	[spmem:s6] =	stream.linear.scatter [tilespmem:s14], [sflag:$0x2], $0x2710, $0x38;
	[tilespmem:$0x130B0] =	vst v63  }
0x1c: {  	_ =	swait.ge [sflag:s15], $0x2710  }
0x1d: {  	[sflag:s15] =	ssyncset.done $0x0  }
0x1e: {  	[sflag:s15] =	ssyncadd.s32 $0xFFFFD8F0  }
0x1f: {  	[spmem:s7] =	stream.linear.scatter [tilespmem:s14], [sflag:$0x2], $0x2710, $0x38;
	[tilespmem:$0x130B0] =	vst v63  }
0x20: {  	_ =	swait.ge [sflag:s15], $0x2710  }
0x21: {  	[sflag:s15] =	ssyncset.done $0x0  }
0x22: {  	[sflag:s15] =	ssyncadd.s32 $0xFFFFD8F0  }
0x23: {  	[spmem:s8] =	stream.linear.scatter [tilespmem:s14], [sflag:$0x2], $0x2710, $0x38;
	[tilespmem:$0x130B0] =	vst v63  }
0x24: {  	_ =	swait.ge [sflag:s15], $0x2710  }
0x25: {  	[sflag:s15] =	ssyncset.done $0x0  }
0x26: {  	[sflag:s15] =	ssyncadd.s32 $0xFFFFD8F0  }
0x27: {  	[spmem:s9] =	stream.linear.scatter [tilespmem:s14], [sflag:$0x2], $0x2710, $0x38;
	[tilespmem:$0x130B0] =	vst v63  }
0x28: {  	_ =	swait.ge [sflag:s15], $0x2710  }
0x29: {  	[sflag:s15] =	ssyncset.done $0x0  }
0x2a: {  	[sflag:s15] =	ssyncadd.s32 $0xFFFFD8F0  }
0x2b: {  	s22 =	sadd.s32 $0x0, s13;
	[bflag:$0x0] =	sbarrier.arrive $0xFFFF  }
0x2c: {  	[tilespmem:s3], [sflag:$0x2] =	stream.linear.gather [hbm4b:s22+s3], $0x3E8, $0x38;
	[tilespmem:$0x130B0] =	vst v63  }
0x2d: {  	_ =	swait.ge [sflag:s15], $0x3E8  }
0x2e: {  	[sflag:s15] =	ssyncset.done $0x0  }
0x2f: {  	s31 =	sadd.s32 $0x0, s12;
	[sflag:s15] =	ssyncadd.s32 $0xFFFFFC18  }
0x30: {  	[tilespmem:s16], [sflag:$0x2] =	stream.linear.gather [hbm4b:s31+s3], $0x3E8, $0x38;
	[tilespmem:$0x130B0] =	vst v63  }
0x31: {  	_ =	swait.ge [sflag:s15], $0x3E8  }
0x32: {  	[sflag:s15] =	ssyncset.done $0x0  }
0x33: {  	[sflag:s15] =	ssyncadd.s32 $0xFFFFFC18  }
0x34: {  	[tilespmem:s17], [sflag:$0x1] =	stream.indirect.gather [hbm4b:s4+s16], $0x10, s3, s16, $0xb8;
	[tilespmem:$0x130B0] =	vst v63  }
0x35: {  	_ =	swait.ge [sflag:s18], $0x3E80  }
0x36: {  	[sflag:s18] =	ssyncset.done $0x0  }
0x37: {  	[sflag:s18] =	ssyncadd.s32 $0xFFFFC180  }
0x38: {  	[spmem:s1] =	stream.indirect.scatter.add.f32 [tilespmem:s17], [sflag:$0x2], $0x10, s16, s16, $0xb8;
	[tilespmem:$0x130B0] =	vst v63  }
0x39: {  	_ =	swait.ge [sflag:s15], $0x3E80  }
0x3a: {  	s23 =	simm.s32 $0xFA;
	s22 =	simm.s32 $0x7D;
	[sflag:s15] =	ssyncset.done $0x0  }
.LBB2_4:
0x3b: {  	s24 =	sadd.s32 s22, s13  }
0x3c: {  	[sflag:s15] =	ssyncadd.s32 $0xFFFFC180;
	s25 =	smov.u32 s23;
	s26 =	sadd.s32 $0x7D, s23  }
0x3d: {  	[tilespmem:s3], [sflag:$0x2] =	stream.linear.gather [hbm4b:s24+s3], $0x3E8, $0x38;
	[tilespmem:$0x130B0] =	vst v63  }
0x3e: {  	p0 =	sne.s32 s23, $0x17ED;
	_ =	swait.ge [sflag:s15], $0x3E8  }
0x3f: {  	[sflag:s15] =	ssyncset.done $0x0  }
0x40: {  	s23 =	sadd.s32 s22, s12;
	s22 =	smov.u32 s25;
	[sflag:s15] =	ssyncadd.s32 $0xFFFFFC18  }
0x41: {  	[tilespmem:s16], [sflag:$0x2] =	stream.linear.gather [hbm4b:s23+s3], $0x3E8, $0x38;
	[tilespmem:$0x130B0] =	vst v63  }
0x42: {  	_ =	swait.ge [sflag:s15], $0x3E8  }
0x43: {  	[sflag:s15] =	ssyncset.done $0x0  }
0x44: {  	[sflag:s15] =	ssyncadd.s32 $0xFFFFFC18  }
0x45: {  	[tilespmem:s17], [sflag:$0x1] =	stream.indirect.gather [hbm4b:s4+s16], $0x10, s3, s16, $0xb8;
	[tilespmem:$0x130B0] =	vst v63  }
0x46: {  	_ =	swait.ge [sflag:s18], $0x3E80  }
.Ltmp1:
0x47: {  	[sflag:s18] =	ssyncset.done $0x0;
	(pc) =	sbr.rel @p0 .LBB2_4-.Ltmp1, $4  }
0x48: {  	[sflag:s18] =	ssyncadd.s32 $0xFFFFC180  }
0x49: {  	[spmem:s1] =	stream.indirect.scatter.add.f32 [tilespmem:s17], [sflag:$0x2], $0x10, s16, s16, $0xb8;
	[tilespmem:$0x130B0] =	vst v63  }
0x4a: {  	_ =	swait.ge [sflag:s15], $0x3E80  }
0x4b: {  	s23 =	smov.u32 s26;
	[sflag:s15] =	ssyncset.done $0x0  }
0x4c: {  	s23 =	sadd.s32 s22, s13;
	[sflag:s15] =	ssyncadd.s32 $0xFFFFC180  }
0x4d: {  	[tilespmem:s3], [sflag:$0x2] =	stream.linear.gather [hbm4b:s23+s3], $0x3E8, $0x38;
	[tilespmem:$0x130B0] =	vst v63  }
0x4e: {  	_ =	swait.ge [sflag:s15], $0x3E8  }
0x4f: {  	[sflag:s15] =	ssyncset.done $0x0  }
0x50: {  	s31 =	sadd.s32 s22, s12;
	[sflag:s15] =	ssyncadd.s32 $0xFFFFFC18  }
0x51: {  	[tilespmem:s16], [sflag:$0x2] =	stream.linear.gather [hbm4b:s31+s3], $0x3E8, $0x38;
	[tilespmem:$0x130B0] =	vst v63  }
0x52: {  	_ =	swait.ge [sflag:s15], $0x3E8  }
0x53: {  	[sflag:s15] =	ssyncset.done $0x0  }
0x54: {  	[sflag:s15] =	ssyncadd.s32 $0xFFFFFC18  }
0x55: {  	[tilespmem:s17], [sflag:$0x1] =	stream.indirect.gather [hbm4b:s4+s16], $0x10, s3, s16, $0xb8;
	[tilespmem:$0x130B0] =	vst v63  }
0x56: {  	_ =	swait.ge [sflag:s18], $0x3E80  }
0x57: {  	[sflag:s18] =	ssyncset.done $0x0  }
0x58: {  	[sflag:s18] =	ssyncadd.s32 $0xFFFFC180  }
0x59: {  	[spmem:s1] =	stream.indirect.scatter.add.f32 [tilespmem:s17], [sflag:$0x2], $0x10, s16, s16, $0xb8;
	[tilespmem:$0x130B0] =	vst v63  }
0x5a: {  	_ =	swait.ge [sflag:s15], $0x3E80  }
0x5b: {  	s21 =	sadd.s32 $0x1, s21;
	[sflag:s15] =	ssyncset.done $0x0  }
0x5c: {  	p0 =	sne.s32 s21, s10;
	[sflag:s15] =	ssyncadd.s32 $0xFFFFC180  }
.Ltmp2:
0x5d: {  	[bflag:$0x0] =	sbarrier.arrive $0xFFFF;
	(pc) =	sbr.rel @p0 .LBB2_1-.Ltmp2, $4  }
0x5e: {  	[hbm:s11], [sflag:s19] =	dma.local [spmem:s20], $0x186A  }
0x5f: {  	_ =	swait.ge [sflag:s15], $0x186A  }
0x60: {  	[sflag:s15] =	ssyncset.done $0x0  }
0x61: {  	[sflag:s15] =	ssyncadd.s32 $0xFFFFE796  }
0x62: {  	_ =	sfence.sel $0x180000  }
0x63: {  	[bflag:$0x0] =	sbarrier.arrive $0xFFFF  }
0x64: {  	p0 =	sne.s32 s2, $0x0;
	_ =	strace $0x9000004D  }
0x65: {  	s0 =	sadd.s32 @!p0 $0x100000, s0;
	[bflag:$0x2] =	sbarrier.arrive $0xFFFF  }
0x66: {  	[sflag:s0] =	ssyncadd.tile.s32 @!p0 $0x1;
	_ =	shalt  }
.Lfunc_end2:
_tile_overlayer_lowered:
.L_overlay_start_2:
0x67: {  	(tag) =	ssettag $0x2  }
0x68: {  	s0 =	rddreg [dreg:$0x0];
	s2 =	stileid.u32  }
0x69: {  	s1 =	rddreg [dreg:$0x1];
	p0 =	sne.s32 s2, $0x0  }
0x6a: {  	s3 =	rddreg [dreg:$0x2];
	[bflag:$0x3] =	sbarrier.arrive $0xFFFF;
	s2 =	simm.s32 @!p0 $0x1C02  }
0x6b: {  	[timem:s3], [sflag:s2] =	dma.local @!p0 [hbm:s0], s1  }
0x6c: {  	s0 =	simm.s32 @!p0 $0x2  }
0x6d: {  	_ =	swait.ge @!p0 [sflag:s0], s1  }
0x6e: {  	s1 =	ssub.s32 @!p0 $0x0, s1;
	[sflag:s0] =	ssyncset.done @!p0 $0x0  }
0x6f: {  	[sflag:s0] =	ssyncadd.s32 @!p0 s1  }
0x70: {  	[bflag:$0x3] =	sbarrier.arrive $0xFFFF  }
0x71: {  	_ =	shalt  }

// kernel: kernel.18.cloned.1.call-start
scs
__scs_entry_jumppad:
0x0: {  	(pc) =	sbr.rel $0x88, $3  }
0x1: {  	(tag) =	ssettag $0x0;
	lr =	simm.s32 $0x1  }
0x2: {  	[smem:$0x3F98] =	sst lr;
	_ =	strace $0xD0000000  }
0x3: {  	_ = 	snop  }
0x4: {  	_ = 	snop  }
0x5: {  	_ = 	snop  }
0x6: {  	_ = 	snop  }
0x7: {  	_ = 	snop  }
__scs_overlays_trampoline_lowered:
0x8: {  	[smem:$0x3FA7] =	sst s0  }
0x9: {  	[smem:$0x3FA8] =	sst s1  }
0xa: {  	[smem:$0x3FA9] =	sst s2  }
0xb: {  	[smem:$0x3FAA] =	sst s3  }
0xc: {  	[smem:$0x3FAB] =	sst s4  }
0xd: {  	[smem:$0x3FAC] =	sst s5  }
0xe: {  	[smem:$0x3FAD] =	sst s6  }
0xf: {  	[smem:$0x3FAE] =	sst s7  }
0x10: {  	[smem:$0x3FAF] =	sst s8  }
0x11: {  	[smem:$0x3FB0] =	sst s9;
	s0 =	simm.s32 @!p0 $0x0  }
0x12: {  	s1 =	sld [smem:$0x3F96];
	s0 =	simm.s32 @p0 $0x1  }
0x13: {  	[smem:$0x3FB1] =	sst s0;
	s0 =	simm.s32 @!p1 $0x0  }
0x14: {  	s2 =	sld [smem:$0x3F95];
	s0 =	simm.s32 @p1 $0x1  }
0x15: {  	[smem:$0x3FB2] =	sst s0;
	s0 =	simm.s32 @!p2 $0x0  }
0x16: {  	s3 =	sld [smem:$0x3FDB];
	s0 =	simm.s32 @p2 $0x1  }
0x17: {  	s4 =	simm.s32 $0x1BF5;
	[smem:$0x3FB4] =	sst s0  }
0x18: {  	s0 =	sld [smem:$0x3F97];
	_ =	swait.ge [sflag:s4], $0x0  }
0x19: {  	s7 =	sld [smem:$0x3F98]  }
0x1a: {  	s8 =	sadd.s32 $0xFFFFE003, lr  }
0x1b: {  	s9 =	sadd.s32 $0xFFFFFEF7, lr;
	s5 =	simm.s32 $0xFFFFFFFF;
	p2 =	slt.u32 s8, $0xFFFFF086  }
0x1c: {  	p1 =	slt.u32 s9, $0xF7A;
	s5 =	simm.s32 @!p2 $0x0  }
0x1d: {  	s5 =	simm.s32 @p1 $0x1;
	p0 =	seq.s32 s7, s2  }
0x1e: {  	s7 =	smul.u32 @!p0 $0xF7A, s2;
	p2 =	seq.s32 @!p0 s5, $0x0  }
0x1f: {  	s9 =	smul.u32 $0xF7A, s1;
	s8 =	simm.s32 @!p0 $0x1BF5;
	p2 =	por !p2, p0  }
0x20: {  	[sflag:s8] =	ssyncset.s32 @!p0 $0xFFFFF086;
	s6 =	sadd.s32 @!p0 s3, s7;
	s7 =	simm.s32 @!p0 $0x108  }
0x21: {  	s3 =	sadd.s32 s3, s9;
	s6 =	sadd.s32 @!p0 $0x88, s6;
	s7 =	simm.s32 @p2 $0x1082  }
0x22: {  	[simem:s7], [sflag:s8] =	dma.local @!p0 [hbm:s6], $0xF7A  }
0x23: {  	s9 =	sor.u32 $0xD0000000, s2;
	s6 =	simm.s32 $0x108;
	_ =	swait.ge @!p0 [sflag:s8], $0x0  }
0x24: {  	s3 =	sadd.s32 $0x88, s3;
	s6 =	simm.s32 @!p1 $0x1082;
	[sflag:s4] =	ssyncset.s32 $0xFFFFF086  }
0x25: {  	[simem:s6], [sflag:s4] =	dma.local [hbm:s3], $0xF7A  }
0x26: {  	[smem:$0x3F98] =	sst s1;
	(tag) =	ssettag s2;
	_ =	strace s9  }
0x27: {  	s1 =	sld [smem:$0x3FA8]  }
0x28: {  	s2 =	sld [smem:$0x3FA9]  }
0x29: {  	s4 =	sld [smem:$0x3FAB]  }
0x2a: {  	p0 =	seq.s32 s5, $0x0;
	s5 =	sld [smem:$0x3FAC]  }
0x2b: {  	s6 =	sld [smem:$0x3FAD]  }
0x2c: {  	s7 =	sld [smem:$0x3FAE]  }
0x2d: {  	s3 =	simm.s32 $0x108;
	s8 =	sld [smem:$0x3FAF]  }
0x2e: {  	s3 =	simm.s32 @!p0 $0x1082;
	s9 =	sld [smem:$0x3FB0]  }
0x2f: {  	lr =	sadd.s32 s0, s3;
	s0 =	sld [smem:$0x3FA7]  }
0x30: {  	s3 =	sld [smem:$0x3FAA]  }
0x31: {  	[smem:$0x3FB3] =	sst s10  }
0x32: {  	s10 =	sld [smem:$0x3FB1];
	_ =	sdelay $0x3  }
0x33: {  	p0 =	seq.s32 s10, $0x1;
	s10 =	sld [smem:$0x3FB3];
	_ =	sdelay $0x3  }
0x34: {  	[smem:$0x3FB3] =	sst s10  }
0x35: {  	s10 =	sld [smem:$0x3FB2];
	_ =	sdelay $0x3  }
0x36: {  	p1 =	seq.s32 s10, $0x1;
	s10 =	sld [smem:$0x3FB3];
	_ =	sdelay $0x3  }
0x37: {  	[smem:$0x3FB3] =	sst s10  }
0x38: {  	s10 =	sld [smem:$0x3FB4]  }
0x39: {  	_ = 	snop;
	(pc) =	sbr.ind lr, $3  }
0x3a: {  	_ = 	snop  }
0x3b: {  	_ = 	snop  }
0x3c: {  	p2 =	seq.s32 s10, $0x1;
	s10 =	sld [smem:$0x3FB3]  }
0x3d: {  	_ =	shalt  }
0x3e: {  	_ =	shalt  }
0x3f: {  	_ =	shalt  }
0x40: {  	_ =	shalt  }
0x41: {  	_ =	shalt  }
0x42: {  	_ =	shalt  }
0x43: {  	_ =	shalt  }
0x44: {  	_ =	shalt  }
0x45: {  	_ =	shalt  }
0x46: {  	_ =	shalt  }
0x47: {  	_ =	shalt  }
0x48: {  	_ =	shalt  }
0x49: {  	_ =	shalt  }
0x4a: {  	_ =	shalt  }
0x4b: {  	_ =	shalt  }
0x4c: {  	_ =	shalt  }
0x4d: {  	_ =	shalt  }
0x4e: {  	_ =	shalt  }
0x4f: {  	_ =	shalt  }
0x50: {  	_ =	shalt  }
0x51: {  	_ =	shalt  }
0x52: {  	_ =	shalt  }
0x53: {  	_ =	shalt  }
0x54: {  	_ =	shalt  }
0x55: {  	_ =	shalt  }
0x56: {  	_ =	shalt  }
0x57: {  	_ =	shalt  }
0x58: {  	_ =	shalt  }
0x59: {  	_ =	shalt  }
0x5a: {  	_ =	shalt  }
0x5b: {  	_ =	shalt  }
0x5c: {  	_ =	shalt  }
0x5d: {  	_ =	shalt  }
0x5e: {  	_ =	shalt  }
0x5f: {  	_ =	shalt  }
0x60: {  	_ =	shalt  }
0x61: {  	_ =	shalt  }
0x62: {  	_ =	shalt  }
0x63: {  	_ =	shalt  }
0x64: {  	_ =	shalt  }
0x65: {  	_ =	shalt  }
0x66: {  	_ =	shalt  }
0x67: {  	_ =	shalt  }
0x68: {  	_ =	shalt  }
0x69: {  	_ =	shalt  }
0x6a: {  	_ =	shalt  }
0x6b: {  	_ =	shalt  }
0x6c: {  	_ =	shalt  }
0x6d: {  	_ =	shalt  }
0x6e: {  	_ =	shalt  }
0x6f: {  	_ =	shalt  }
0x70: {  	_ =	shalt  }
0x71: {  	_ =	shalt  }
0x72: {  	_ =	shalt  }
0x73: {  	_ =	shalt  }
0x74: {  	_ =	shalt  }
0x75: {  	_ =	shalt  }
0x76: {  	_ =	shalt  }
0x77: {  	_ =	shalt  }
0x78: {  	_ =	shalt  }
0x79: {  	_ =	shalt  }
0x7a: {  	_ =	shalt  }
0x7b: {  	_ =	shalt  }
0x7c: {  	_ =	shalt  }
0x7d: {  	_ =	shalt  }
0x7e: {  	_ =	shalt  }
0x7f: {  	_ =	shalt  }
0x80: {  	_ =	shalt  }
0x81: {  	_ =	shalt  }
0x82: {  	_ =	shalt  }
0x83: {  	_ =	shalt  }
0x84: {  	_ =	shalt  }
0x85: {  	_ =	shalt  }
0x86: {  	_ =	shalt  }
0x87: {  	_ =	shalt  }
.Lfunc_end0:
.L_simem_size_0:
called_computation.2_lowered:
.L_overlay_start_0:
0x88: {  	s2 =	sld [smem:$0x3FD9]  }
0x89: {  	s3 =	sld [smem:$0x3FFE];
	_ =	sdelay $0x1  }
0x8a: {  	s1 =	srdreg.scid  }
0x8b: {  	s0 =	sand.u32 $0x1, s1  }
0x8c: {  	s16 =	sshll.u32 s0, $0xA;
	s2 =	sadd.s32 s3, s2  }
0x8d: {  	s2 =	sadd.s32 s2, s16  }
0x8e: {  	[smem:$0x3FBF] =	sst s2  }
0x8f: {  	_ = 	snop  }
0x90: {  	(tm) =	ssettm $0x1  }
0x91: {  	s17 =	sld [smem:$0x3FFB];
	_ =	sdelay $0x3  }
0x92: {  	_ =	strace s17  }
0x93: {  	s2 =	sld [smem:$0x3FFC];
	_ =	sdelay $0x3  }
0x94: {  	_ =	strace s2  }
0x95: {  	s2 =	sld [smem:$0x3FFD];
	_ =	sdelay $0x3  }
0x96: {  	_ =	strace s2  }
0x97: {  	_ =	strace $0x8FFFFFFF  }
0x98: {  	s18 =	sld [smem:$0x3FDB];
	_ =	sdelay $0x1  }
0x99: {  	s19 =	simm.s32 $_scs_section_size  }
0x9a: {  	s4 =	simm.s32 $_size__tile_overlayer_lowered;
	s5 =	simm.s32 $_tile_overlayer_lowered  }
0x9b: {  	s22 =	simm.s32 $0x1BFF;
	s21 =	sshll.u32 s5, $0x1;
	s2 =	sadd.s32 s19, s18  }
0x9c: {  	s6 =	simm.s32 $0x0;
	s20 =	sshll.u32 s4, $0x1;
	s4 =	sadd.s32 s21, s2  }
0x9d: {  	[timem:s6], [sflag:s22] =	dma.local [hbm:s4], s20  }
0x9e: {  	_ =	swait.ge [sflag:s22], s20  }
0x9f: {  	s3 =	ssub.s32 $0x0, s20;
	[sflag:s22] =	ssyncset.done $0x0  }
0xa0: {  	[sflag:s22] =	ssyncadd.s32 s3;
	_ =	sdelay $0x1  }
0xa1: {  	s23 =	simm.s32 $0x1B8B  }
0xa2: {  	_ =	swait.ge [sflag:s23], $0x1  }
0xa3: {  	[sflag:s23] =	ssyncset.done $0x0  }
0xa4: {  	s25 =	simm.s32 $0x1B8E;
	s24 =	sld [smem:$0x3FFE];
	[sflag:s23] =	ssyncadd.s32 $0xFFFFFFFF  }
0xa5: {  	s26 =	simm.s32 $execute0_lowered;
	[smem:$0x3FD2] =	sst s25  }
0xa6: {  	s4 =	sshll.u32 s26, $0x1;
	_ =	strace $0x80000049;
	[dreg:$0x1] =	wrdreg $0xFFFFFFFF  }
0xa7: {  	s28 =	simm.s32 $_size_execute0_lowered;
	s2 =	sadd.s32 s2, s4;
	[dreg:$0x0] =	wrdreg $0x0  }
0xa8: {  	s4 =	sshll.u32 s28, $0x1;
	[dreg:$0x2] =	wrdreg s2  }
0xa9: {  	[dreg:$0x3] =	wrdreg s4  }
0xaa: {  	[dreg:$0x4] =	wrdreg $0xC0  }
0xab: {  	_ =	task [dreg:s6], $0x5FFFF  }
0xac: {  	[dreg:$0x1] =	wrdreg $0xFFFFFFFF  }
0xad: {  	[dreg:$0x0] =	wrdreg $0x60  }
0xae: {  	[dreg:$0x2] =	wrdreg s24  }
0xaf: {  	[dreg:$0x3] =	wrdreg $0x6D600  }
0xb0: {  	[dreg:$0x4] =	wrdreg $0xA  }
0xb1: {  	_ =	task.clear_ibuf [dreg:s6], $0x5FFFF;
	_ =	strace $0x90000049  }
0xb2: {  	s29 =	simm.s32 $0xA;
	_ =	strace $0x8000004B  }
0xb3: {  	_ =	swait.ge [sflag:s29], $0x1  }
0xb4: {  	[sflag:s29] =	ssyncadd.s32 $0xFFFFFFFF  }
0xb5: {  	_ =	strace $0x9000004B  }
0xb6: {  	_ =	sfence  }
0xb7: {  	s30 =	sld [smem:$0x0];
	_ =	sdelay $0x2  }
0xb8: {  	s31 =	sshll.u32 s1, $0xD;
	s1 =	sshrl.u32 s1, $0x2  }
0xb9: {  	s3 =	sand.u32 $0x4000, s31;
	s1 =	sadd.s32 s1, s30  }
0xba: {  	s0 =	sor.u32 s3, s0;
	s1 =	sshll.u32 s1, $0x11  }
0xbb: {  	s0 =	sor.u32 s1, s0  }
0xbc: {  	s0 =	sadd.s32 $0x8F2B, s0  }
0xbd: {  	[sflag:s0] =	ssyncadd.remote.s32 $0x1  }
0xbe: {  	_ =	sfence.sel $0xFFFF  }
0xbf: {  	[dreg:$0x0] =	wrdreg $0xFFFFFFFF;
	(pc) =	sbr.abs _section_cstart, $3  }
0xc0: {  	[dreg:$0x1] =	wrdreg $0xFFFFFFFF  }
0xc1: {  	_ =	task.clear_ibuf [dreg:s6], $0x2FFFF;
	_ =	strace $0x9FFFFFFF  }
0xc2: {  	(tm) =	ssettm $0x7FFFFFFF  }
0xc3: {  	_ =	shalt  }
tec
execute0_lowered:
.L_overlay_start_1:
0x0: {  	(tag) =	ssettag $0x1  }
0x1: {  	s6 =	rddreg [dreg:$0x0]  }
0x2: {  	s1 =	rddreg [dreg:$0x1]  }
0x3: {  	s0 =	rddreg [dreg:$0x2];
	s3 =	simm.s32 $0x0;
	s2 =	stileid.u32  }
0x4: {  	s5 =	srdreg.scid;
	s15 =	simm.s32 $0x2;
	s16 =	simm.s32 $0x3E8  }
0x5: {  	s17 =	simm.s32 $0x7D0;
	s18 =	simm.s32 $0x1;
	s21 =	simm.s32 $0x0  }
0x6: {  	[smem:$0x7FF] =	sst s3;
	s4 =	sadd.s32 $0x4FA00, s6;
	s7 =	smul.u32 $0xC350, s2  }
0x7: {  	s8 =	sand.u32 $0x1, s5;
	s11 =	sadd.s32 $0x37200, s6;
	s9 =	smul.u32 $0x186A, s2  }
0x8: {  	s12 =	smul.u32 $0x30D40, s2;
	s19 =	sshll.u32 s2, $0x6;
	_ =	strace $0x8000004A  }
0x9: {  	p0 =	seq.s32 s8, $0x1;
	s8 =	ssub.s32 $0x2, s8;
	s19 =	sor.u32 $0x1C02, s19  }
0xa: {  	s10 =	sadd.s32 $0xC3500, s7;
	s5 =	sadd.s32 s7, s1;
	s13 =	sadd.s32 s9, s6  }
0xb: {  	s28 =	sshrl.u32 s8, $0x1;
	s29 =	sshrl.u32 s12, $0x2;
	s4 =	smov.u32 @p0 s11  }
0xc: {  	s7 =	smov.u32 @p0 s10;
	s14 =	ssub.s32 s8, s28;
	s31 =	sadd.s32 s29, s1  }
0xd: {  	s12 =	sadd.s32 $0x1EA00, s13;
	s13 =	sadd.s32 $0x6200, s13;
	s20 =	sshrl.u32 s5, $0x3  }
0xe: {  	s7 =	sshrl.u32 s7, $0x3;
	s8 =	sadd.s32 $0x7530, s31;
	s9 =	sadd.s32 $0x9C40, s31  }
0xf: {  	s10 =	smax.u32 s14, $0x1;
	s14 =	simm.s32 $0x4650;
	s30 =	sadd.s32 s7, s6  }
0x10: {  	v0 =	vimm.f32 $0.0e+00;
	s6 =	sadd.s32 $0x2710, s31;
	s7 =	sadd.s32 $0x4E20, s31;
	s11 =	sadd.s32 $0x68200, s30  }
.LBB2_1:
0x11: {  	s22 =	simm.s32 $0x40;
	s23 =	simm.s32 $0x0  }
.LBB2_2:
0x12: {  	p0 =	sne.s32 s22, $0x9C00;
	[tilespmem:s23+$0x4650] =	vst v0;
	s23 =	smov.u32 s22;
	s22 =	sadd.s32 $0x40, s22  }
.Ltmp0:
0x13: {  	(pc) =	sbr.rel @p0 .LBB2_2-.Ltmp0, $2  }
0x14: {  	_ =	sdelay $0x2  }
0x15: {  	s23 =	sshra.s32 s23, $0x2  }
0x16: {  	[tilespmem:s23+$0x4650] =	vst v0  }
0x17: {  	[spmem:s5] =	stream.linear.scatter [tilespmem:s14], [sflag:$0x2], $0x2710, $0x38;
	[tilespmem:$0x130B0] =	vst v63  }
0x18: {  	_ =	swait.ge [sflag:s15], $0x2710  }
0x19: {  	[sflag:s15] =	ssyncset.done $0x0  }
0x1a: {  	[sflag:s15] =	ssyncadd.s32 $0xFFFFD8F0  }
0x1b: {  	[spmem:s6] =	stream.linear.scatter [tilespmem:s14], [sflag:$0x2], $0x2710, $0x38;
	[tilespmem:$0x130B0] =	vst v63  }
0x1c: {  	_ =	swait.ge [sflag:s15], $0x2710  }
0x1d: {  	[sflag:s15] =	ssyncset.done $0x0  }
0x1e: {  	[sflag:s15] =	ssyncadd.s32 $0xFFFFD8F0  }
0x1f: {  	[spmem:s7] =	stream.linear.scatter [tilespmem:s14], [sflag:$0x2], $0x2710, $0x38;
	[tilespmem:$0x130B0] =	vst v63  }
0x20: {  	_ =	swait.ge [sflag:s15], $0x2710  }
0x21: {  	[sflag:s15] =	ssyncset.done $0x0  }
0x22: {  	[sflag:s15] =	ssyncadd.s32 $0xFFFFD8F0  }
0x23: {  	[spmem:s8] =	stream.linear.scatter [tilespmem:s14], [sflag:$0x2], $0x2710, $0x38;
	[tilespmem:$0x130B0] =	vst v63  }
0x24: {  	_ =	swait.ge [sflag:s15], $0x2710  }
0x25: {  	[sflag:s15] =	ssyncset.done $0x0  }
0x26: {  	[sflag:s15] =	ssyncadd.s32 $0xFFFFD8F0  }
0x27: {  	[spmem:s9] =	stream.linear.scatter [tilespmem:s14], [sflag:$0x2], $0x2710, $0x38;
	[tilespmem:$0x130B0] =	vst v63  }
0x28: {  	_ =	swait.ge [sflag:s15], $0x2710  }
0x29: {  	[sflag:s15] =	ssyncset.done $0x0  }
0x2a: {  	[sflag:s15] =	ssyncadd.s32 $0xFFFFD8F0  }
0x2b: {  	s22 =	sadd.s32 $0x0, s13;
	[bflag:$0x0] =	sbarrier.arrive $0xFFFF  }
0x2c: {  	[tilespmem:s3], [sflag:$0x2] =	stream.linear.gather [hbm4b:s22+s3], $0x3E8, $0x38;
	[tilespmem:$0x130B0] =	vst v63  }
0x2d: {  	_ =	swait.ge [sflag:s15], $0x3E8  }
0x2e: {  	[sflag:s15] =	ssyncset.done $0x0  }
0x2f: {  	s31 =	sadd.s32 $0x0, s12;
	[sflag:s15] =	ssyncadd.s32 $0xFFFFFC18  }
0x30: {  	[tilespmem:s16], [sflag:$0x2] =	stream.linear.gather [hbm4b:s31+s3], $0x3E8, $0x38;
	[tilespmem:$0x130B0] =	vst v63  }
0x31: {  	_ =	swait.ge [sflag:s15], $0x3E8  }
0x32: {  	[sflag:s15] =	ssyncset.done $0x0  }
0x33: {  	[sflag:s15] =	ssyncadd.s32 $0xFFFFFC18  }
0x34: {  	[tilespmem:s17], [sflag:$0x1] =	stream.indirect.gather [hbm4b:s4+s16], $0x10, s3, s16, $0xb8;
	[tilespmem:$0x130B0] =	vst v63  }
0x35: {  	_ =	swait.ge [sflag:s18], $0x3E80  }
0x36: {  	[sflag:s18] =	ssyncset.done $0x0  }
0x37: {  	[sflag:s18] =	ssyncadd.s32 $0xFFFFC180  }
0x38: {  	[spmem:s1] =	stream.indirect.scatter.add.f32 [tilespmem:s17], [sflag:$0x2], $0x10, s16, s16, $0xb8;
	[tilespmem:$0x130B0] =	vst v63  }
0x39: {  	_ =	swait.ge [sflag:s15], $0x3E80  }
0x3a: {  	s23 =	simm.s32 $0xFA;
	s22 =	simm.s32 $0x7D;
	[sflag:s15] =	ssyncset.done $0x0  }
.LBB2_4:
0x3b: {  	s24 =	sadd.s32 s22, s13  }
0x3c: {  	[sflag:s15] =	ssyncadd.s32 $0xFFFFC180;
	s25 =	smov.u32 s23;
	s26 =	sadd.s32 $0x7D, s23  }
0x3d: {  	[tilespmem:s3], [sflag:$0x2] =	stream.linear.gather [hbm4b:s24+s3], $0x3E8, $0x38;
	[tilespmem:$0x130B0] =	vst v63  }
0x3e: {  	p0 =	sne.s32 s23, $0x17ED;
	_ =	swait.ge [sflag:s15], $0x3E8  }
0x3f: {  	[sflag:s15] =	ssyncset.done $0x0  }
0x40: {  	s23 =	sadd.s32 s22, s12;
	s22 =	smov.u32 s25;
	[sflag:s15] =	ssyncadd.s32 $0xFFFFFC18  }
0x41: {  	[tilespmem:s16], [sflag:$0x2] =	stream.linear.gather [hbm4b:s23+s3], $0x3E8, $0x38;
	[tilespmem:$0x130B0] =	vst v63  }
0x42: {  	_ =	swait.ge [sflag:s15], $0x3E8  }
0x43: {  	[sflag:s15] =	ssyncset.done $0x0  }
0x44: {  	[sflag:s15] =	ssyncadd.s32 $0xFFFFFC18  }
0x45: {  	[tilespmem:s17], [sflag:$0x1] =	stream.indirect.gather [hbm4b:s4+s16], $0x10, s3, s16, $0xb8;
	[tilespmem:$0x130B0] =	vst v63  }
0x46: {  	_ =	swait.ge [sflag:s18], $0x3E80  }
.Ltmp1:
0x47: {  	[sflag:s18] =	ssyncset.done $0x0;
	(pc) =	sbr.rel @p0 .LBB2_4-.Ltmp1, $4  }
0x48: {  	[sflag:s18] =	ssyncadd.s32 $0xFFFFC180  }
0x49: {  	[spmem:s1] =	stream.indirect.scatter.add.f32 [tilespmem:s17], [sflag:$0x2], $0x10, s16, s16, $0xb8;
	[tilespmem:$0x130B0] =	vst v63  }
0x4a: {  	_ =	swait.ge [sflag:s15], $0x3E80  }
0x4b: {  	s23 =	smov.u32 s26;
	[sflag:s15] =	ssyncset.done $0x0  }
0x4c: {  	s23 =	sadd.s32 s22, s13;
	[sflag:s15] =	ssyncadd.s32 $0xFFFFC180  }
0x4d: {  	[tilespmem:s3], [sflag:$0x2] =	stream.linear.gather [hbm4b:s23+s3], $0x3E8, $0x38;
	[tilespmem:$0x130B0] =	vst v63  }
0x4e: {  	_ =	swait.ge [sflag:s15], $0x3E8  }
0x4f: {  	[sflag:s15] =	ssyncset.done $0x0  }
0x50: {  	s31 =	sadd.s32 s22, s12;
	[sflag:s15] =	ssyncadd.s32 $0xFFFFFC18  }
0x51: {  	[tilespmem:s16], [sflag:$0x2] =	stream.linear.gather [hbm4b:s31+s3], $0x3E8, $0x38;
	[tilespmem:$0x130B0] =	vst v63  }
0x52: {  	_ =	swait.ge [sflag:s15], $0x3E8  }
0x53: {  	[sflag:s15] =	ssyncset.done $0x0  }
0x54: {  	[sflag:s15] =	ssyncadd.s32 $0xFFFFFC18  }
0x55: {  	[tilespmem:s17], [sflag:$0x1] =	stream.indirect.gather [hbm4b:s4+s16], $0x10, s3, s16, $0xb8;
	[tilespmem:$0x130B0] =	vst v63  }
0x56: {  	_ =	swait.ge [sflag:s18], $0x3E80  }
0x57: {  	[sflag:s18] =	ssyncset.done $0x0  }
0x58: {  	[sflag:s18] =	ssyncadd.s32 $0xFFFFC180  }
0x59: {  	[spmem:s1] =	stream.indirect.scatter.add.f32 [tilespmem:s17], [sflag:$0x2], $0x10, s16, s16, $0xb8;
	[tilespmem:$0x130B0] =	vst v63  }
0x5a: {  	_ =	swait.ge [sflag:s15], $0x3E80  }
0x5b: {  	s21 =	sadd.s32 $0x1, s21;
	[sflag:s15] =	ssyncset.done $0x0  }
0x5c: {  	p0 =	sne.s32 s21, s10;
	[sflag:s15] =	ssyncadd.s32 $0xFFFFC180  }
.Ltmp2:
0x5d: {  	[bflag:$0x0] =	sbarrier.arrive $0xFFFF;
	(pc) =	sbr.rel @p0 .LBB2_1-.Ltmp2, $4  }
0x5e: {  	[hbm:s11], [sflag:s19] =	dma.local [spmem:s20], $0x186A  }
0x5f: {  	_ =	swait.ge [sflag:s15], $0x186A  }
0x60: {  	[sflag:s15] =	ssyncset.done $0x0  }
0x61: {  	[sflag:s15] =	ssyncadd.s32 $0xFFFFE796  }
0x62: {  	_ =	sfence.sel $0x180000  }
0x63: {  	[bflag:$0x0] =	sbarrier.arrive $0xFFFF  }
0x64: {  	p0 =	sne.s32 s2, $0x0;
	_ =	strace $0x9000004A  }
0x65: {  	s0 =	sadd.s32 @!p0 $0x100000, s0;
	[bflag:$0x2] =	sbarrier.arrive $0xFFFF  }
0x66: {  	[sflag:s0] =	ssyncadd.tile.s32 @!p0 $0x1;
	_ =	shalt  }
.Lfunc_end2:
_tile_overlayer_lowered:
.L_overlay_start_2:
0x67: {  	(tag) =	ssettag $0x2  }
0x68: {  	s0 =	rddreg [dreg:$0x0];
	s2 =	stileid.u32  }
0x69: {  	s1 =	rddreg [dreg:$0x1];
	p0 =	sne.s32 s2, $0x0  }
0x6a: {  	s3 =	rddreg [dreg:$0x2];
	[bflag:$0x3] =	sbarrier.arrive $0xFFFF;
	s2 =	simm.s32 @!p0 $0x1C02  }
0x6b: {  	[timem:s3], [sflag:s2] =	dma.local @!p0 [hbm:s0], s1  }
0x6c: {  	s0 =	simm.s32 @!p0 $0x2  }
0x6d: {  	_ =	swait.ge @!p0 [sflag:s0], s1  }
0x6e: {  	s1 =	ssub.s32 @!p0 $0x0, s1;
	[sflag:s0] =	ssyncset.done @!p0 $0x0  }
0x6f: {  	[sflag:s0] =	ssyncadd.s32 @!p0 s1  }
0x70: {  	[bflag:$0x3] =	sbarrier.arrive $0xFFFF  }
0x71: {  	_ =	shalt  }

// kernel: kernel.21.cloned.1.call-start
scs
__scs_entry_jumppad:
0x0: {  	(pc) =	sbr.rel $0x88, $3  }
0x1: {  	(tag) =	ssettag $0x0;
	lr =	simm.s32 $0x1  }
0x2: {  	[smem:$0x3F98] =	sst lr;
	_ =	strace $0xD0000000  }
0x3: {  	_ = 	snop  }
0x4: {  	_ = 	snop  }
0x5: {  	_ = 	snop  }
0x6: {  	_ = 	snop  }
0x7: {  	_ = 	snop  }
__scs_overlays_trampoline_lowered:
0x8: {  	[smem:$0x3FA7] =	sst s0  }
0x9: {  	[smem:$0x3FA8] =	sst s1  }
0xa: {  	[smem:$0x3FA9] =	sst s2  }
0xb: {  	[smem:$0x3FAA] =	sst s3  }
0xc: {  	[smem:$0x3FAB] =	sst s4  }
0xd: {  	[smem:$0x3FAC] =	sst s5  }
0xe: {  	[smem:$0x3FAD] =	sst s6  }
0xf: {  	[smem:$0x3FAE] =	sst s7  }
0x10: {  	[smem:$0x3FAF] =	sst s8  }
0x11: {  	[smem:$0x3FB0] =	sst s9;
	s0 =	simm.s32 @!p0 $0x0  }
0x12: {  	s1 =	sld [smem:$0x3F96];
	s0 =	simm.s32 @p0 $0x1  }
0x13: {  	[smem:$0x3FB1] =	sst s0;
	s0 =	simm.s32 @!p1 $0x0  }
0x14: {  	s2 =	sld [smem:$0x3F95];
	s0 =	simm.s32 @p1 $0x1  }
0x15: {  	[smem:$0x3FB2] =	sst s0;
	s0 =	simm.s32 @!p2 $0x0  }
0x16: {  	s3 =	sld [smem:$0x3FDB];
	s0 =	simm.s32 @p2 $0x1  }
0x17: {  	s4 =	simm.s32 $0x1BF5;
	[smem:$0x3FB4] =	sst s0  }
0x18: {  	s0 =	sld [smem:$0x3F97];
	_ =	swait.ge [sflag:s4], $0x0  }
0x19: {  	s7 =	sld [smem:$0x3F98]  }
0x1a: {  	s8 =	sadd.s32 $0xFFFFE003, lr  }
0x1b: {  	s9 =	sadd.s32 $0xFFFFFEF7, lr;
	s5 =	simm.s32 $0xFFFFFFFF;
	p2 =	slt.u32 s8, $0xFFFFF086  }
0x1c: {  	p1 =	slt.u32 s9, $0xF7A;
	s5 =	simm.s32 @!p2 $0x0  }
0x1d: {  	s5 =	simm.s32 @p1 $0x1;
	p0 =	seq.s32 s7, s2  }
0x1e: {  	s7 =	smul.u32 @!p0 $0xF7A, s2;
	p2 =	seq.s32 @!p0 s5, $0x0  }
0x1f: {  	s9 =	smul.u32 $0xF7A, s1;
	s8 =	simm.s32 @!p0 $0x1BF5;
	p2 =	por !p2, p0  }
0x20: {  	[sflag:s8] =	ssyncset.s32 @!p0 $0xFFFFF086;
	s6 =	sadd.s32 @!p0 s3, s7;
	s7 =	simm.s32 @!p0 $0x108  }
0x21: {  	s3 =	sadd.s32 s3, s9;
	s6 =	sadd.s32 @!p0 $0x88, s6;
	s7 =	simm.s32 @p2 $0x1082  }
0x22: {  	[simem:s7], [sflag:s8] =	dma.local @!p0 [hbm:s6], $0xF7A  }
0x23: {  	s9 =	sor.u32 $0xD0000000, s2;
	s6 =	simm.s32 $0x108;
	_ =	swait.ge @!p0 [sflag:s8], $0x0  }
0x24: {  	s3 =	sadd.s32 $0x88, s3;
	s6 =	simm.s32 @!p1 $0x1082;
	[sflag:s4] =	ssyncset.s32 $0xFFFFF086  }
0x25: {  	[simem:s6], [sflag:s4] =	dma.local [hbm:s3], $0xF7A  }
0x26: {  	[smem:$0x3F98] =	sst s1;
	(tag) =	ssettag s2;
	_ =	strace s9  }
0x27: {  	s1 =	sld [smem:$0x3FA8]  }
0x28: {  	s2 =	sld [smem:$0x3FA9]  }
0x29: {  	s4 =	sld [smem:$0x3FAB]  }
0x2a: {  	p0 =	seq.s32 s5, $0x0;
	s5 =	sld [smem:$0x3FAC]  }
0x2b: {  	s6 =	sld [smem:$0x3FAD]  }
0x2c: {  	s7 =	sld [smem:$0x3FAE]  }
0x2d: {  	s3 =	simm.s32 $0x108;
	s8 =	sld [smem:$0x3FAF]  }
0x2e: {  	s3 =	simm.s32 @!p0 $0x1082;
	s9 =	sld [smem:$0x3FB0]  }
0x2f: {  	lr =	sadd.s32 s0, s3;
	s0 =	sld [smem:$0x3FA7]  }
0x30: {  	s3 =	sld [smem:$0x3FAA]  }
0x31: {  	[smem:$0x3FB3] =	sst s10  }
0x32: {  	s10 =	sld [smem:$0x3FB1];
	_ =	sdelay $0x3  }
0x33: {  	p0 =	seq.s32 s10, $0x1;
	s10 =	sld [smem:$0x3FB3];
	_ =	sdelay $0x3  }
0x34: {  	[smem:$0x3FB3] =	sst s10  }
0x35: {  	s10 =	sld [smem:$0x3FB2];
	_ =	sdelay $0x3  }
0x36: {  	p1 =	seq.s32 s10, $0x1;
	s10 =	sld [smem:$0x3FB3];
	_ =	sdelay $0x3  }
0x37: {  	[smem:$0x3FB3] =	sst s10  }
0x38: {  	s10 =	sld [smem:$0x3FB4]  }
0x39: {  	_ = 	snop;
	(pc) =	sbr.ind lr, $3  }
0x3a: {  	_ = 	snop  }
0x3b: {  	_ = 	snop  }
0x3c: {  	p2 =	seq.s32 s10, $0x1;
	s10 =	sld [smem:$0x3FB3]  }
0x3d: {  	_ =	shalt  }
0x3e: {  	_ =	shalt  }
0x3f: {  	_ =	shalt  }
0x40: {  	_ =	shalt  }
0x41: {  	_ =	shalt  }
0x42: {  	_ =	shalt  }
0x43: {  	_ =	shalt  }
0x44: {  	_ =	shalt  }
0x45: {  	_ =	shalt  }
0x46: {  	_ =	shalt  }
0x47: {  	_ =	shalt  }
0x48: {  	_ =	shalt  }
0x49: {  	_ =	shalt  }
0x4a: {  	_ =	shalt  }
0x4b: {  	_ =	shalt  }
0x4c: {  	_ =	shalt  }
0x4d: {  	_ =	shalt  }
0x4e: {  	_ =	shalt  }
0x4f: {  	_ =	shalt  }
0x50: {  	_ =	shalt  }
0x51: {  	_ =	shalt  }
0x52: {  	_ =	shalt  }
0x53: {  	_ =	shalt  }
0x54: {  	_ =	shalt  }
0x55: {  	_ =	shalt  }
0x56: {  	_ =	shalt  }
0x57: {  	_ =	shalt  }
0x58: {  	_ =	shalt  }
0x59: {  	_ =	shalt  }
0x5a: {  	_ =	shalt  }
0x5b: {  	_ =	shalt  }
0x5c: {  	_ =	shalt  }
0x5d: {  	_ =	shalt  }
0x5e: {  	_ =	shalt  }
0x5f: {  	_ =	shalt  }
0x60: {  	_ =	shalt  }
0x61: {  	_ =	shalt  }
0x62: {  	_ =	shalt  }
0x63: {  	_ =	shalt  }
0x64: {  	_ =	shalt  }
0x65: {  	_ =	shalt  }
0x66: {  	_ =	shalt  }
0x67: {  	_ =	shalt  }
0x68: {  	_ =	shalt  }
0x69: {  	_ =	shalt  }
0x6a: {  	_ =	shalt  }
0x6b: {  	_ =	shalt  }
0x6c: {  	_ =	shalt  }
0x6d: {  	_ =	shalt  }
0x6e: {  	_ =	shalt  }
0x6f: {  	_ =	shalt  }
0x70: {  	_ =	shalt  }
0x71: {  	_ =	shalt  }
0x72: {  	_ =	shalt  }
0x73: {  	_ =	shalt  }
0x74: {  	_ =	shalt  }
0x75: {  	_ =	shalt  }
0x76: {  	_ =	shalt  }
0x77: {  	_ =	shalt  }
0x78: {  	_ =	shalt  }
0x79: {  	_ =	shalt  }
0x7a: {  	_ =	shalt  }
0x7b: {  	_ =	shalt  }
0x7c: {  	_ =	shalt  }
0x7d: {  	_ =	shalt  }
0x7e: {  	_ =	shalt  }
0x7f: {  	_ =	shalt  }
0x80: {  	_ =	shalt  }
0x81: {  	_ =	shalt  }
0x82: {  	_ =	shalt  }
0x83: {  	_ =	shalt  }
0x84: {  	_ =	shalt  }
0x85: {  	_ =	shalt  }
0x86: {  	_ =	shalt  }
0x87: {  	_ =	shalt  }
.Lfunc_end0:
.L_simem_size_0:
called_computation.3_lowered:
.L_overlay_start_0:
0x88: {  	s2 =	sld [smem:$0x3FD9]  }
0x89: {  	s3 =	sld [smem:$0x3FFE];
	_ =	sdelay $0x1  }
0x8a: {  	s1 =	srdreg.scid  }
0x8b: {  	s0 =	sand.u32 $0x1, s1  }
0x8c: {  	s17 =	sshll.u32 s0, $0xA;
	s2 =	sadd.s32 s3, s2  }
0x8d: {  	s2 =	sadd.s32 s2, s17  }
0x8e: {  	[smem:$0x3FBF] =	sst s2  }
0x8f: {  	_ = 	snop  }
0x90: {  	(tm) =	ssettm $0x1  }
0x91: {  	s18 =	sld [smem:$0x3FFB];
	_ =	sdelay $0x3  }
0x92: {  	_ =	strace s18  }
0x93: {  	s2 =	sld [smem:$0x3FFC];
	_ =	sdelay $0x3  }
0x94: {  	_ =	strace s2  }
0x95: {  	s2 =	sld [smem:$0x3FFD];
	_ =	sdelay $0x3  }
0x96: {  	_ =	strace s2  }
0x97: {  	_ =	strace $0x8FFFFFFF  }
0x98: {  	s19 =	sld [smem:$0x3FDB];
	_ =	sdelay $0x1  }
0x99: {  	s20 =	simm.s32 $_scs_section_size  }
0x9a: {  	s4 =	simm.s32 $_size__tile_overlayer_lowered;
	s5 =	simm.s32 $_tile_overlayer_lowered  }
0x9b: {  	s6 =	simm.s32 $0x1BFF;
	s21 =	sshll.u32 s5, $0x1;
	s3 =	sadd.s32 s20, s19  }
0x9c: {  	s22 =	simm.s32 $0x0;
	s4 =	sshll.u32 s4, $0x1;
	s5 =	sadd.s32 s21, s3  }
0x9d: {  	[timem:s22], [sflag:s6] =	dma.local [hbm:s5], s4  }
0x9e: {  	_ =	swait.ge [sflag:s6], s4  }
0x9f: {  	s4 =	ssub.s32 $0x0, s4;
	[sflag:s6] =	ssyncset.done $0x0  }
0xa0: {  	[sflag:s6] =	ssyncadd.s32 s4;
	_ =	sdelay $0x1  }
0xa1: {  	s23 =	simm.s32 $0x1B8B  }
0xa2: {  	_ =	swait.ge [sflag:s23], $0x1  }
0xa3: {  	[sflag:s23] =	ssyncset.done $0x0  }
0xa4: {  	[sflag:s23] =	ssyncadd.s32 $0xFFFFFFFF  }
0xa5: {  	s4 =	sld [smem:$0x0]  }
0xa6: {  	s5 =	sand.u32 $0xFFFFFFFE, s1  }
0xa7: {  	p0 =	sne.s32 s1, s5  }
0xa8: {  	s5 =	sshll.u32 @p0 s5, $0xE  }
0xa9: {  	s5 =	sadd.s32 @p0 $0x11B8D, s5;
	s6 =	sshll.u32 @p0 s4, $0x11  }
0xaa: {  	s5 =	sor.u32 @p0 s6, s5  }
0xab: {  	[sflag:s5] =	ssyncadd.remote.s32 @p0 $0x1;
	_ =	sdelay $0x1  }
0xac: {  	s5 =	simm.s32 @p0 $0x1B8D  }
0xad: {  	_ =	swait.eq @p0 [sflag:s5], $0x1  }
0xae: {  	[sflag:s5] =	ssyncadd.s32 @p0 $0xFFFFFFFF  }
0xaf: {  	s6 =	sshll.u32 @!p0 s1, $0xE  }
0xb0: {  	s6 =	sor.u32 @!p0 $0x4000, s6;
	s5 =	simm.s32 @!p0 $0x1B8D  }
0xb1: {  	s4 =	sshll.u32 @!p0 s4, $0x11;
	s6 =	sadd.s32 @!p0 $0x11B8D, s6;
	_ =	swait.eq @!p0 [sflag:s5], $0x1  }
0xb2: {  	s4 =	sor.u32 @!p0 s4, s6;
	[sflag:s5] =	ssyncadd.s32 @!p0 $0xFFFFFFFF  }
0xb3: {  	s25 =	simm.s32 $0x1B8E;
	s24 =	sld [smem:$0x3FFE];
	[sflag:s4] =	ssyncadd.remote.s32 @!p0 $0x1  }
0xb4: {  	s26 =	simm.s32 $execute0_lowered;
	[smem:$0x3FD2] =	sst s25  }
0xb5: {  	s5 =	sshll.u32 s26, $0x1;
	_ =	strace $0x80000052;
	[dreg:$0x1] =	wrdreg $0xFFFFFFFF  }
0xb6: {  	s28 =	simm.s32 $_size_execute0_lowered;
	s3 =	sadd.s32 s3, s5;
	[dreg:$0x0] =	wrdreg $0x0  }
0xb7: {  	s5 =	sshll.u32 s28, $0x1;
	[dreg:$0x2] =	wrdreg s3  }
0xb8: {  	[dreg:$0x3] =	wrdreg s5  }
0xb9: {  	[dreg:$0x4] =	wrdreg $0xC0  }
0xba: {  	_ =	task [dreg:s22], $0x5FFFF  }
0xbb: {  	[dreg:$0x1] =	wrdreg $0xFFFFFFFF  }
0xbc: {  	[dreg:$0x0] =	wrdreg $0x60  }
0xbd: {  	[dreg:$0x2] =	wrdreg s24  }
0xbe: {  	[dreg:$0x3] =	wrdreg $0x6D600  }
0xbf: {  	[dreg:$0x4] =	wrdreg $0x9  }
0xc0: {  	_ =	task.clear_ibuf [dreg:s22], $0x5FFFF;
	_ =	strace $0x90000052  }
0xc1: {  	s29 =	simm.s32 $0x9;
	_ =	strace $0x80000054  }
0xc2: {  	_ =	swait.ge [sflag:s29], $0x1  }
0xc3: {  	[sflag:s29] =	ssyncadd.s32 $0xFFFFFFFF  }
0xc4: {  	_ =	strace $0x90000054  }
0xc5: {  	_ =	sfence  }
0xc6: {  	s30 =	sld [smem:$0x0];
	_ =	sdelay $0x2  }
0xc7: {  	s31 =	sshll.u32 s1, $0xD;
	s1 =	sshrl.u32 s1, $0x2  }
0xc8: {  	s4 =	sand.u32 $0x4000, s31;
	s1 =	sadd.s32 s1, s30  }
0xc9: {  	s0 =	sor.u32 s4, s0;
	s1 =	sshll.u32 s1, $0x11  }
0xca: {  	s0 =	sor.u32 s1, s0  }
0xcb: {  	s0 =	sadd.s32 $0x8F2B, s0  }
0xcc: {  	[sflag:s0] =	ssyncadd.remote.s32 $0x1  }
0xcd: {  	_ =	sfence.sel $0xFFFF  }
0xce: {  	[dreg:$0x0] =	wrdreg $0xFFFFFFFF;
	(pc) =	sbr.abs _section_cstart, $3  }
0xcf: {  	[dreg:$0x1] =	wrdreg $0xFFFFFFFF  }
0xd0: {  	_ =	task.clear_ibuf [dreg:s22], $0x2FFFF;
	_ =	strace $0x9FFFFFFF  }
0xd1: {  	(tm) =	ssettm $0x7FFFFFFF  }
tec
execute0_lowered:
.L_overlay_start_1:
0x0: {  	(tag) =	ssettag $0x1  }
0x1: {  	s6 =	rddreg [dreg:$0x0]  }
0x2: {  	s1 =	rddreg [dreg:$0x1]  }
0x3: {  	s0 =	rddreg [dreg:$0x2];
	s3 =	simm.s32 $0x0;
	s2 =	stileid.u32  }
0x4: {  	s5 =	srdreg.scid;
	s15 =	simm.s32 $0x2;
	s16 =	simm.s32 $0x3E8  }
0x5: {  	s17 =	simm.s32 $0x7D0;
	s18 =	simm.s32 $0x1;
	s21 =	simm.s32 $0x0  }
0x6: {  	[smem:$0x7FF] =	sst s3;
	s4 =	sadd.s32 $0x639E00, s6;
	s7 =	smul.u32 $0xC350, s2  }
0x7: {  	s8 =	sand.u32 $0x1, s5;
	s11 =	sadd.s32 $0x621600, s6;
	s9 =	smul.u32 $0x186A, s2  }
0x8: {  	s12 =	smul.u32 $0x30D40, s2;
	s19 =	sshll.u32 s2, $0x6;
	_ =	strace $0x80000053  }
0x9: {  	p0 =	seq.s32 s8, $0x1;
	s8 =	ssub.s32 $0x2, s8;
	s19 =	sor.u32 $0x1C02, s19  }
0xa: {  	s10 =	sadd.s32 $0xC3500, s7;
	s5 =	sadd.s32 s7, s1;
	s13 =	sadd.s32 s9, s6  }
0xb: {  	s28 =	sshrl.u32 s8, $0x1;
	s29 =	sshrl.u32 s12, $0x2;
	s4 =	smov.u32 @p0 s11  }
0xc: {  	s7 =	smov.u32 @p0 s10;
	s14 =	ssub.s32 s8, s28;
	s31 =	sadd.s32 s29, s1  }
0xd: {  	s12 =	sadd.s32 $0x1EA00, s13;
	s13 =	sadd.s32 $0x6200, s13;
	s20 =	sshrl.u32 s5, $0x3  }
0xe: {  	s7 =	sshrl.u32 s7, $0x3;
	s8 =	sadd.s32 $0x7530, s31;
	s9 =	sadd.s32 $0x9C40, s31  }
0xf: {  	s10 =	smax.u32 s14, $0x1;
	s14 =	simm.s32 $0x4650;
	s30 =	sadd.s32 s7, s6  }
0x10: {  	v0 =	vimm.f32 $0.0e+00;
	s6 =	sadd.s32 $0x2710, s31;
	s7 =	sadd.s32 $0x4E20, s31;
	s11 =	sadd.s32 $0x652600, s30  }
.LBB2_1:
0x11: {  	s22 =	simm.s32 $0x40;
	s23 =	simm.s32 $0x0  }
.LBB2_2:
0x12: {  	p0 =	sne.s32 s22, $0x9C00;
	[tilespmem:s23+$0x4650] =	vst v0;
	s23 =	smov.u32 s22;
	s22 =	sadd.s32 $0x40, s22  }
.Ltmp0:
0x13: {  	(pc) =	sbr.rel @p0 .LBB2_2-.Ltmp0, $2  }
0x14: {  	_ =	sdelay $0x2  }
0x15: {  	s23 =	sshra.s32 s23, $0x2  }
0x16: {  	[tilespmem:s23+$0x4650] =	vst v0  }
0x17: {  	[spmem:s5] =	stream.linear.scatter [tilespmem:s14], [sflag:$0x2], $0x2710, $0x38;
	[tilespmem:$0x130B0] =	vst v63  }
0x18: {  	_ =	swait.ge [sflag:s15], $0x2710  }
0x19: {  	[sflag:s15] =	ssyncset.done $0x0  }
0x1a: {  	[sflag:s15] =	ssyncadd.s32 $0xFFFFD8F0  }
0x1b: {  	[spmem:s6] =	stream.linear.scatter [tilespmem:s14], [sflag:$0x2], $0x2710, $0x38;
	[tilespmem:$0x130B0] =	vst v63  }
0x1c: {  	_ =	swait.ge [sflag:s15], $0x2710  }
0x1d: {  	[sflag:s15] =	ssyncset.done $0x0  }
0x1e: {  	[sflag:s15] =	ssyncadd.s32 $0xFFFFD8F0  }
0x1f: {  	[spmem:s7] =	stream.linear.scatter [tilespmem:s14], [sflag:$0x2], $0x2710, $0x38;
	[tilespmem:$0x130B0] =	vst v63  }
0x20: {  	_ =	swait.ge [sflag:s15], $0x2710  }
0x21: {  	[sflag:s15] =	ssyncset.done $0x0  }
0x22: {  	[sflag:s15] =	ssyncadd.s32 $0xFFFFD8F0  }
0x23: {  	[spmem:s8] =	stream.linear.scatter [tilespmem:s14], [sflag:$0x2], $0x2710, $0x38;
	[tilespmem:$0x130B0] =	vst v63  }
0x24: {  	_ =	swait.ge [sflag:s15], $0x2710  }
0x25: {  	[sflag:s15] =	ssyncset.done $0x0  }
0x26: {  	[sflag:s15] =	ssyncadd.s32 $0xFFFFD8F0  }
0x27: {  	[spmem:s9] =	stream.linear.scatter [tilespmem:s14], [sflag:$0x2], $0x2710, $0x38;
	[tilespmem:$0x130B0] =	vst v63  }
0x28: {  	_ =	swait.ge [sflag:s15], $0x2710  }
0x29: {  	[sflag:s15] =	ssyncset.done $0x0  }
0x2a: {  	[sflag:s15] =	ssyncadd.s32 $0xFFFFD8F0  }
0x2b: {  	s22 =	sadd.s32 $0x0, s13;
	[bflag:$0x0] =	sbarrier.arrive $0xFFFF  }
0x2c: {  	[tilespmem:s3], [sflag:$0x2] =	stream.linear.gather [hbm4b:s22+s3], $0x3E8, $0x38;
	[tilespmem:$0x130B0] =	vst v63  }
0x2d: {  	_ =	swait.ge [sflag:s15], $0x3E8  }
0x2e: {  	[sflag:s15] =	ssyncset.done $0x0  }
0x2f: {  	s31 =	sadd.s32 $0x0, s12;
	[sflag:s15] =	ssyncadd.s32 $0xFFFFFC18  }
0x30: {  	[tilespmem:s16], [sflag:$0x2] =	stream.linear.gather [hbm4b:s31+s3], $0x3E8, $0x38;
	[tilespmem:$0x130B0] =	vst v63  }
0x31: {  	_ =	swait.ge [sflag:s15], $0x3E8  }
0x32: {  	[sflag:s15] =	ssyncset.done $0x0  }
0x33: {  	[sflag:s15] =	ssyncadd.s32 $0xFFFFFC18  }
0x34: {  	[tilespmem:s17], [sflag:$0x1] =	stream.indirect.gather [hbm4b:s4+s16], $0x10, s3, s16, $0xb8;
	[tilespmem:$0x130B0] =	vst v63  }
0x35: {  	_ =	swait.ge [sflag:s18], $0x3E80  }
0x36: {  	[sflag:s18] =	ssyncset.done $0x0  }
0x37: {  	[sflag:s18] =	ssyncadd.s32 $0xFFFFC180  }
0x38: {  	[spmem:s1] =	stream.indirect.scatter.add.f32 [tilespmem:s17], [sflag:$0x2], $0x10, s16, s16, $0xb8;
	[tilespmem:$0x130B0] =	vst v63  }
0x39: {  	_ =	swait.ge [sflag:s15], $0x3E80  }
0x3a: {  	s23 =	simm.s32 $0xFA;
	s22 =	simm.s32 $0x7D;
	[sflag:s15] =	ssyncset.done $0x0  }
.LBB2_4:
0x3b: {  	s24 =	sadd.s32 s22, s13  }
0x3c: {  	[sflag:s15] =	ssyncadd.s32 $0xFFFFC180;
	s25 =	smov.u32 s23;
	s26 =	sadd.s32 $0x7D, s23  }
0x3d: {  	[tilespmem:s3], [sflag:$0x2] =	stream.linear.gather [hbm4b:s24+s3], $0x3E8, $0x38;
	[tilespmem:$0x130B0] =	vst v63  }
0x3e: {  	p0 =	sne.s32 s23, $0x17ED;
	_ =	swait.ge [sflag:s15], $0x3E8  }
0x3f: {  	[sflag:s15] =	ssyncset.done $0x0  }
0x40: {  	s23 =	sadd.s32 s22, s12;
	s22 =	smov.u32 s25;
	[sflag:s15] =	ssyncadd.s32 $0xFFFFFC18  }
0x41: {  	[tilespmem:s16], [sflag:$0x2] =	stream.linear.gather [hbm4b:s23+s3], $0x3E8, $0x38;
	[tilespmem:$0x130B0] =	vst v63  }
0x42: {  	_ =	swait.ge [sflag:s15], $0x3E8  }
0x43: {  	[sflag:s15] =	ssyncset.done $0x0  }
0x44: {  	[sflag:s15] =	ssyncadd.s32 $0xFFFFFC18  }
0x45: {  	[tilespmem:s17], [sflag:$0x1] =	stream.indirect.gather [hbm4b:s4+s16], $0x10, s3, s16, $0xb8;
	[tilespmem:$0x130B0] =	vst v63  }
0x46: {  	_ =	swait.ge [sflag:s18], $0x3E80  }
.Ltmp1:
0x47: {  	[sflag:s18] =	ssyncset.done $0x0;
	(pc) =	sbr.rel @p0 .LBB2_4-.Ltmp1, $4  }
0x48: {  	[sflag:s18] =	ssyncadd.s32 $0xFFFFC180  }
0x49: {  	[spmem:s1] =	stream.indirect.scatter.add.f32 [tilespmem:s17], [sflag:$0x2], $0x10, s16, s16, $0xb8;
	[tilespmem:$0x130B0] =	vst v63  }
0x4a: {  	_ =	swait.ge [sflag:s15], $0x3E80  }
0x4b: {  	s23 =	smov.u32 s26;
	[sflag:s15] =	ssyncset.done $0x0  }
0x4c: {  	s23 =	sadd.s32 s22, s13;
	[sflag:s15] =	ssyncadd.s32 $0xFFFFC180  }
0x4d: {  	[tilespmem:s3], [sflag:$0x2] =	stream.linear.gather [hbm4b:s23+s3], $0x3E8, $0x38;
	[tilespmem:$0x130B0] =	vst v63  }
0x4e: {  	_ =	swait.ge [sflag:s15], $0x3E8  }
0x4f: {  	[sflag:s15] =	ssyncset.done $0x0  }
0x50: {  	s31 =	sadd.s32 s22, s12;
	[sflag:s15] =	ssyncadd.s32 $0xFFFFFC18  }
0x51: {  	[tilespmem:s16], [sflag:$0x2] =	stream.linear.gather [hbm4b:s31+s3], $0x3E8, $0x38;
	[tilespmem:$0x130B0] =	vst v63  }
0x52: {  	_ =	swait.ge [sflag:s15], $0x3E8  }
0x53: {  	[sflag:s15] =	ssyncset.done $0x0  }
0x54: {  	[sflag:s15] =	ssyncadd.s32 $0xFFFFFC18  }
0x55: {  	[tilespmem:s17], [sflag:$0x1] =	stream.indirect.gather [hbm4b:s4+s16], $0x10, s3, s16, $0xb8;
	[tilespmem:$0x130B0] =	vst v63  }
0x56: {  	_ =	swait.ge [sflag:s18], $0x3E80  }
0x57: {  	[sflag:s18] =	ssyncset.done $0x0  }
0x58: {  	[sflag:s18] =	ssyncadd.s32 $0xFFFFC180  }
0x59: {  	[spmem:s1] =	stream.indirect.scatter.add.f32 [tilespmem:s17], [sflag:$0x2], $0x10, s16, s16, $0xb8;
	[tilespmem:$0x130B0] =	vst v63  }
0x5a: {  	_ =	swait.ge [sflag:s15], $0x3E80  }
0x5b: {  	s21 =	sadd.s32 $0x1, s21;
	[sflag:s15] =	ssyncset.done $0x0  }
0x5c: {  	p0 =	sne.s32 s21, s10;
	[sflag:s15] =	ssyncadd.s32 $0xFFFFC180  }
.Ltmp2:
0x5d: {  	[bflag:$0x0] =	sbarrier.arrive $0xFFFF;
	(pc) =	sbr.rel @p0 .LBB2_1-.Ltmp2, $4  }
0x5e: {  	[hbm:s11], [sflag:s19] =	dma.local [spmem:s20], $0x186A  }
0x5f: {  	_ =	swait.ge [sflag:s15], $0x186A  }
0x60: {  	[sflag:s15] =	ssyncset.done $0x0  }
0x61: {  	[sflag:s15] =	ssyncadd.s32 $0xFFFFE796  }
0x62: {  	_ =	sfence.sel $0x180000  }
0x63: {  	[bflag:$0x0] =	sbarrier.arrive $0xFFFF  }
0x64: {  	p0 =	sne.s32 s2, $0x0;
	_ =	strace $0x90000053  }
0x65: {  	s0 =	sadd.s32 @!p0 $0x100000, s0;
	[bflag:$0x2] =	sbarrier.arrive $0xFFFF  }
0x66: {  	[sflag:s0] =	ssyncadd.tile.s32 @!p0 $0x1;
	_ =	shalt  }
.Lfunc_end2:
_tile_overlayer_lowered:
.L_overlay_start_2:
0x67: {  	(tag) =	ssettag $0x2  }
0x68: {  	s0 =	rddreg [dreg:$0x0];
	s2 =	stileid.u32  }
0x69: {  	s1 =	rddreg [dreg:$0x1];
	p0 =	sne.s32 s2, $0x0  }
0x6a: {  	s3 =	rddreg [dreg:$0x2];
	[bflag:$0x3] =	sbarrier.arrive $0xFFFF;
	s2 =	simm.s32 @!p0 $0x1C02  }
0x6b: {  	[timem:s3], [sflag:s2] =	dma.local @!p0 [hbm:s0], s1  }
0x6c: {  	s0 =	simm.s32 @!p0 $0x2  }
0x6d: {  	_ =	swait.ge @!p0 [sflag:s0], s1  }
0x6e: {  	s1 =	ssub.s32 @!p0 $0x0, s1;
	[sflag:s0] =	ssyncset.done @!p0 $0x0  }
0x6f: {  	[sflag:s0] =	ssyncadd.s32 @!p0 s1  }
0x70: {  	[bflag:$0x3] =	sbarrier.arrive $0xFFFF  }
0x71: {  	_ =	shalt  }

// kernel: kernel.24.cloned.1.call-start
scs
__scs_entry_jumppad:
0x0: {  	(pc) =	sbr.rel $0x88, $3  }
0x1: {  	(tag) =	ssettag $0x0;
	lr =	simm.s32 $0x1  }
0x2: {  	[smem:$0x3F98] =	sst lr;
	_ =	strace $0xD0000000  }
0x3: {  	_ = 	snop  }
0x4: {  	_ = 	snop  }
0x5: {  	_ = 	snop  }
0x6: {  	_ = 	snop  }
0x7: {  	_ = 	snop  }
__scs_overlays_trampoline_lowered:
0x8: {  	[smem:$0x3FA7] =	sst s0  }
0x9: {  	[smem:$0x3FA8] =	sst s1  }
0xa: {  	[smem:$0x3FA9] =	sst s2  }
0xb: {  	[smem:$0x3FAA] =	sst s3  }
0xc: {  	[smem:$0x3FAB] =	sst s4  }
0xd: {  	[smem:$0x3FAC] =	sst s5  }
0xe: {  	[smem:$0x3FAD] =	sst s6  }
0xf: {  	[smem:$0x3FAE] =	sst s7  }
0x10: {  	[smem:$0x3FAF] =	sst s8  }
0x11: {  	[smem:$0x3FB0] =	sst s9;
	s0 =	simm.s32 @!p0 $0x0  }
0x12: {  	s1 =	sld [smem:$0x3F96];
	s0 =	simm.s32 @p0 $0x1  }
0x13: {  	[smem:$0x3FB1] =	sst s0;
	s0 =	simm.s32 @!p1 $0x0  }
0x14: {  	s2 =	sld [smem:$0x3F95];
	s0 =	simm.s32 @p1 $0x1  }
0x15: {  	[smem:$0x3FB2] =	sst s0;
	s0 =	simm.s32 @!p2 $0x0  }
0x16: {  	s3 =	sld [smem:$0x3FDB];
	s0 =	simm.s32 @p2 $0x1  }
0x17: {  	s4 =	simm.s32 $0x1BF5;
	[smem:$0x3FB4] =	sst s0  }
0x18: {  	s0 =	sld [smem:$0x3F97];
	_ =	swait.ge [sflag:s4], $0x0  }
0x19: {  	s7 =	sld [smem:$0x3F98]  }
0x1a: {  	s8 =	sadd.s32 $0xFFFFE003, lr  }
0x1b: {  	s9 =	sadd.s32 $0xFFFFFEF7, lr;
	s5 =	simm.s32 $0xFFFFFFFF;
	p2 =	slt.u32 s8, $0xFFFFF086  }
0x1c: {  	p1 =	slt.u32 s9, $0xF7A;
	s5 =	simm.s32 @!p2 $0x0  }
0x1d: {  	s5 =	simm.s32 @p1 $0x1;
	p0 =	seq.s32 s7, s2  }
0x1e: {  	s7 =	smul.u32 @!p0 $0xF7A, s2;
	p2 =	seq.s32 @!p0 s5, $0x0  }
0x1f: {  	s9 =	smul.u32 $0xF7A, s1;
	s8 =	simm.s32 @!p0 $0x1BF5;
	p2 =	por !p2, p0  }
0x20: {  	[sflag:s8] =	ssyncset.s32 @!p0 $0xFFFFF086;
	s6 =	sadd.s32 @!p0 s3, s7;
	s7 =	simm.s32 @!p0 $0x108  }
0x21: {  	s3 =	sadd.s32 s3, s9;
	s6 =	sadd.s32 @!p0 $0x88, s6;
	s7 =	simm.s32 @p2 $0x1082  }
0x22: {  	[simem:s7], [sflag:s8] =	dma.local @!p0 [hbm:s6], $0xF7A  }
0x23: {  	s9 =	sor.u32 $0xD0000000, s2;
	s6 =	simm.s32 $0x108;
	_ =	swait.ge @!p0 [sflag:s8], $0x0  }
0x24: {  	s3 =	sadd.s32 $0x88, s3;
	s6 =	simm.s32 @!p1 $0x1082;
	[sflag:s4] =	ssyncset.s32 $0xFFFFF086  }
0x25: {  	[simem:s6], [sflag:s4] =	dma.local [hbm:s3], $0xF7A  }
0x26: {  	[smem:$0x3F98] =	sst s1;
	(tag) =	ssettag s2;
	_ =	strace s9  }
0x27: {  	s1 =	sld [smem:$0x3FA8]  }
0x28: {  	s2 =	sld [smem:$0x3FA9]  }
0x29: {  	s4 =	sld [smem:$0x3FAB]  }
0x2a: {  	p0 =	seq.s32 s5, $0x0;
	s5 =	sld [smem:$0x3FAC]  }
0x2b: {  	s6 =	sld [smem:$0x3FAD]  }
0x2c: {  	s7 =	sld [smem:$0x3FAE]  }
0x2d: {  	s3 =	simm.s32 $0x108;
	s8 =	sld [smem:$0x3FAF]  }
0x2e: {  	s3 =	simm.s32 @!p0 $0x1082;
	s9 =	sld [smem:$0x3FB0]  }
0x2f: {  	lr =	sadd.s32 s0, s3;
	s0 =	sld [smem:$0x3FA7]  }
0x30: {  	s3 =	sld [smem:$0x3FAA]  }
0x31: {  	[smem:$0x3FB3] =	sst s10  }
0x32: {  	s10 =	sld [smem:$0x3FB1];
	_ =	sdelay $0x3  }
0x33: {  	p0 =	seq.s32 s10, $0x1;
	s10 =	sld [smem:$0x3FB3];
	_ =	sdelay $0x3  }
0x34: {  	[smem:$0x3FB3] =	sst s10  }
0x35: {  	s10 =	sld [smem:$0x3FB2];
	_ =	sdelay $0x3  }
0x36: {  	p1 =	seq.s32 s10, $0x1;
	s10 =	sld [smem:$0x3FB3];
	_ =	sdelay $0x3  }
0x37: {  	[smem:$0x3FB3] =	sst s10  }
0x38: {  	s10 =	sld [smem:$0x3FB4]  }
0x39: {  	_ = 	snop;
	(pc) =	sbr.ind lr, $3  }
0x3a: {  	_ = 	snop  }
0x3b: {  	_ = 	snop  }
0x3c: {  	p2 =	seq.s32 s10, $0x1;
	s10 =	sld [smem:$0x3FB3]  }
0x3d: {  	_ =	shalt  }
0x3e: {  	_ =	shalt  }
0x3f: {  	_ =	shalt  }
0x40: {  	_ =	shalt  }
0x41: {  	_ =	shalt  }
0x42: {  	_ =	shalt  }
0x43: {  	_ =	shalt  }
0x44: {  	_ =	shalt  }
0x45: {  	_ =	shalt  }
0x46: {  	_ =	shalt  }
0x47: {  	_ =	shalt  }
0x48: {  	_ =	shalt  }
0x49: {  	_ =	shalt  }
0x4a: {  	_ =	shalt  }
0x4b: {  	_ =	shalt  }
0x4c: {  	_ =	shalt  }
0x4d: {  	_ =	shalt  }
0x4e: {  	_ =	shalt  }
0x4f: {  	_ =	shalt  }
0x50: {  	_ =	shalt  }
0x51: {  	_ =	shalt  }
0x52: {  	_ =	shalt  }
0x53: {  	_ =	shalt  }
0x54: {  	_ =	shalt  }
0x55: {  	_ =	shalt  }
0x56: {  	_ =	shalt  }
0x57: {  	_ =	shalt  }
0x58: {  	_ =	shalt  }
0x59: {  	_ =	shalt  }
0x5a: {  	_ =	shalt  }
0x5b: {  	_ =	shalt  }
0x5c: {  	_ =	shalt  }
0x5d: {  	_ =	shalt  }
0x5e: {  	_ =	shalt  }
0x5f: {  	_ =	shalt  }
0x60: {  	_ =	shalt  }
0x61: {  	_ =	shalt  }
0x62: {  	_ =	shalt  }
0x63: {  	_ =	shalt  }
0x64: {  	_ =	shalt  }
0x65: {  	_ =	shalt  }
0x66: {  	_ =	shalt  }
0x67: {  	_ =	shalt  }
0x68: {  	_ =	shalt  }
0x69: {  	_ =	shalt  }
0x6a: {  	_ =	shalt  }
0x6b: {  	_ =	shalt  }
0x6c: {  	_ =	shalt  }
0x6d: {  	_ =	shalt  }
0x6e: {  	_ =	shalt  }
0x6f: {  	_ =	shalt  }
0x70: {  	_ =	shalt  }
0x71: {  	_ =	shalt  }
0x72: {  	_ =	shalt  }
0x73: {  	_ =	shalt  }
0x74: {  	_ =	shalt  }
0x75: {  	_ =	shalt  }
0x76: {  	_ =	shalt  }
0x77: {  	_ =	shalt  }
0x78: {  	_ =	shalt  }
0x79: {  	_ =	shalt  }
0x7a: {  	_ =	shalt  }
0x7b: {  	_ =	shalt  }
0x7c: {  	_ =	shalt  }
0x7d: {  	_ =	shalt  }
0x7e: {  	_ =	shalt  }
0x7f: {  	_ =	shalt  }
0x80: {  	_ =	shalt  }
0x81: {  	_ =	shalt  }
0x82: {  	_ =	shalt  }
0x83: {  	_ =	shalt  }
0x84: {  	_ =	shalt  }
0x85: {  	_ =	shalt  }
0x86: {  	_ =	shalt  }
0x87: {  	_ =	shalt  }
.Lfunc_end0:
.L_simem_size_0:
called_computation.4_lowered:
.L_overlay_start_0:
0x88: {  	s2 =	sld [smem:$0x3FD9]  }
0x89: {  	s3 =	sld [smem:$0x3FFE];
	_ =	sdelay $0x1  }
0x8a: {  	s1 =	srdreg.scid  }
0x8b: {  	s0 =	sand.u32 $0x1, s1  }
0x8c: {  	s16 =	sshll.u32 s0, $0xA;
	s2 =	sadd.s32 s3, s2  }
0x8d: {  	s2 =	sadd.s32 s2, s16  }
0x8e: {  	[smem:$0x3FBF] =	sst s2  }
0x8f: {  	_ = 	snop  }
0x90: {  	(tm) =	ssettm $0x1  }
0x91: {  	s17 =	sld [smem:$0x3FFB];
	_ =	sdelay $0x3  }
0x92: {  	_ =	strace s17  }
0x93: {  	s2 =	sld [smem:$0x3FFC];
	_ =	sdelay $0x3  }
0x94: {  	_ =	strace s2  }
0x95: {  	s2 =	sld [smem:$0x3FFD];
	_ =	sdelay $0x3  }
0x96: {  	_ =	strace s2  }
0x97: {  	_ =	strace $0x8FFFFFFF  }
0x98: {  	s18 =	sld [smem:$0x3FDB];
	_ =	sdelay $0x1  }
0x99: {  	s19 =	simm.s32 $_scs_section_size  }
0x9a: {  	s4 =	simm.s32 $_size__tile_overlayer_lowered;
	s5 =	simm.s32 $_tile_overlayer_lowered  }
0x9b: {  	s22 =	simm.s32 $0x1BFF;
	s21 =	sshll.u32 s5, $0x1;
	s2 =	sadd.s32 s19, s18  }
0x9c: {  	s6 =	simm.s32 $0x0;
	s20 =	sshll.u32 s4, $0x1;
	s4 =	sadd.s32 s21, s2  }
0x9d: {  	[timem:s6], [sflag:s22] =	dma.local [hbm:s4], s20  }
0x9e: {  	_ =	swait.ge [sflag:s22], s20  }
0x9f: {  	s3 =	ssub.s32 $0x0, s20;
	[sflag:s22] =	ssyncset.done $0x0  }
0xa0: {  	[sflag:s22] =	ssyncadd.s32 s3;
	_ =	sdelay $0x1  }
0xa1: {  	s23 =	simm.s32 $0x1B8B  }
0xa2: {  	_ =	swait.ge [sflag:s23], $0x1  }
0xa3: {  	[sflag:s23] =	ssyncset.done $0x0  }
0xa4: {  	s25 =	simm.s32 $0x1B8E;
	s24 =	sld [smem:$0x3FFE];
	[sflag:s23] =	ssyncadd.s32 $0xFFFFFFFF  }
0xa5: {  	s26 =	simm.s32 $execute0_lowered;
	[smem:$0x3FD2] =	sst s25  }
0xa6: {  	s4 =	sshll.u32 s26, $0x1;
	_ =	strace $0x8000004F;
	[dreg:$0x1] =	wrdreg $0xFFFFFFFF  }
0xa7: {  	s28 =	simm.s32 $_size_execute0_lowered;
	s2 =	sadd.s32 s2, s4;
	[dreg:$0x0] =	wrdreg $0x0  }
0xa8: {  	s4 =	sshll.u32 s28, $0x1;
	[dreg:$0x2] =	wrdreg s2  }
0xa9: {  	[dreg:$0x3] =	wrdreg s4  }
0xaa: {  	[dreg:$0x4] =	wrdreg $0xC0  }
0xab: {  	_ =	task [dreg:s6], $0x5FFFF  }
0xac: {  	[dreg:$0x1] =	wrdreg $0xFFFFFFFF  }
0xad: {  	[dreg:$0x0] =	wrdreg $0x60  }
0xae: {  	[dreg:$0x2] =	wrdreg s24  }
0xaf: {  	[dreg:$0x3] =	wrdreg $0x6D600  }
0xb0: {  	[dreg:$0x4] =	wrdreg $0xA  }
0xb1: {  	_ =	task.clear_ibuf [dreg:s6], $0x5FFFF;
	_ =	strace $0x9000004F  }
0xb2: {  	s29 =	simm.s32 $0xA;
	_ =	strace $0x80000051  }
0xb3: {  	_ =	swait.ge [sflag:s29], $0x1  }
0xb4: {  	[sflag:s29] =	ssyncadd.s32 $0xFFFFFFFF  }
0xb5: {  	_ =	strace $0x90000051  }
0xb6: {  	_ =	sfence  }
0xb7: {  	s30 =	sld [smem:$0x0];
	_ =	sdelay $0x2  }
0xb8: {  	s31 =	sshll.u32 s1, $0xD;
	s1 =	sshrl.u32 s1, $0x2  }
0xb9: {  	s3 =	sand.u32 $0x4000, s31;
	s1 =	sadd.s32 s1, s30  }
0xba: {  	s0 =	sor.u32 s3, s0;
	s1 =	sshll.u32 s1, $0x11  }
0xbb: {  	s0 =	sor.u32 s1, s0  }
0xbc: {  	s0 =	sadd.s32 $0x8F2B, s0  }
0xbd: {  	[sflag:s0] =	ssyncadd.remote.s32 $0x1  }
0xbe: {  	_ =	sfence.sel $0xFFFF  }
0xbf: {  	[dreg:$0x0] =	wrdreg $0xFFFFFFFF;
	(pc) =	sbr.abs _section_cstart, $3  }
0xc0: {  	[dreg:$0x1] =	wrdreg $0xFFFFFFFF  }
0xc1: {  	_ =	task.clear_ibuf [dreg:s6], $0x2FFFF;
	_ =	strace $0x9FFFFFFF  }
0xc2: {  	(tm) =	ssettm $0x7FFFFFFF  }
0xc3: {  	_ =	shalt  }
tec
execute0_lowered:
.L_overlay_start_1:
0x0: {  	(tag) =	ssettag $0x1  }
0x1: {  	s6 =	rddreg [dreg:$0x0]  }
0x2: {  	s1 =	rddreg [dreg:$0x1]  }
0x3: {  	s0 =	rddreg [dreg:$0x2];
	s3 =	simm.s32 $0x0;
	s2 =	stileid.u32  }
0x4: {  	s5 =	srdreg.scid;
	s15 =	simm.s32 $0x2;
	s16 =	simm.s32 $0x3E8  }
0x5: {  	s17 =	simm.s32 $0x7D0;
	s18 =	simm.s32 $0x1;
	s21 =	simm.s32 $0x0  }
0x6: {  	[smem:$0x7FF] =	sst s3;
	s4 =	sadd.s32 $0x5D8000, s6;
	s7 =	smul.u32 $0xC350, s2  }
0x7: {  	s8 =	sand.u32 $0x1, s5;
	s11 =	sadd.s32 $0x5BF800, s6;
	s9 =	smul.u32 $0x186A, s2  }
0x8: {  	s12 =	smul.u32 $0x30D40, s2;
	s19 =	sshll.u32 s2, $0x6;
	_ =	strace $0x80000050  }
0x9: {  	p0 =	seq.s32 s8, $0x1;
	s8 =	ssub.s32 $0x2, s8;
	s19 =	sor.u32 $0x1C02, s19  }
0xa: {  	s10 =	sadd.s32 $0xC3500, s7;
	s5 =	sadd.s32 s7, s1;
	s13 =	sadd.s32 s9, s6  }
0xb: {  	s28 =	sshrl.u32 s8, $0x1;
	s29 =	sshrl.u32 s12, $0x2;
	s4 =	smov.u32 @p0 s11  }
0xc: {  	s7 =	smov.u32 @p0 s10;
	s14 =	ssub.s32 s8, s28;
	s31 =	sadd.s32 s29, s1  }
0xd: {  	s12 =	sadd.s32 $0x1EA00, s13;
	s13 =	sadd.s32 $0x6200, s13;
	s20 =	sshrl.u32 s5, $0x3  }
0xe: {  	s7 =	sshrl.u32 s7, $0x3;
	s8 =	sadd.s32 $0x7530, s31;
	s9 =	sadd.s32 $0x9C40, s31  }
0xf: {  	s10 =	smax.u32 s14, $0x1;
	s14 =	simm.s32 $0x4650;
	s30 =	sadd.s32 s7, s6  }
0x10: {  	v0 =	vimm.f32 $0.0e+00;
	s6 =	sadd.s32 $0x2710, s31;
	s7 =	sadd.s32 $0x4E20, s31;
	s11 =	sadd.s32 $0x5F0800, s30  }
.LBB2_1:
0x11: {  	s22 =	simm.s32 $0x40;
	s23 =	simm.s32 $0x0  }
.LBB2_2:
0x12: {  	p0 =	sne.s32 s22, $0x9C00;
	[tilespmem:s23+$0x4650] =	vst v0;
	s23 =	smov.u32 s22;
	s22 =	sadd.s32 $0x40, s22  }
.Ltmp0:
0x13: {  	(pc) =	sbr.rel @p0 .LBB2_2-.Ltmp0, $2  }
0x14: {  	_ =	sdelay $0x2  }
0x15: {  	s23 =	sshra.s32 s23, $0x2  }
0x16: {  	[tilespmem:s23+$0x4650] =	vst v0  }
0x17: {  	[spmem:s5] =	stream.linear.scatter [tilespmem:s14], [sflag:$0x2], $0x2710, $0x38;
	[tilespmem:$0x130B0] =	vst v63  }
0x18: {  	_ =	swait.ge [sflag:s15], $0x2710  }
0x19: {  	[sflag:s15] =	ssyncset.done $0x0  }
0x1a: {  	[sflag:s15] =	ssyncadd.s32 $0xFFFFD8F0  }
0x1b: {  	[spmem:s6] =	stream.linear.scatter [tilespmem:s14], [sflag:$0x2], $0x2710, $0x38;
	[tilespmem:$0x130B0] =	vst v63  }
0x1c: {  	_ =	swait.ge [sflag:s15], $0x2710  }
0x1d: {  	[sflag:s15] =	ssyncset.done $0x0  }
0x1e: {  	[sflag:s15] =	ssyncadd.s32 $0xFFFFD8F0  }
0x1f: {  	[spmem:s7] =	stream.linear.scatter [tilespmem:s14], [sflag:$0x2], $0x2710, $0x38;
	[tilespmem:$0x130B0] =	vst v63  }
0x20: {  	_ =	swait.ge [sflag:s15], $0x2710  }
0x21: {  	[sflag:s15] =	ssyncset.done $0x0  }
0x22: {  	[sflag:s15] =	ssyncadd.s32 $0xFFFFD8F0  }
0x23: {  	[spmem:s8] =	stream.linear.scatter [tilespmem:s14], [sflag:$0x2], $0x2710, $0x38;
	[tilespmem:$0x130B0] =	vst v63  }
0x24: {  	_ =	swait.ge [sflag:s15], $0x2710  }
0x25: {  	[sflag:s15] =	ssyncset.done $0x0  }
0x26: {  	[sflag:s15] =	ssyncadd.s32 $0xFFFFD8F0  }
0x27: {  	[spmem:s9] =	stream.linear.scatter [tilespmem:s14], [sflag:$0x2], $0x2710, $0x38;
	[tilespmem:$0x130B0] =	vst v63  }
0x28: {  	_ =	swait.ge [sflag:s15], $0x2710  }
0x29: {  	[sflag:s15] =	ssyncset.done $0x0  }
0x2a: {  	[sflag:s15] =	ssyncadd.s32 $0xFFFFD8F0  }
0x2b: {  	s22 =	sadd.s32 $0x0, s13;
	[bflag:$0x0] =	sbarrier.arrive $0xFFFF  }
0x2c: {  	[tilespmem:s3], [sflag:$0x2] =	stream.linear.gather [hbm4b:s22+s3], $0x3E8, $0x38;
	[tilespmem:$0x130B0] =	vst v63  }
0x2d: {  	_ =	swait.ge [sflag:s15], $0x3E8  }
0x2e: {  	[sflag:s15] =	ssyncset.done $0x0  }
0x2f: {  	s31 =	sadd.s32 $0x0, s12;
	[sflag:s15] =	ssyncadd.s32 $0xFFFFFC18  }
0x30: {  	[tilespmem:s16], [sflag:$0x2] =	stream.linear.gather [hbm4b:s31+s3], $0x3E8, $0x38;
	[tilespmem:$0x130B0] =	vst v63  }
0x31: {  	_ =	swait.ge [sflag:s15], $0x3E8  }
0x32: {  	[sflag:s15] =	ssyncset.done $0x0  }
0x33: {  	[sflag:s15] =	ssyncadd.s32 $0xFFFFFC18  }
0x34: {  	[tilespmem:s17], [sflag:$0x1] =	stream.indirect.gather [hbm4b:s4+s16], $0x10, s3, s16, $0xb8;
	[tilespmem:$0x130B0] =	vst v63  }
0x35: {  	_ =	swait.ge [sflag:s18], $0x3E80  }
0x36: {  	[sflag:s18] =	ssyncset.done $0x0  }
0x37: {  	[sflag:s18] =	ssyncadd.s32 $0xFFFFC180  }
0x38: {  	[spmem:s1] =	stream.indirect.scatter.add.f32 [tilespmem:s17], [sflag:$0x2], $0x10, s16, s16, $0xb8;
	[tilespmem:$0x130B0] =	vst v63  }
0x39: {  	_ =	swait.ge [sflag:s15], $0x3E80  }
0x3a: {  	s23 =	simm.s32 $0xFA;
	s22 =	simm.s32 $0x7D;
	[sflag:s15] =	ssyncset.done $0x0  }
.LBB2_4:
0x3b: {  	s24 =	sadd.s32 s22, s13  }
0x3c: {  	[sflag:s15] =	ssyncadd.s32 $0xFFFFC180;
	s25 =	smov.u32 s23;
	s26 =	sadd.s32 $0x7D, s23  }
0x3d: {  	[tilespmem:s3], [sflag:$0x2] =	stream.linear.gather [hbm4b:s24+s3], $0x3E8, $0x38;
	[tilespmem:$0x130B0] =	vst v63  }
0x3e: {  	p0 =	sne.s32 s23, $0x17ED;
	_ =	swait.ge [sflag:s15], $0x3E8  }
0x3f: {  	[sflag:s15] =	ssyncset.done $0x0  }
0x40: {  	s23 =	sadd.s32 s22, s12;
	s22 =	smov.u32 s25;
	[sflag:s15] =	ssyncadd.s32 $0xFFFFFC18  }
0x41: {  	[tilespmem:s16], [sflag:$0x2] =	stream.linear.gather [hbm4b:s23+s3], $0x3E8, $0x38;
	[tilespmem:$0x130B0] =	vst v63  }
0x42: {  	_ =	swait.ge [sflag:s15], $0x3E8  }
0x43: {  	[sflag:s15] =	ssyncset.done $0x0  }
0x44: {  	[sflag:s15] =	ssyncadd.s32 $0xFFFFFC18  }
0x45: {  	[tilespmem:s17], [sflag:$0x1] =	stream.indirect.gather [hbm4b:s4+s16], $0x10, s3, s16, $0xb8;
	[tilespmem:$0x130B0] =	vst v63  }
0x46: {  	_ =	swait.ge [sflag:s18], $0x3E80  }
.Ltmp1:
0x47: {  	[sflag:s18] =	ssyncset.done $0x0;
	(pc) =	sbr.rel @p0 .LBB2_4-.Ltmp1, $4  }
0x48: {  	[sflag:s18] =	ssyncadd.s32 $0xFFFFC180  }
0x49: {  	[spmem:s1] =	stream.indirect.scatter.add.f32 [tilespmem:s17], [sflag:$0x2], $0x10, s16, s16, $0xb8;
	[tilespmem:$0x130B0] =	vst v63  }
0x4a: {  	_ =	swait.ge [sflag:s15], $0x3E80  }
0x4b: {  	s23 =	smov.u32 s26;
	[sflag:s15] =	ssyncset.done $0x0  }
0x4c: {  	s23 =	sadd.s32 s22, s13;
	[sflag:s15] =	ssyncadd.s32 $0xFFFFC180  }
0x4d: {  	[tilespmem:s3], [sflag:$0x2] =	stream.linear.gather [hbm4b:s23+s3], $0x3E8, $0x38;
	[tilespmem:$0x130B0] =	vst v63  }
0x4e: {  	_ =	swait.ge [sflag:s15], $0x3E8  }
0x4f: {  	[sflag:s15] =	ssyncset.done $0x0  }
0x50: {  	s31 =	sadd.s32 s22, s12;
	[sflag:s15] =	ssyncadd.s32 $0xFFFFFC18  }
0x51: {  	[tilespmem:s16], [sflag:$0x2] =	stream.linear.gather [hbm4b:s31+s3], $0x3E8, $0x38;
	[tilespmem:$0x130B0] =	vst v63  }
0x52: {  	_ =	swait.ge [sflag:s15], $0x3E8  }
0x53: {  	[sflag:s15] =	ssyncset.done $0x0  }
0x54: {  	[sflag:s15] =	ssyncadd.s32 $0xFFFFFC18  }
0x55: {  	[tilespmem:s17], [sflag:$0x1] =	stream.indirect.gather [hbm4b:s4+s16], $0x10, s3, s16, $0xb8;
	[tilespmem:$0x130B0] =	vst v63  }
0x56: {  	_ =	swait.ge [sflag:s18], $0x3E80  }
0x57: {  	[sflag:s18] =	ssyncset.done $0x0  }
0x58: {  	[sflag:s18] =	ssyncadd.s32 $0xFFFFC180  }
0x59: {  	[spmem:s1] =	stream.indirect.scatter.add.f32 [tilespmem:s17], [sflag:$0x2], $0x10, s16, s16, $0xb8;
	[tilespmem:$0x130B0] =	vst v63  }
0x5a: {  	_ =	swait.ge [sflag:s15], $0x3E80  }
0x5b: {  	s21 =	sadd.s32 $0x1, s21;
	[sflag:s15] =	ssyncset.done $0x0  }
0x5c: {  	p0 =	sne.s32 s21, s10;
	[sflag:s15] =	ssyncadd.s32 $0xFFFFC180  }
.Ltmp2:
0x5d: {  	[bflag:$0x0] =	sbarrier.arrive $0xFFFF;
	(pc) =	sbr.rel @p0 .LBB2_1-.Ltmp2, $4  }
0x5e: {  	[hbm:s11], [sflag:s19] =	dma.local [spmem:s20], $0x186A  }
0x5f: {  	_ =	swait.ge [sflag:s15], $0x186A  }
0x60: {  	[sflag:s15] =	ssyncset.done $0x0  }
0x61: {  	[sflag:s15] =	ssyncadd.s32 $0xFFFFE796  }
0x62: {  	_ =	sfence.sel $0x180000  }
0x63: {  	[bflag:$0x0] =	sbarrier.arrive $0xFFFF  }
0x64: {  	p0 =	sne.s32 s2, $0x0;
	_ =	strace $0x90000050  }
0x65: {  	s0 =	sadd.s32 @!p0 $0x100000, s0;
	[bflag:$0x2] =	sbarrier.arrive $0xFFFF  }
0x66: {  	[sflag:s0] =	ssyncadd.tile.s32 @!p0 $0x1;
	_ =	shalt  }
.Lfunc_end2:
_tile_overlayer_lowered:
.L_overlay_start_2:
0x67: {  	(tag) =	ssettag $0x2  }
0x68: {  	s0 =	rddreg [dreg:$0x0];
	s2 =	stileid.u32  }
0x69: {  	s1 =	rddreg [dreg:$0x1];
	p0 =	sne.s32 s2, $0x0  }
0x6a: {  	s3 =	rddreg [dreg:$0x2];
	[bflag:$0x3] =	sbarrier.arrive $0xFFFF;
	s2 =	simm.s32 @!p0 $0x1C02  }
0x6b: {  	[timem:s3], [sflag:s2] =	dma.local @!p0 [hbm:s0], s1  }
0x6c: {  	s0 =	simm.s32 @!p0 $0x2  }
0x6d: {  	_ =	swait.ge @!p0 [sflag:s0], s1  }
0x6e: {  	s1 =	ssub.s32 @!p0 $0x0, s1;
	[sflag:s0] =	ssyncset.done @!p0 $0x0  }
0x6f: {  	[sflag:s0] =	ssyncadd.s32 @!p0 s1  }
0x70: {  	[bflag:$0x3] =	sbarrier.arrive $0xFFFF  }
0x71: {  	_ =	shalt  }

// kernel: kernel.27.cloned.1.call-start
scs
__scs_entry_jumppad:
0x0: {  	(pc) =	sbr.rel $0x88, $3  }
0x1: {  	(tag) =	ssettag $0x0;
	lr =	simm.s32 $0x1  }
0x2: {  	[smem:$0x3F98] =	sst lr;
	_ =	strace $0xD0000000  }
0x3: {  	_ = 	snop  }
0x4: {  	_ = 	snop  }
0x5: {  	_ = 	snop  }
0x6: {  	_ = 	snop  }
0x7: {  	_ = 	snop  }
__scs_overlays_trampoline_lowered:
0x8: {  	[smem:$0x3FA7] =	sst s0  }
0x9: {  	[smem:$0x3FA8] =	sst s1  }
0xa: {  	[smem:$0x3FA9] =	sst s2  }
0xb: {  	[smem:$0x3FAA] =	sst s3  }
0xc: {  	[smem:$0x3FAB] =	sst s4  }
0xd: {  	[smem:$0x3FAC] =	sst s5  }
0xe: {  	[smem:$0x3FAD] =	sst s6  }
0xf: {  	[smem:$0x3FAE] =	sst s7  }
0x10: {  	[smem:$0x3FAF] =	sst s8  }
0x11: {  	[smem:$0x3FB0] =	sst s9;
	s0 =	simm.s32 @!p0 $0x0  }
0x12: {  	s1 =	sld [smem:$0x3F96];
	s0 =	simm.s32 @p0 $0x1  }
0x13: {  	[smem:$0x3FB1] =	sst s0;
	s0 =	simm.s32 @!p1 $0x0  }
0x14: {  	s2 =	sld [smem:$0x3F95];
	s0 =	simm.s32 @p1 $0x1  }
0x15: {  	[smem:$0x3FB2] =	sst s0;
	s0 =	simm.s32 @!p2 $0x0  }
0x16: {  	s3 =	sld [smem:$0x3FDB];
	s0 =	simm.s32 @p2 $0x1  }
0x17: {  	s4 =	simm.s32 $0x1BF5;
	[smem:$0x3FB4] =	sst s0  }
0x18: {  	s0 =	sld [smem:$0x3F97];
	_ =	swait.ge [sflag:s4], $0x0  }
0x19: {  	s7 =	sld [smem:$0x3F98]  }
0x1a: {  	s8 =	sadd.s32 $0xFFFFE003, lr  }
0x1b: {  	s9 =	sadd.s32 $0xFFFFFEF7, lr;
	s5 =	simm.s32 $0xFFFFFFFF;
	p2 =	slt.u32 s8, $0xFFFFF086  }
0x1c: {  	p1 =	slt.u32 s9, $0xF7A;
	s5 =	simm.s32 @!p2 $0x0  }
0x1d: {  	s5 =	simm.s32 @p1 $0x1;
	p0 =	seq.s32 s7, s2  }
0x1e: {  	s7 =	smul.u32 @!p0 $0xF7A, s2;
	p2 =	seq.s32 @!p0 s5, $0x0  }
0x1f: {  	s9 =	smul.u32 $0xF7A, s1;
	s8 =	simm.s32 @!p0 $0x1BF5;
	p2 =	por !p2, p0  }
0x20: {  	[sflag:s8] =	ssyncset.s32 @!p0 $0xFFFFF086;
	s6 =	sadd.s32 @!p0 s3, s7;
	s7 =	simm.s32 @!p0 $0x108  }
0x21: {  	s3 =	sadd.s32 s3, s9;
	s6 =	sadd.s32 @!p0 $0x88, s6;
	s7 =	simm.s32 @p2 $0x1082  }
0x22: {  	[simem:s7], [sflag:s8] =	dma.local @!p0 [hbm:s6], $0xF7A  }
0x23: {  	s9 =	sor.u32 $0xD0000000, s2;
	s6 =	simm.s32 $0x108;
	_ =	swait.ge @!p0 [sflag:s8], $0x0  }
0x24: {  	s3 =	sadd.s32 $0x88, s3;
	s6 =	simm.s32 @!p1 $0x1082;
	[sflag:s4] =	ssyncset.s32 $0xFFFFF086  }
0x25: {  	[simem:s6], [sflag:s4] =	dma.local [hbm:s3], $0xF7A  }
0x26: {  	[smem:$0x3F98] =	sst s1;
	(tag) =	ssettag s2;
	_ =	strace s9  }
0x27: {  	s1 =	sld [smem:$0x3FA8]  }
0x28: {  	s2 =	sld [smem:$0x3FA9]  }
0x29: {  	s4 =	sld [smem:$0x3FAB]  }
0x2a: {  	p0 =	seq.s32 s5, $0x0;
	s5 =	sld [smem:$0x3FAC]  }
0x2b: {  	s6 =	sld [smem:$0x3FAD]  }
0x2c: {  	s7 =	sld [smem:$0x3FAE]  }
0x2d: {  	s3 =	simm.s32 $0x108;
	s8 =	sld [smem:$0x3FAF]  }
0x2e: {  	s3 =	simm.s32 @!p0 $0x1082;
	s9 =	sld [smem:$0x3FB0]  }
0x2f: {  	lr =	sadd.s32 s0, s3;
	s0 =	sld [smem:$0x3FA7]  }
0x30: {  	s3 =	sld [smem:$0x3FAA]  }
0x31: {  	[smem:$0x3FB3] =	sst s10  }
0x32: {  	s10 =	sld [smem:$0x3FB1];
	_ =	sdelay $0x3  }
0x33: {  	p0 =	seq.s32 s10, $0x1;
	s10 =	sld [smem:$0x3FB3];
	_ =	sdelay $0x3  }
0x34: {  	[smem:$0x3FB3] =	sst s10  }
0x35: {  	s10 =	sld [smem:$0x3FB2];
	_ =	sdelay $0x3  }
0x36: {  	p1 =	seq.s32 s10, $0x1;
	s10 =	sld [smem:$0x3FB3];
	_ =	sdelay $0x3  }
0x37: {  	[smem:$0x3FB3] =	sst s10  }
0x38: {  	s10 =	sld [smem:$0x3FB4]  }
0x39: {  	_ = 	snop;
	(pc) =	sbr.ind lr, $3  }
0x3a: {  	_ = 	snop  }
0x3b: {  	_ = 	snop  }
0x3c: {  	p2 =	seq.s32 s10, $0x1;
	s10 =	sld [smem:$0x3FB3]  }
0x3d: {  	_ =	shalt  }
0x3e: {  	_ =	shalt  }
0x3f: {  	_ =	shalt  }
0x40: {  	_ =	shalt  }
0x41: {  	_ =	shalt  }
0x42: {  	_ =	shalt  }
0x43: {  	_ =	shalt  }
0x44: {  	_ =	shalt  }
0x45: {  	_ =	shalt  }
0x46: {  	_ =	shalt  }
0x47: {  	_ =	shalt  }
0x48: {  	_ =	shalt  }
0x49: {  	_ =	shalt  }
0x4a: {  	_ =	shalt  }
0x4b: {  	_ =	shalt  }
0x4c: {  	_ =	shalt  }
0x4d: {  	_ =	shalt  }
0x4e: {  	_ =	shalt  }
0x4f: {  	_ =	shalt  }
0x50: {  	_ =	shalt  }
0x51: {  	_ =	shalt  }
0x52: {  	_ =	shalt  }
0x53: {  	_ =	shalt  }
0x54: {  	_ =	shalt  }
0x55: {  	_ =	shalt  }
0x56: {  	_ =	shalt  }
0x57: {  	_ =	shalt  }
0x58: {  	_ =	shalt  }
0x59: {  	_ =	shalt  }
0x5a: {  	_ =	shalt  }
0x5b: {  	_ =	shalt  }
0x5c: {  	_ =	shalt  }
0x5d: {  	_ =	shalt  }
0x5e: {  	_ =	shalt  }
0x5f: {  	_ =	shalt  }
0x60: {  	_ =	shalt  }
0x61: {  	_ =	shalt  }
0x62: {  	_ =	shalt  }
0x63: {  	_ =	shalt  }
0x64: {  	_ =	shalt  }
0x65: {  	_ =	shalt  }
0x66: {  	_ =	shalt  }
0x67: {  	_ =	shalt  }
0x68: {  	_ =	shalt  }
0x69: {  	_ =	shalt  }
0x6a: {  	_ =	shalt  }
0x6b: {  	_ =	shalt  }
0x6c: {  	_ =	shalt  }
0x6d: {  	_ =	shalt  }
0x6e: {  	_ =	shalt  }
0x6f: {  	_ =	shalt  }
0x70: {  	_ =	shalt  }
0x71: {  	_ =	shalt  }
0x72: {  	_ =	shalt  }
0x73: {  	_ =	shalt  }
0x74: {  	_ =	shalt  }
0x75: {  	_ =	shalt  }
0x76: {  	_ =	shalt  }
0x77: {  	_ =	shalt  }
0x78: {  	_ =	shalt  }
0x79: {  	_ =	shalt  }
0x7a: {  	_ =	shalt  }
0x7b: {  	_ =	shalt  }
0x7c: {  	_ =	shalt  }
0x7d: {  	_ =	shalt  }
0x7e: {  	_ =	shalt  }
0x7f: {  	_ =	shalt  }
0x80: {  	_ =	shalt  }
0x81: {  	_ =	shalt  }
0x82: {  	_ =	shalt  }
0x83: {  	_ =	shalt  }
0x84: {  	_ =	shalt  }
0x85: {  	_ =	shalt  }
0x86: {  	_ =	shalt  }
0x87: {  	_ =	shalt  }
.Lfunc_end0:
.L_simem_size_0:
called_computation.5_lowered:
.L_overlay_start_0:
0x88: {  	s2 =	sld [smem:$0x3FD9]  }
0x89: {  	s3 =	sld [smem:$0x3FFE];
	_ =	sdelay $0x1  }
0x8a: {  	s1 =	srdreg.scid  }
0x8b: {  	s0 =	sand.u32 $0x1, s1  }
0x8c: {  	s16 =	sshll.u32 s0, $0xA;
	s2 =	sadd.s32 s3, s2  }
0x8d: {  	s2 =	sadd.s32 s2, s16  }
0x8e: {  	[smem:$0x3FBF] =	sst s2  }
0x8f: {  	_ = 	snop  }
0x90: {  	(tm) =	ssettm $0x1  }
0x91: {  	s17 =	sld [smem:$0x3FFB];
	_ =	sdelay $0x3  }
0x92: {  	_ =	strace s17  }
0x93: {  	s2 =	sld [smem:$0x3FFC];
	_ =	sdelay $0x3  }
0x94: {  	_ =	strace s2  }
0x95: {  	s2 =	sld [smem:$0x3FFD];
	_ =	sdelay $0x3  }
0x96: {  	_ =	strace s2  }
0x97: {  	_ =	strace $0x8FFFFFFF  }
0x98: {  	s18 =	sld [smem:$0x3FDB];
	_ =	sdelay $0x1  }
0x99: {  	s19 =	simm.s32 $_scs_section_size  }
0x9a: {  	s4 =	simm.s32 $_size__tile_overlayer_lowered;
	s5 =	simm.s32 $_tile_overlayer_lowered  }
0x9b: {  	s22 =	simm.s32 $0x1BFF;
	s21 =	sshll.u32 s5, $0x1;
	s2 =	sadd.s32 s19, s18  }
0x9c: {  	s6 =	simm.s32 $0x0;
	s20 =	sshll.u32 s4, $0x1;
	s4 =	sadd.s32 s21, s2  }
0x9d: {  	[timem:s6], [sflag:s22] =	dma.local [hbm:s4], s20  }
0x9e: {  	_ =	swait.ge [sflag:s22], s20  }
0x9f: {  	s3 =	ssub.s32 $0x0, s20;
	[sflag:s22] =	ssyncset.done $0x0  }
0xa0: {  	[sflag:s22] =	ssyncadd.s32 s3;
	_ =	sdelay $0x1  }
0xa1: {  	s23 =	simm.s32 $0x1B8B  }
0xa2: {  	_ =	swait.ge [sflag:s23], $0x1  }
0xa3: {  	[sflag:s23] =	ssyncset.done $0x0  }
0xa4: {  	s25 =	simm.s32 $0x1B8E;
	s24 =	sld [smem:$0x3FFE];
	[sflag:s23] =	ssyncadd.s32 $0xFFFFFFFF  }
0xa5: {  	s26 =	simm.s32 $execute0_lowered;
	[smem:$0x3FD2] =	sst s25  }
0xa6: {  	s4 =	sshll.u32 s26, $0x1;
	_ =	strace $0x80000055;
	[dreg:$0x1] =	wrdreg $0xFFFFFFFF  }
0xa7: {  	s28 =	simm.s32 $_size_execute0_lowered;
	s2 =	sadd.s32 s2, s4;
	[dreg:$0x0] =	wrdreg $0x0  }
0xa8: {  	s4 =	sshll.u32 s28, $0x1;
	[dreg:$0x2] =	wrdreg s2  }
0xa9: {  	[dreg:$0x3] =	wrdreg s4  }
0xaa: {  	[dreg:$0x4] =	wrdreg $0xC0  }
0xab: {  	_ =	task [dreg:s6], $0x5FFFF  }
0xac: {  	[dreg:$0x1] =	wrdreg $0xFFFFFFFF  }
0xad: {  	[dreg:$0x0] =	wrdreg $0x60  }
0xae: {  	[dreg:$0x2] =	wrdreg s24  }
0xaf: {  	[dreg:$0x3] =	wrdreg $0x6D600  }
0xb0: {  	[dreg:$0x4] =	wrdreg $0x9  }
0xb1: {  	_ =	task.clear_ibuf [dreg:s6], $0x5FFFF;
	_ =	strace $0x90000055  }
0xb2: {  	s29 =	simm.s32 $0x9;
	_ =	strace $0x80000057  }
0xb3: {  	_ =	swait.ge [sflag:s29], $0x1  }
0xb4: {  	[sflag:s29] =	ssyncadd.s32 $0xFFFFFFFF  }
0xb5: {  	_ =	strace $0x90000057  }
0xb6: {  	_ =	sfence  }
0xb7: {  	s30 =	sld [smem:$0x0];
	_ =	sdelay $0x2  }
0xb8: {  	s31 =	sshll.u32 s1, $0xD;
	s1 =	sshrl.u32 s1, $0x2  }
0xb9: {  	s3 =	sand.u32 $0x4000, s31;
	s1 =	sadd.s32 s1, s30  }
0xba: {  	s0 =	sor.u32 s3, s0;
	s1 =	sshll.u32 s1, $0x11  }
0xbb: {  	s0 =	sor.u32 s1, s0  }
0xbc: {  	s0 =	sadd.s32 $0x8F2B, s0  }
0xbd: {  	[sflag:s0] =	ssyncadd.remote.s32 $0x1  }
0xbe: {  	_ =	sfence.sel $0xFFFF  }
0xbf: {  	[dreg:$0x0] =	wrdreg $0xFFFFFFFF;
	(pc) =	sbr.abs _section_cstart, $3  }
0xc0: {  	[dreg:$0x1] =	wrdreg $0xFFFFFFFF  }
0xc1: {  	_ =	task.clear_ibuf [dreg:s6], $0x2FFFF;
	_ =	strace $0x9FFFFFFF  }
0xc2: {  	(tm) =	ssettm $0x7FFFFFFF  }
0xc3: {  	_ =	shalt  }
tec
execute0_lowered:
.L_overlay_start_1:
0x0: {  	(tag) =	ssettag $0x1  }
0x1: {  	s6 =	rddreg [dreg:$0x0]  }
0x2: {  	s1 =	rddreg [dreg:$0x1]  }
0x3: {  	s0 =	rddreg [dreg:$0x2];
	s3 =	simm.s32 $0x0;
	s2 =	stileid.u32  }
0x4: {  	s5 =	srdreg.scid;
	s15 =	simm.s32 $0x2;
	s16 =	simm.s32 $0x3E8  }
0x5: {  	s17 =	simm.s32 $0x7D0;
	s18 =	simm.s32 $0x1;
	s21 =	simm.s32 $0x0  }
0x6: {  	[smem:$0x7FF] =	sst s3;
	s4 =	sadd.s32 $0x420600, s6;
	s7 =	smul.u32 $0xC350, s2  }
0x7: {  	s8 =	sand.u32 $0x1, s5;
	s11 =	sadd.s32 $0x407E00, s6;
	s9 =	smul.u32 $0x186A, s2  }
0x8: {  	s12 =	smul.u32 $0x30D40, s2;
	s19 =	sshll.u32 s2, $0x6;
	_ =	strace $0x80000056  }
0x9: {  	p0 =	seq.s32 s8, $0x1;
	s8 =	ssub.s32 $0x2, s8;
	s19 =	sor.u32 $0x1C02, s19  }
0xa: {  	s10 =	sadd.s32 $0xC3500, s7;
	s5 =	sadd.s32 s7, s1;
	s13 =	sadd.s32 s9, s6  }
0xb: {  	s28 =	sshrl.u32 s8, $0x1;
	s29 =	sshrl.u32 s12, $0x2;
	s4 =	smov.u32 @p0 s11  }
0xc: {  	s7 =	smov.u32 @p0 s10;
	s14 =	ssub.s32 s8, s28;
	s31 =	sadd.s32 s29, s1  }
0xd: {  	s12 =	sadd.s32 $0x1EA00, s13;
	s13 =	sadd.s32 $0x6200, s13;
	s20 =	sshrl.u32 s5, $0x3  }
0xe: {  	s7 =	sshrl.u32 s7, $0x3;
	s8 =	sadd.s32 $0x7530, s31;
	s9 =	sadd.s32 $0x9C40, s31  }
0xf: {  	s10 =	smax.u32 s14, $0x1;
	s14 =	simm.s32 $0x4650;
	s30 =	sadd.s32 s7, s6  }
0x10: {  	v0 =	vimm.f32 $0.0e+00;
	s6 =	sadd.s32 $0x2710, s31;
	s7 =	sadd.s32 $0x4E20, s31;
	s11 =	sadd.s32 $0x438E00, s30  }
.LBB2_1:
0x11: {  	s22 =	simm.s32 $0x40;
	s23 =	simm.s32 $0x0  }
.LBB2_2:
0x12: {  	p0 =	sne.s32 s22, $0x9C00;
	[tilespmem:s23+$0x4650] =	vst v0;
	s23 =	smov.u32 s22;
	s22 =	sadd.s32 $0x40, s22  }
.Ltmp0:
0x13: {  	(pc) =	sbr.rel @p0 .LBB2_2-.Ltmp0, $2  }
0x14: {  	_ =	sdelay $0x2  }
0x15: {  	s23 =	sshra.s32 s23, $0x2  }
0x16: {  	[tilespmem:s23+$0x4650] =	vst v0  }
0x17: {  	[spmem:s5] =	stream.linear.scatter [tilespmem:s14], [sflag:$0x2], $0x2710, $0x38;
	[tilespmem:$0x130B0] =	vst v63  }
0x18: {  	_ =	swait.ge [sflag:s15], $0x2710  }
0x19: {  	[sflag:s15] =	ssyncset.done $0x0  }
0x1a: {  	[sflag:s15] =	ssyncadd.s32 $0xFFFFD8F0  }
0x1b: {  	[spmem:s6] =	stream.linear.scatter [tilespmem:s14], [sflag:$0x2], $0x2710, $0x38;
	[tilespmem:$0x130B0] =	vst v63  }
0x1c: {  	_ =	swait.ge [sflag:s15], $0x2710  }
0x1d: {  	[sflag:s15] =	ssyncset.done $0x0  }
0x1e: {  	[sflag:s15] =	ssyncadd.s32 $0xFFFFD8F0  }
0x1f: {  	[spmem:s7] =	stream.linear.scatter [tilespmem:s14], [sflag:$0x2], $0x2710, $0x38;
	[tilespmem:$0x130B0] =	vst v63  }
0x20: {  	_ =	swait.ge [sflag:s15], $0x2710  }
0x21: {  	[sflag:s15] =	ssyncset.done $0x0  }
0x22: {  	[sflag:s15] =	ssyncadd.s32 $0xFFFFD8F0  }
0x23: {  	[spmem:s8] =	stream.linear.scatter [tilespmem:s14], [sflag:$0x2], $0x2710, $0x38;
	[tilespmem:$0x130B0] =	vst v63  }
0x24: {  	_ =	swait.ge [sflag:s15], $0x2710  }
0x25: {  	[sflag:s15] =	ssyncset.done $0x0  }
0x26: {  	[sflag:s15] =	ssyncadd.s32 $0xFFFFD8F0  }
0x27: {  	[spmem:s9] =	stream.linear.scatter [tilespmem:s14], [sflag:$0x2], $0x2710, $0x38;
	[tilespmem:$0x130B0] =	vst v63  }
0x28: {  	_ =	swait.ge [sflag:s15], $0x2710  }
0x29: {  	[sflag:s15] =	ssyncset.done $0x0  }
0x2a: {  	[sflag:s15] =	ssyncadd.s32 $0xFFFFD8F0  }
0x2b: {  	s22 =	sadd.s32 $0x0, s13;
	[bflag:$0x0] =	sbarrier.arrive $0xFFFF  }
0x2c: {  	[tilespmem:s3], [sflag:$0x2] =	stream.linear.gather [hbm4b:s22+s3], $0x3E8, $0x38;
	[tilespmem:$0x130B0] =	vst v63  }
0x2d: {  	_ =	swait.ge [sflag:s15], $0x3E8  }
0x2e: {  	[sflag:s15] =	ssyncset.done $0x0  }
0x2f: {  	s31 =	sadd.s32 $0x0, s12;
	[sflag:s15] =	ssyncadd.s32 $0xFFFFFC18  }
0x30: {  	[tilespmem:s16], [sflag:$0x2] =	stream.linear.gather [hbm4b:s31+s3], $0x3E8, $0x38;
	[tilespmem:$0x130B0] =	vst v63  }
0x31: {  	_ =	swait.ge [sflag:s15], $0x3E8  }
0x32: {  	[sflag:s15] =	ssyncset.done $0x0  }
0x33: {  	[sflag:s15] =	ssyncadd.s32 $0xFFFFFC18  }
0x34: {  	[tilespmem:s17], [sflag:$0x1] =	stream.indirect.gather [hbm4b:s4+s16], $0x10, s3, s16, $0xb8;
	[tilespmem:$0x130B0] =	vst v63  }
0x35: {  	_ =	swait.ge [sflag:s18], $0x3E80  }
0x36: {  	[sflag:s18] =	ssyncset.done $0x0  }
0x37: {  	[sflag:s18] =	ssyncadd.s32 $0xFFFFC180  }
0x38: {  	[spmem:s1] =	stream.indirect.scatter.add.f32 [tilespmem:s17], [sflag:$0x2], $0x10, s16, s16, $0xb8;
	[tilespmem:$0x130B0] =	vst v63  }
0x39: {  	_ =	swait.ge [sflag:s15], $0x3E80  }
0x3a: {  	s23 =	simm.s32 $0xFA;
	s22 =	simm.s32 $0x7D;
	[sflag:s15] =	ssyncset.done $0x0  }
.LBB2_4:
0x3b: {  	s24 =	sadd.s32 s22, s13  }
0x3c: {  	[sflag:s15] =	ssyncadd.s32 $0xFFFFC180;
	s25 =	smov.u32 s23;
	s26 =	sadd.s32 $0x7D, s23  }
0x3d: {  	[tilespmem:s3], [sflag:$0x2] =	stream.linear.gather [hbm4b:s24+s3], $0x3E8, $0x38;
	[tilespmem:$0x130B0] =	vst v63  }
0x3e: {  	p0 =	sne.s32 s23, $0x17ED;
	_ =	swait.ge [sflag:s15], $0x3E8  }
0x3f: {  	[sflag:s15] =	ssyncset.done $0x0  }
0x40: {  	s23 =	sadd.s32 s22, s12;
	s22 =	smov.u32 s25;
	[sflag:s15] =	ssyncadd.s32 $0xFFFFFC18  }
0x41: {  	[tilespmem:s16], [sflag:$0x2] =	stream.linear.gather [hbm4b:s23+s3], $0x3E8, $0x38;
	[tilespmem:$0x130B0] =	vst v63  }
0x42: {  	_ =	swait.ge [sflag:s15], $0x3E8  }
0x43: {  	[sflag:s15] =	ssyncset.done $0x0  }
0x44: {  	[sflag:s15] =	ssyncadd.s32 $0xFFFFFC18  }
0x45: {  	[tilespmem:s17], [sflag:$0x1] =	stream.indirect.gather [hbm4b:s4+s16], $0x10, s3, s16, $0xb8;
	[tilespmem:$0x130B0] =	vst v63  }
0x46: {  	_ =	swait.ge [sflag:s18], $0x3E80  }
.Ltmp1:
0x47: {  	[sflag:s18] =	ssyncset.done $0x0;
	(pc) =	sbr.rel @p0 .LBB2_4-.Ltmp1, $4  }
0x48: {  	[sflag:s18] =	ssyncadd.s32 $0xFFFFC180  }
0x49: {  	[spmem:s1] =	stream.indirect.scatter.add.f32 [tilespmem:s17], [sflag:$0x2], $0x10, s16, s16, $0xb8;
	[tilespmem:$0x130B0] =	vst v63  }
0x4a: {  	_ =	swait.ge [sflag:s15], $0x3E80  }
0x4b: {  	s23 =	smov.u32 s26;
	[sflag:s15] =	ssyncset.done $0x0  }
0x4c: {  	s23 =	sadd.s32 s22, s13;
	[sflag:s15] =	ssyncadd.s32 $0xFFFFC180  }
0x4d: {  	[tilespmem:s3], [sflag:$0x2] =	stream.linear.gather [hbm4b:s23+s3], $0x3E8, $0x38;
	[tilespmem:$0x130B0] =	vst v63  }
0x4e: {  	_ =	swait.ge [sflag:s15], $0x3E8  }
0x4f: {  	[sflag:s15] =	ssyncset.done $0x0  }
0x50: {  	s31 =	sadd.s32 s22, s12;
	[sflag:s15] =	ssyncadd.s32 $0xFFFFFC18  }
0x51: {  	[tilespmem:s16], [sflag:$0x2] =	stream.linear.gather [hbm4b:s31+s3], $0x3E8, $0x38;
	[tilespmem:$0x130B0] =	vst v63  }
0x52: {  	_ =	swait.ge [sflag:s15], $0x3E8  }
0x53: {  	[sflag:s15] =	ssyncset.done $0x0  }
0x54: {  	[sflag:s15] =	ssyncadd.s32 $0xFFFFFC18  }
0x55: {  	[tilespmem:s17], [sflag:$0x1] =	stream.indirect.gather [hbm4b:s4+s16], $0x10, s3, s16, $0xb8;
	[tilespmem:$0x130B0] =	vst v63  }
0x56: {  	_ =	swait.ge [sflag:s18], $0x3E80  }
0x57: {  	[sflag:s18] =	ssyncset.done $0x0  }
0x58: {  	[sflag:s18] =	ssyncadd.s32 $0xFFFFC180  }
0x59: {  	[spmem:s1] =	stream.indirect.scatter.add.f32 [tilespmem:s17], [sflag:$0x2], $0x10, s16, s16, $0xb8;
	[tilespmem:$0x130B0] =	vst v63  }
0x5a: {  	_ =	swait.ge [sflag:s15], $0x3E80  }
0x5b: {  	s21 =	sadd.s32 $0x1, s21;
	[sflag:s15] =	ssyncset.done $0x0  }
0x5c: {  	p0 =	sne.s32 s21, s10;
	[sflag:s15] =	ssyncadd.s32 $0xFFFFC180  }
.Ltmp2:
0x5d: {  	[bflag:$0x0] =	sbarrier.arrive $0xFFFF;
	(pc) =	sbr.rel @p0 .LBB2_1-.Ltmp2, $4  }
0x5e: {  	[hbm:s11], [sflag:s19] =	dma.local [spmem:s20], $0x186A  }
0x5f: {  	_ =	swait.ge [sflag:s15], $0x186A  }
0x60: {  	[sflag:s15] =	ssyncset.done $0x0  }
0x61: {  	[sflag:s15] =	ssyncadd.s32 $0xFFFFE796  }
0x62: {  	_ =	sfence.sel $0x180000  }
0x63: {  	[bflag:$0x0] =	sbarrier.arrive $0xFFFF  }
0x64: {  	p0 =	sne.s32 s2, $0x0;
	_ =	strace $0x90000056  }
0x65: {  	s0 =	sadd.s32 @!p0 $0x100000, s0;
	[bflag:$0x2] =	sbarrier.arrive $0xFFFF  }
0x66: {  	[sflag:s0] =	ssyncadd.tile.s32 @!p0 $0x1;
	_ =	shalt  }
.Lfunc_end2:
_tile_overlayer_lowered:
.L_overlay_start_2:
0x67: {  	(tag) =	ssettag $0x2  }
0x68: {  	s0 =	rddreg [dreg:$0x0];
	s2 =	stileid.u32  }
0x69: {  	s1 =	rddreg [dreg:$0x1];
	p0 =	sne.s32 s2, $0x0  }
0x6a: {  	s3 =	rddreg [dreg:$0x2];
	[bflag:$0x3] =	sbarrier.arrive $0xFFFF;
	s2 =	simm.s32 @!p0 $0x1C02  }
0x6b: {  	[timem:s3], [sflag:s2] =	dma.local @!p0 [hbm:s0], s1  }
0x6c: {  	s0 =	simm.s32 @!p0 $0x2  }
0x6d: {  	_ =	swait.ge @!p0 [sflag:s0], s1  }
0x6e: {  	s1 =	ssub.s32 @!p0 $0x0, s1;
	[sflag:s0] =	ssyncset.done @!p0 $0x0  }
0x6f: {  	[sflag:s0] =	ssyncadd.s32 @!p0 s1  }
0x70: {  	[bflag:$0x3] =	sbarrier.arrive $0xFFFF  }
0x71: {  	_ =	shalt  }

</sc_bundles>
